<compile_context>
chip_gen: v7x
topology: tpu7x:2x2x1
jax: 0.10.2.dev20260603
libtpu: 0.0.44.dev20260713+nightly
codegen_flags: <defaults>
</compile_context>

<pallas_src>
import functools

import jax
import jax.numpy as jnp
from jax import lax
from jax.experimental import pallas as pl
from jax.experimental.pallas import tpu as pltpu
from jax.experimental.pallas import tpu_sc as plsc

N_EDGES = 160000
D = 256
D2 = D // 2
LANES = 16

_info = plsc.get_sparse_core_info()
NC = _info.num_cores
NS = _info.num_subcores
NW = NC * NS

B = 48
NBUF = 2
PT = 10080
W0 = 4800
W1 = PT - W0
NB0 = W0 // B
NB1 = W1 // B
N_PAD = NS * PT


def _body(entity_hbm, src_hbm, dst_hbm, typ_hbm, rel_hbm, out_hbm,
          src_v, dst_v, typ_v, s_v, o_v, r_v, out_v, sem):
    c = lax.axis_index("c")
    s = lax.axis_index("s")
    first = jnp.where(c == 0, s * W0, NS * W0 + s * W1)
    npairs = jnp.where(c == 0, NB0 // NBUF, NB1 // NBUF)
    lastoff = (jnp.where(c == 0, NB0, NB1) - 1) * B

    pltpu.sync_copy(src_hbm.at[pl.ds(first, W1)], src_v)
    pltpu.sync_copy(dst_hbm.at[pl.ds(first, W1)], dst_v)
    pltpu.sync_copy(typ_hbm.at[pl.ds(first, W1)], typ_v)

    def start(slot, off):
        pltpu.async_copy(entity_hbm.at[src_v.at[pl.ds(off, B)]],
                         s_v.at[slot], sem.at[slot])
        pltpu.async_copy(entity_hbm.at[dst_v.at[pl.ds(off, B)]],
                         o_v.at[slot], sem.at[slot])
        pltpu.async_copy(rel_hbm.at[typ_v.at[pl.ds(off, B)]],
                         r_v.at[slot], sem.at[slot])

    def drain(slot):
        pltpu.make_async_copy(entity_hbm.at[src_v.at[pl.ds(0, B)]],
                              s_v.at[slot], sem.at[slot]).wait()
        pltpu.make_async_copy(entity_hbm.at[dst_v.at[pl.ds(0, B)]],
                              o_v.at[slot], sem.at[slot]).wait()
        pltpu.make_async_copy(rel_hbm.at[typ_v.at[pl.ds(0, B)]],
                              r_v.at[slot], sem.at[slot]).wait()

    lane = lax.iota(jnp.int32, LANES)
    dnums = lax.GatherDimensionNumbers(
        offset_dims=(), collapsed_slice_dims=(0,), start_index_map=(0,))

    def permute(v, idx):
        return lax.gather(v, idx[:, None], dnums, (1,),
                          mode=lax.GatherScatterMode.PROMISE_IN_BOUNDS)

    def lanesum(v):
        for k in (8, 4, 2, 1):
            v = v + permute(v, lane ^ k)
        return v

    def compute(slot, off):
        sb, ob, rb = s_v.at[slot], o_v.at[slot], r_v.at[slot]

        def group(grp, _):
            def edge(k, res):
                b = grp * LANES + k
                acc = jnp.zeros((LANES,), jnp.float32)
                for j in range(D // LANES):
                    ds = pl.ds(j * LANES, LANES)
                    acc = acc + sb[b, ds] * rb[b, ds] * ob[b, ds]
                return jnp.where(lane == k, lanesum(acc), res)

            res = lax.fori_loop(0, LANES, edge,
                                jnp.zeros((LANES,), jnp.float32))
            out_v[pl.ds(off + grp * LANES, LANES)] = res
            return _

        lax.fori_loop(0, B // LANES, group, None)

    start(0, 0)

    def pair(gg, _):
        g0 = gg * NBUF
        for sl in range(NBUF):
            off = (g0 + sl) * B
            nxt = jnp.minimum(off + B, lastoff)
            start((sl + 1) % NBUF, nxt)
            drain(sl)
            compute(sl, off)
        return _

    lax.fori_loop(0, npairs, pair, None)
    drain(0)

    @pl.when(c == 0)
    def _wb0():
        pltpu.sync_copy(out_v.at[pl.ds(0, W0)], out_hbm.at[pl.ds(first, W0)])

    @pl.when(c == 1)
    def _wb1():
        pltpu.sync_copy(out_v, out_hbm.at[pl.ds(first, W1)])


@jax.jit
def _distmult(entity, src, dst, typ, rel):
    k = functools.partial(
        pl.kernel,
        mesh=plsc.VectorSubcoreMesh(core_axis_name="c", subcore_axis_name="s"),
        out_type=jax.ShapeDtypeStruct((N_PAD,), jnp.float32),
        compiler_params=pltpu.CompilerParams(use_tc_tiling_on_sc=False),
        scratch_types=[
            pltpu.VMEM((W1,), jnp.int32),
            pltpu.VMEM((W1,), jnp.int32),
            pltpu.VMEM((W1,), jnp.int32),
            pltpu.VMEM((NBUF, B, D), jnp.float32),
            pltpu.VMEM((NBUF, B, D), jnp.float32),
            pltpu.VMEM((NBUF, B, D), jnp.float32),
            pltpu.VMEM((W1,), jnp.float32),
            pltpu.SemaphoreType.DMA((NBUF,)),
        ],
    )(_body)
    return k(entity, src, dst, typ, rel)


def kernel(entity, edge, type, relation_embedding):
    pad = N_PAD - N_EDGES
    src = jnp.pad(edge[:, 0].astype(jnp.int32), (0, pad))
    dst = jnp.pad(edge[:, 1].astype(jnp.int32), (0, pad))
    typ = jnp.pad(type.astype(jnp.int32), (0, pad))
    out = _distmult(entity, src, dst, typ, relation_embedding)
    return out[:N_EDGES]

# --- scband reference (transcript-rebuilt; emitter-appended) ---
"""Pipeline reference for scband-distmult-79852031967540 (READ-ONLY COPY).

The authoritative reference and input builder live on the scoring server;
editing this copy changes nothing except your own understanding.
"""

import jax, jax.numpy as jnp
import numpy as np

N_NODES = 10000
N_EDGES = 160000
D = 256
N_REL = 500


def setup_inputs(seed: int = 0) -> dict:
    key = jax.random.key(seed)
    k1, k2, k3, k4 = jax.random.split(key, 4)
    entity = jax.random.normal(k1, (N_NODES, D), dtype=jnp.float32)
    edge = jax.random.randint(k2, (N_EDGES, 2), 0, N_NODES, dtype=jnp.int64)
    type_ = jax.random.randint(k3, (N_EDGES,), 0, N_REL, dtype=jnp.int64)
    # xavier_uniform with gain for relu: gain * sqrt(6/(fan_in+fan_out))
    gain = float(np.sqrt(2.0))
    limit = gain * float(np.sqrt(6.0 / (N_REL + D)))
    relation_embedding = jax.random.uniform(k4, (N_REL, D), dtype=jnp.float32, minval=-limit, maxval=limit)
    return {"entity": entity, "edge": edge, "type": type_, "relation_embedding": relation_embedding}


def reference(entity, edge, type, relation_embedding):
    s = jnp.take(entity, edge[:, 0], axis=0)
    r = jnp.take(relation_embedding, type, axis=0)
    o = jnp.take(entity, edge[:, 1], axis=0)
    return jnp.sum(s * r * o, axis=1)

if __name__ == "__main__":
    import jax
    _d = setup_inputs()
    print(jax.jit(kernel)(*tuple(_d.values())))

</pallas_src>

<mosaic_0001>
#map = affine_map<(d0, d1) -> (0, 0)>
#map1 = affine_map<(d0, d1) -> (0)>
module attributes {stable_mosaic.version = 14 : i64} {
  func.func @_body(%arg0: i32, %arg1: i32, %arg2: memref<10000x256xf32, #tpu.memory_space<hbm>>, %arg3: memref<161280xi32, #tpu.memory_space<hbm>>, %arg4: memref<161280xi32, #tpu.memory_space<hbm>>, %arg5: memref<161280xi32, #tpu.memory_space<hbm>>, %arg6: memref<500x256xf32, #tpu.memory_space<hbm>>, %arg7: memref<161280xf32, #tpu.memory_space<hbm>>, %arg8: memref<5280xi32, #tpu.memory_space<vmem>>, %arg9: memref<5280xi32, #tpu.memory_space<vmem>>, %arg10: memref<5280xi32, #tpu.memory_space<vmem>>, %arg11: memref<2x48x256xf32, #tpu.memory_space<vmem>>, %arg12: memref<2x48x256xf32, #tpu.memory_space<vmem>>, %arg13: memref<2x48x256xf32, #tpu.memory_space<vmem>>, %arg14: memref<5280xf32, #tpu.memory_space<vmem>>, %arg15: memref<2x!tpu.dma_semaphore, #tpu.memory_space<semaphore_mem>>) attributes {dimension_semantics = [#tpu.dimension_semantics<core_parallel>, #tpu.dimension_semantics<subcore_parallel>], iteration_bounds = array<i64: 2, 16>, scalar_prefetch = 0 : i64, scratch_operands = 8 : i64, tpu.core_type = #tpu.core_type<sc_vector_subcore>, window_params = [{transform_indices = #map}, {transform_indices = #map1}, {transform_indices = #map1}, {transform_indices = #map1}, {transform_indices = #map}, {transform_indices = #map1}]} {
    %eq3A = arith.constant 0 : i32
    %eq3A_0 = arith.cmpi eq, %arg0, %eq3A : i32
    %mul3A = arith.constant 4800 : i32
    %mul3A_1 = arith.muli %arg1, %mul3A : i32
    %mul3A_2 = arith.constant 5280 : i32
    %mul3A_3 = arith.muli %arg1, %mul3A_2 : i32
    %add3A = arith.constant 76800 : i32
    %add3A_4 = arith.addi %add3A, %mul3A_3 : i32
    %select_n3A = arith.select %eq3A_0, %mul3A_1, %add3A_4 : i32
    %eq3A_5 = arith.constant 0 : i32
    %eq3A_6 = arith.cmpi eq, %arg0, %eq3A_5 : i32
    %jit3A = arith.constant 50 : i32
    %jit3A_7 = arith.constant 55 : i32
    %select_n3A_8 = arith.select %eq3A_6, %jit3A, %jit3A_7 : i32
    %eq3A_9 = arith.constant 0 : i32
    %eq3A_10 = arith.cmpi eq, %arg0, %eq3A_9 : i32
    %jit3A_11 = arith.constant 100 : i32
    %jit3A_12 = arith.constant 110 : i32
    %select_n3A_13 = arith.select %eq3A_10, %jit3A_11, %jit3A_12 : i32
    %sub3A = arith.constant 1 : i32
    %sub3A_14 = arith.subi %select_n3A_13, %sub3A : i32
    %mul3A_15 = arith.constant 48 : i32
    %mul3A_16 = arith.muli %sub3A_14, %mul3A_15 : i32
    "tpu.region"() ({
      %run_scoped3A = tpu.sem_alloc : memref<!tpu.dma_semaphore, #tpu.memory_space<semaphore_mem>>
      %dma_start3A_109 = tpu.memref_slice %arg3[%select_n3A] : memref<161280xi32, #tpu.memory_space<hbm>> -> memref<5280xi32, #tpu.memory_space<hbm>>
      %dma_start3A_110 = tpu.memref_slice %arg3[%select_n3A] : memref<161280xi32, #tpu.memory_space<hbm>> -> memref<5280xi32, #tpu.memory_space<hbm>>
      tpu.enqueue_dma source(%dma_start3A_110 : memref<5280xi32, #tpu.memory_space<hbm>>) target(%arg8 : memref<5280xi32, #tpu.memory_space<vmem>>) target_semaphore(%run_scoped3A : memref<!tpu.dma_semaphore, #tpu.memory_space<semaphore_mem>>)
      %dma_wait3A_111 = tpu.memref_slice %arg3[%select_n3A] : memref<161280xi32, #tpu.memory_space<hbm>> -> memref<5280xi32, #tpu.memory_space<hbm>>
      %dma_wait3A_112 = tpu.memref_slice %arg3[%select_n3A] : memref<161280xi32, #tpu.memory_space<hbm>> -> memref<5280xi32, #tpu.memory_space<hbm>>
      tpu.wait_dma2 semaphore(%run_scoped3A : memref<!tpu.dma_semaphore, #tpu.memory_space<semaphore_mem>>) src(%dma_wait3A_112 : memref<5280xi32, #tpu.memory_space<hbm>>) dst(%arg8 : memref<5280xi32, #tpu.memory_space<vmem>>)
      tpu.yield
    }) : () -> ()
    "tpu.region"() ({
      %run_scoped3A = tpu.sem_alloc : memref<!tpu.dma_semaphore, #tpu.memory_space<semaphore_mem>>
      %dma_start3A_109 = tpu.memref_slice %arg4[%select_n3A] : memref<161280xi32, #tpu.memory_space<hbm>> -> memref<5280xi32, #tpu.memory_space<hbm>>
      %dma_start3A_110 = tpu.memref_slice %arg4[%select_n3A] : memref<161280xi32, #tpu.memory_space<hbm>> -> memref<5280xi32, #tpu.memory_space<hbm>>
      tpu.enqueue_dma source(%dma_start3A_110 : memref<5280xi32, #tpu.memory_space<hbm>>) target(%arg9 : memref<5280xi32, #tpu.memory_space<vmem>>) target_semaphore(%run_scoped3A : memref<!tpu.dma_semaphore, #tpu.memory_space<semaphore_mem>>)
      %dma_wait3A_111 = tpu.memref_slice %arg4[%select_n3A] : memref<161280xi32, #tpu.memory_space<hbm>> -> memref<5280xi32, #tpu.memory_space<hbm>>
      %dma_wait3A_112 = tpu.memref_slice %arg4[%select_n3A] : memref<161280xi32, #tpu.memory_space<hbm>> -> memref<5280xi32, #tpu.memory_space<hbm>>
      tpu.wait_dma2 semaphore(%run_scoped3A : memref<!tpu.dma_semaphore, #tpu.memory_space<semaphore_mem>>) src(%dma_wait3A_112 : memref<5280xi32, #tpu.memory_space<hbm>>) dst(%arg9 : memref<5280xi32, #tpu.memory_space<vmem>>)
      tpu.yield
    }) : () -> ()
    "tpu.region"() ({
      %run_scoped3A = tpu.sem_alloc : memref<!tpu.dma_semaphore, #tpu.memory_space<semaphore_mem>>
      %dma_start3A_109 = tpu.memref_slice %arg5[%select_n3A] : memref<161280xi32, #tpu.memory_space<hbm>> -> memref<5280xi32, #tpu.memory_space<hbm>>
      %dma_start3A_110 = tpu.memref_slice %arg5[%select_n3A] : memref<161280xi32, #tpu.memory_space<hbm>> -> memref<5280xi32, #tpu.memory_space<hbm>>
      tpu.enqueue_dma source(%dma_start3A_110 : memref<5280xi32, #tpu.memory_space<hbm>>) target(%arg10 : memref<5280xi32, #tpu.memory_space<vmem>>) target_semaphore(%run_scoped3A : memref<!tpu.dma_semaphore, #tpu.memory_space<semaphore_mem>>)
      %dma_wait3A_111 = tpu.memref_slice %arg5[%select_n3A] : memref<161280xi32, #tpu.memory_space<hbm>> -> memref<5280xi32, #tpu.memory_space<hbm>>
      %dma_wait3A_112 = tpu.memref_slice %arg5[%select_n3A] : memref<161280xi32, #tpu.memory_space<hbm>> -> memref<5280xi32, #tpu.memory_space<hbm>>
      tpu.wait_dma2 semaphore(%run_scoped3A : memref<!tpu.dma_semaphore, #tpu.memory_space<semaphore_mem>>) src(%dma_wait3A_112 : memref<5280xi32, #tpu.memory_space<hbm>>) dst(%arg10 : memref<5280xi32, #tpu.memory_space<vmem>>)
      tpu.yield
    }) : () -> ()
    %iota3A = tpu.iota {dimensions = array<i32: 0>} : vector<16xi32>
    %dma_start3A = arith.constant 0 : i32
    %dma_start3A_17 = arith.constant 0 : i32
    %dma_start3A_18 = arith.constant 0 : i32
    %dma_start3A_19 = arith.constant 0 : i32
    %dma_start3A_20 = tpu.memref_slice %arg11[%dma_start3A, %dma_start3A_18, %dma_start3A_19] : memref<2x48x256xf32, #tpu.memory_space<vmem>> -> memref<1x48x256xf32, #tpu.memory_space<vmem>>
    %dma_start3A_21 = tpu.memref_squeeze %dma_start3A_20 : memref<1x48x256xf32, #tpu.memory_space<vmem>> -> memref<48x256xf32, #tpu.memory_space<vmem>>
    %dma_start3A_22 = arith.constant 0 : i32
    %dma_start3A_23 = tpu.memref_slice %arg8[%dma_start3A_22] : memref<5280xi32, #tpu.memory_space<vmem>> -> memref<48xi32, #tpu.memory_space<vmem>>
    %dma_start3A_24 = arith.constant 0 : i32
    %dma_start3A_25 = arith.constant 0 : i32
    %dma_start3A_26 = tpu.memref_slice %arg2[%dma_start3A_24, %dma_start3A_25] : memref<10000x256xf32, #tpu.memory_space<hbm>> -> memref<10000x256xf32, #tpu.memory_space<hbm>>
    %dma_start3A_27 = tpu.memref_slice %arg15[%dma_start3A_17] : memref<2x!tpu.dma_semaphore, #tpu.memory_space<semaphore_mem>> -> memref<1x!tpu.dma_semaphore, #tpu.memory_space<semaphore_mem>>
    %dma_start3A_28 = tpu.memref_squeeze %dma_start3A_27 : memref<1x!tpu.dma_semaphore, #tpu.memory_space<semaphore_mem>> -> memref<!tpu.dma_semaphore, #tpu.memory_space<semaphore_mem>>
    tpu.enqueue_indirect_dma source(%dma_start3A_26 : memref<10000x256xf32, #tpu.memory_space<hbm>>) target(%dma_start3A_21 : memref<48x256xf32, #tpu.memory_space<vmem>>) offsets(%dma_start3A_23 : memref<48xi32, #tpu.memory_space<vmem>>) semaphore(%dma_start3A_28 : memref<!tpu.dma_semaphore, #tpu.memory_space<semaphore_mem>>)
    %dma_start3A_29 = arith.constant 0 : i32
    %dma_start3A_30 = arith.constant 0 : i32
    %dma_start3A_31 = arith.constant 0 : i32
    %dma_start3A_32 = arith.constant 0 : i32
    %dma_start3A_33 = tpu.memref_slice %arg12[%dma_start3A_29, %dma_start3A_31, %dma_start3A_32] : memref<2x48x256xf32, #tpu.memory_space<vmem>> -> memref<1x48x256xf32, #tpu.memory_space<vmem>>
    %dma_start3A_34 = tpu.memref_squeeze %dma_start3A_33 : memref<1x48x256xf32, #tpu.memory_space<vmem>> -> memref<48x256xf32, #tpu.memory_space<vmem>>
    %dma_start3A_35 = arith.constant 0 : i32
    %dma_start3A_36 = tpu.memref_slice %arg9[%dma_start3A_35] : memref<5280xi32, #tpu.memory_space<vmem>> -> memref<48xi32, #tpu.memory_space<vmem>>
    %dma_start3A_37 = arith.constant 0 : i32
    %dma_start3A_38 = arith.constant 0 : i32
    %dma_start3A_39 = tpu.memref_slice %arg2[%dma_start3A_37, %dma_start3A_38] : memref<10000x256xf32, #tpu.memory_space<hbm>> -> memref<10000x256xf32, #tpu.memory_space<hbm>>
    %dma_start3A_40 = tpu.memref_slice %arg15[%dma_start3A_30] : memref<2x!tpu.dma_semaphore, #tpu.memory_space<semaphore_mem>> -> memref<1x!tpu.dma_semaphore, #tpu.memory_space<semaphore_mem>>
    %dma_start3A_41 = tpu.memref_squeeze %dma_start3A_40 : memref<1x!tpu.dma_semaphore, #tpu.memory_space<semaphore_mem>> -> memref<!tpu.dma_semaphore, #tpu.memory_space<semaphore_mem>>
    tpu.enqueue_indirect_dma source(%dma_start3A_39 : memref<10000x256xf32, #tpu.memory_space<hbm>>) target(%dma_start3A_34 : memref<48x256xf32, #tpu.memory_space<vmem>>) offsets(%dma_start3A_36 : memref<48xi32, #tpu.memory_space<vmem>>) semaphore(%dma_start3A_41 : memref<!tpu.dma_semaphore, #tpu.memory_space<semaphore_mem>>)
    %dma_start3A_42 = arith.constant 0 : i32
    %dma_start3A_43 = arith.constant 0 : i32
    %dma_start3A_44 = arith.constant 0 : i32
    %dma_start3A_45 = arith.constant 0 : i32
    %dma_start3A_46 = tpu.memref_slice %arg13[%dma_start3A_42, %dma_start3A_44, %dma_start3A_45] : memref<2x48x256xf32, #tpu.memory_space<vmem>> -> memref<1x48x256xf32, #tpu.memory_space<vmem>>
    %dma_start3A_47 = tpu.memref_squeeze %dma_start3A_46 : memref<1x48x256xf32, #tpu.memory_space<vmem>> -> memref<48x256xf32, #tpu.memory_space<vmem>>
    %dma_start3A_48 = arith.constant 0 : i32
    %dma_start3A_49 = tpu.memref_slice %arg10[%dma_start3A_48] : memref<5280xi32, #tpu.memory_space<vmem>> -> memref<48xi32, #tpu.memory_space<vmem>>
    %dma_start3A_50 = arith.constant 0 : i32
    %dma_start3A_51 = arith.constant 0 : i32
    %dma_start3A_52 = tpu.memref_slice %arg6[%dma_start3A_50, %dma_start3A_51] : memref<500x256xf32, #tpu.memory_space<hbm>> -> memref<500x256xf32, #tpu.memory_space<hbm>>
    %dma_start3A_53 = tpu.memref_slice %arg15[%dma_start3A_43] : memref<2x!tpu.dma_semaphore, #tpu.memory_space<semaphore_mem>> -> memref<1x!tpu.dma_semaphore, #tpu.memory_space<semaphore_mem>>
    %dma_start3A_54 = tpu.memref_squeeze %dma_start3A_53 : memref<1x!tpu.dma_semaphore, #tpu.memory_space<semaphore_mem>> -> memref<!tpu.dma_semaphore, #tpu.memory_space<semaphore_mem>>
    tpu.enqueue_indirect_dma source(%dma_start3A_52 : memref<500x256xf32, #tpu.memory_space<hbm>>) target(%dma_start3A_47 : memref<48x256xf32, #tpu.memory_space<vmem>>) offsets(%dma_start3A_49 : memref<48xi32, #tpu.memory_space<vmem>>) semaphore(%dma_start3A_54 : memref<!tpu.dma_semaphore, #tpu.memory_space<semaphore_mem>>)
    %while3A = arith.constant 0 : i32
    %while3A_55 = arith.subi %select_n3A_8, %while3A : i32
    %while3A_56 = arith.addi %while3A, %while3A_55 : i32
    %while3A_57 = arith.constant 1 : i32
    %while3A_58 = arith.divsi %while3A_55, %while3A_57 : i32
    %while3A_59 = arith.muli %while3A_58, %while3A_57 : i32
    %while3A_60 = arith.addi %while3A, %while3A_59 : i32
    %while3A_61 = arith.constant 1 : i32
    scf.for %while3A_109 = %while3A to %while3A_60 step %while3A_61  : i32 {
      %mul3A_110 = arith.constant 2 : i32
      %mul3A_111 = arith.muli %while3A_109, %mul3A_110 : i32
      %add3A_112 = arith.constant 0 : i32
      %add3A_113 = arith.addi %mul3A_111, %add3A_112 : i32
      %mul3A_114 = arith.constant 48 : i32
      %mul3A_115 = arith.muli %add3A_113, %mul3A_114 : i32
      %add3A_116 = arith.constant 48 : i32
      %add3A_117 = arith.addi %mul3A_115, %add3A_116 : i32
      %min3A = arith.minsi %add3A_117, %mul3A_16 : i32
      %dma_start3A_118 = arith.constant 1 : i32
      %dma_start3A_119 = arith.constant 1 : i32
      %dma_start3A_120 = arith.constant 0 : i32
      %dma_start3A_121 = arith.constant 0 : i32
      %dma_start3A_122 = tpu.memref_slice %arg11[%dma_start3A_118, %dma_start3A_120, %dma_start3A_121] : memref<2x48x256xf32, #tpu.memory_space<vmem>> -> memref<1x48x256xf32, #tpu.memory_space<vmem>>
      %dma_start3A_123 = tpu.memref_squeeze %dma_start3A_122 : memref<1x48x256xf32, #tpu.memory_space<vmem>> -> memref<48x256xf32, #tpu.memory_space<vmem>>
      %dma_start3A_124 = tpu.memref_slice %arg8[%min3A] : memref<5280xi32, #tpu.memory_space<vmem>> -> memref<48xi32, #tpu.memory_space<vmem>>
      %dma_start3A_125 = arith.constant 0 : i32
      %dma_start3A_126 = arith.constant 0 : i32
      %dma_start3A_127 = tpu.memref_slice %arg2[%dma_start3A_125, %dma_start3A_126] : memref<10000x256xf32, #tpu.memory_space<hbm>> -> memref<10000x256xf32, #tpu.memory_space<hbm>>
      %dma_start3A_128 = tpu.memref_slice %arg15[%dma_start3A_119] : memref<2x!tpu.dma_semaphore, #tpu.memory_space<semaphore_mem>> -> memref<1x!tpu.dma_semaphore, #tpu.memory_space<semaphore_mem>>
      %dma_start3A_129 = tpu.memref_squeeze %dma_start3A_128 : memref<1x!tpu.dma_semaphore, #tpu.memory_space<semaphore_mem>> -> memref<!tpu.dma_semaphore, #tpu.memory_space<semaphore_mem>>
      tpu.enqueue_indirect_dma source(%dma_start3A_127 : memref<10000x256xf32, #tpu.memory_space<hbm>>) target(%dma_start3A_123 : memref<48x256xf32, #tpu.memory_space<vmem>>) offsets(%dma_start3A_124 : memref<48xi32, #tpu.memory_space<vmem>>) semaphore(%dma_start3A_129 : memref<!tpu.dma_semaphore, #tpu.memory_space<semaphore_mem>>)
      %dma_start3A_130 = arith.constant 1 : i32
      %dma_start3A_131 = arith.constant 1 : i32
      %dma_start3A_132 = arith.constant 0 : i32
      %dma_start3A_133 = arith.constant 0 : i32
      %dma_start3A_134 = tpu.memref_slice %arg12[%dma_start3A_130, %dma_start3A_132, %dma_start3A_133] : memref<2x48x256xf32, #tpu.memory_space<vmem>> -> memref<1x48x256xf32, #tpu.memory_space<vmem>>
      %dma_start3A_135 = tpu.memref_squeeze %dma_start3A_134 : memref<1x48x256xf32, #tpu.memory_space<vmem>> -> memref<48x256xf32, #tpu.memory_space<vmem>>
      %dma_start3A_136 = tpu.memref_slice %arg9[%min3A] : memref<5280xi32, #tpu.memory_space<vmem>> -> memref<48xi32, #tpu.memory_space<vmem>>
      %dma_start3A_137 = arith.constant 0 : i32
      %dma_start3A_138 = arith.constant 0 : i32
      %dma_start3A_139 = tpu.memref_slice %arg2[%dma_start3A_137, %dma_start3A_138] : memref<10000x256xf32, #tpu.memory_space<hbm>> -> memref<10000x256xf32, #tpu.memory_space<hbm>>
      %dma_start3A_140 = tpu.memref_slice %arg15[%dma_start3A_131] : memref<2x!tpu.dma_semaphore, #tpu.memory_space<semaphore_mem>> -> memref<1x!tpu.dma_semaphore, #tpu.memory_space<semaphore_mem>>
      %dma_start3A_141 = tpu.memref_squeeze %dma_start3A_140 : memref<1x!tpu.dma_semaphore, #tpu.memory_space<semaphore_mem>> -> memref<!tpu.dma_semaphore, #tpu.memory_space<semaphore_mem>>
      tpu.enqueue_indirect_dma source(%dma_start3A_139 : memref<10000x256xf32, #tpu.memory_space<hbm>>) target(%dma_start3A_135 : memref<48x256xf32, #tpu.memory_space<vmem>>) offsets(%dma_start3A_136 : memref<48xi32, #tpu.memory_space<vmem>>) semaphore(%dma_start3A_141 : memref<!tpu.dma_semaphore, #tpu.memory_space<semaphore_mem>>)
      %dma_start3A_142 = arith.constant 1 : i32
      %dma_start3A_143 = arith.constant 1 : i32
      %dma_start3A_144 = arith.constant 0 : i32
      %dma_start3A_145 = arith.constant 0 : i32
      %dma_start3A_146 = tpu.memref_slice %arg13[%dma_start3A_142, %dma_start3A_144, %dma_start3A_145] : memref<2x48x256xf32, #tpu.memory_space<vmem>> -> memref<1x48x256xf32, #tpu.memory_space<vmem>>
      %dma_start3A_147 = tpu.memref_squeeze %dma_start3A_146 : memref<1x48x256xf32, #tpu.memory_space<vmem>> -> memref<48x256xf32, #tpu.memory_space<vmem>>
      %dma_start3A_148 = tpu.memref_slice %arg10[%min3A] : memref<5280xi32, #tpu.memory_space<vmem>> -> memref<48xi32, #tpu.memory_space<vmem>>
      %dma_start3A_149 = arith.constant 0 : i32
      %dma_start3A_150 = arith.constant 0 : i32
      %dma_start3A_151 = tpu.memref_slice %arg6[%dma_start3A_149, %dma_start3A_150] : memref<500x256xf32, #tpu.memory_space<hbm>> -> memref<500x256xf32, #tpu.memory_space<hbm>>
      %dma_start3A_152 = tpu.memref_slice %arg15[%dma_start3A_143] : memref<2x!tpu.dma_semaphore, #tpu.memory_space<semaphore_mem>> -> memref<1x!tpu.dma_semaphore, #tpu.memory_space<semaphore_mem>>
      %dma_start3A_153 = tpu.memref_squeeze %dma_start3A_152 : memref<1x!tpu.dma_semaphore, #tpu.memory_space<semaphore_mem>> -> memref<!tpu.dma_semaphore, #tpu.memory_space<semaphore_mem>>
      tpu.enqueue_indirect_dma source(%dma_start3A_151 : memref<500x256xf32, #tpu.memory_space<hbm>>) target(%dma_start3A_147 : memref<48x256xf32, #tpu.memory_space<vmem>>) offsets(%dma_start3A_148 : memref<48xi32, #tpu.memory_space<vmem>>) semaphore(%dma_start3A_153 : memref<!tpu.dma_semaphore, #tpu.memory_space<semaphore_mem>>)
      %dma_wait3A_154 = arith.constant 0 : i32
      %dma_wait3A_155 = arith.constant 0 : i32
      %dma_wait3A_156 = arith.constant 0 : i32
      %dma_wait3A_157 = arith.constant 0 : i32
      %dma_wait3A_158 = tpu.memref_slice %arg11[%dma_wait3A_154, %dma_wait3A_156, %dma_wait3A_157] : memref<2x48x256xf32, #tpu.memory_space<vmem>> -> memref<1x48x256xf32, #tpu.memory_space<vmem>>
      %dma_wait3A_159 = tpu.memref_squeeze %dma_wait3A_158 : memref<1x48x256xf32, #tpu.memory_space<vmem>> -> memref<48x256xf32, #tpu.memory_space<vmem>>
      %dma_wait3A_160 = arith.constant 0 : i32
      %dma_wait3A_161 = tpu.memref_slice %arg8[%dma_wait3A_160] : memref<5280xi32, #tpu.memory_space<vmem>> -> memref<48xi32, #tpu.memory_space<vmem>>
      %dma_wait3A_162 = arith.constant 0 : i32
      %dma_wait3A_163 = arith.constant 0 : i32
      %dma_wait3A_164 = tpu.memref_slice %arg2[%dma_wait3A_162, %dma_wait3A_163] : memref<10000x256xf32, #tpu.memory_space<hbm>> -> memref<10000x256xf32, #tpu.memory_space<hbm>>
      %dma_wait3A_165 = tpu.memref_slice %arg15[%dma_wait3A_155] : memref<2x!tpu.dma_semaphore, #tpu.memory_space<semaphore_mem>> -> memref<1x!tpu.dma_semaphore, #tpu.memory_space<semaphore_mem>>
      %dma_wait3A_166 = tpu.memref_squeeze %dma_wait3A_165 : memref<1x!tpu.dma_semaphore, #tpu.memory_space<semaphore_mem>> -> memref<!tpu.dma_semaphore, #tpu.memory_space<semaphore_mem>>
      tpu.wait_indirect_dma semaphore(%dma_wait3A_166 : memref<!tpu.dma_semaphore, #tpu.memory_space<semaphore_mem>>) src(%dma_wait3A_164 : memref<10000x256xf32, #tpu.memory_space<hbm>>) dst(%dma_wait3A_159 : memref<48x256xf32, #tpu.memory_space<vmem>>)
      %dma_wait3A_167 = arith.constant 0 : i32
      %dma_wait3A_168 = arith.constant 0 : i32
      %dma_wait3A_169 = arith.constant 0 : i32
      %dma_wait3A_170 = arith.constant 0 : i32
      %dma_wait3A_171 = tpu.memref_slice %arg12[%dma_wait3A_167, %dma_wait3A_169, %dma_wait3A_170] : memref<2x48x256xf32, #tpu.memory_space<vmem>> -> memref<1x48x256xf32, #tpu.memory_space<vmem>>
      %dma_wait3A_172 = tpu.memref_squeeze %dma_wait3A_171 : memref<1x48x256xf32, #tpu.memory_space<vmem>> -> memref<48x256xf32, #tpu.memory_space<vmem>>
      %dma_wait3A_173 = arith.constant 0 : i32
      %dma_wait3A_174 = tpu.memref_slice %arg9[%dma_wait3A_173] : memref<5280xi32, #tpu.memory_space<vmem>> -> memref<48xi32, #tpu.memory_space<vmem>>
      %dma_wait3A_175 = arith.constant 0 : i32
      %dma_wait3A_176 = arith.constant 0 : i32
      %dma_wait3A_177 = tpu.memref_slice %arg2[%dma_wait3A_175, %dma_wait3A_176] : memref<10000x256xf32, #tpu.memory_space<hbm>> -> memref<10000x256xf32, #tpu.memory_space<hbm>>
      %dma_wait3A_178 = tpu.memref_slice %arg15[%dma_wait3A_168] : memref<2x!tpu.dma_semaphore, #tpu.memory_space<semaphore_mem>> -> memref<1x!tpu.dma_semaphore, #tpu.memory_space<semaphore_mem>>
      %dma_wait3A_179 = tpu.memref_squeeze %dma_wait3A_178 : memref<1x!tpu.dma_semaphore, #tpu.memory_space<semaphore_mem>> -> memref<!tpu.dma_semaphore, #tpu.memory_space<semaphore_mem>>
      tpu.wait_indirect_dma semaphore(%dma_wait3A_179 : memref<!tpu.dma_semaphore, #tpu.memory_space<semaphore_mem>>) src(%dma_wait3A_177 : memref<10000x256xf32, #tpu.memory_space<hbm>>) dst(%dma_wait3A_172 : memref<48x256xf32, #tpu.memory_space<vmem>>)
      %dma_wait3A_180 = arith.constant 0 : i32
      %dma_wait3A_181 = arith.constant 0 : i32
      %dma_wait3A_182 = arith.constant 0 : i32
      %dma_wait3A_183 = arith.constant 0 : i32
      %dma_wait3A_184 = tpu.memref_slice %arg13[%dma_wait3A_180, %dma_wait3A_182, %dma_wait3A_183] : memref<2x48x256xf32, #tpu.memory_space<vmem>> -> memref<1x48x256xf32, #tpu.memory_space<vmem>>
      %dma_wait3A_185 = tpu.memref_squeeze %dma_wait3A_184 : memref<1x48x256xf32, #tpu.memory_space<vmem>> -> memref<48x256xf32, #tpu.memory_space<vmem>>
      %dma_wait3A_186 = arith.constant 0 : i32
      %dma_wait3A_187 = tpu.memref_slice %arg10[%dma_wait3A_186] : memref<5280xi32, #tpu.memory_space<vmem>> -> memref<48xi32, #tpu.memory_space<vmem>>
      %dma_wait3A_188 = arith.constant 0 : i32
      %dma_wait3A_189 = arith.constant 0 : i32
      %dma_wait3A_190 = tpu.memref_slice %arg6[%dma_wait3A_188, %dma_wait3A_189] : memref<500x256xf32, #tpu.memory_space<hbm>> -> memref<500x256xf32, #tpu.memory_space<hbm>>
      %dma_wait3A_191 = tpu.memref_slice %arg15[%dma_wait3A_181] : memref<2x!tpu.dma_semaphore, #tpu.memory_space<semaphore_mem>> -> memref<1x!tpu.dma_semaphore, #tpu.memory_space<semaphore_mem>>
      %dma_wait3A_192 = tpu.memref_squeeze %dma_wait3A_191 : memref<1x!tpu.dma_semaphore, #tpu.memory_space<semaphore_mem>> -> memref<!tpu.dma_semaphore, #tpu.memory_space<semaphore_mem>>
      tpu.wait_indirect_dma semaphore(%dma_wait3A_192 : memref<!tpu.dma_semaphore, #tpu.memory_space<semaphore_mem>>) src(%dma_wait3A_190 : memref<500x256xf32, #tpu.memory_space<hbm>>) dst(%dma_wait3A_185 : memref<48x256xf32, #tpu.memory_space<vmem>>)
      %scan3A = arith.constant 0 : i32
      %scan3A_193 = arith.constant 0 : i32
      %scan3A_194 = arith.constant 0 : i32
      %scan3A_195 = arith.constant 0 : i32
      %scan3A_196 = arith.constant 3 : i32
      %scan3A_197 = arith.addi %scan3A_195, %scan3A_196 : i32
      %scan3A_198 = arith.constant 1 : i32
      scf.for %scan3A_290 = %scan3A_195 to %scan3A_197 step %scan3A_198  : i32 {
        %broadcast_in_dim3A = arith.constant 0.000000e+00 : f32
        %broadcast_in_dim3A_291 = vector.broadcast %broadcast_in_dim3A : f32 to vector<16xf32>
        %scan3A_292 = arith.constant 0 : i32
        %scan3A_293 = arith.constant 16 : i32
        %scan3A_294 = arith.addi %scan3A_292, %scan3A_293 : i32
        %scan3A_295 = arith.constant 1 : i32
        %scan3A_296 = scf.for %scan3A_304 = %scan3A_292 to %scan3A_294 step %scan3A_295 iter_args(%scan3A_305 = %broadcast_in_dim3A_291) -> (vector<16xf32>)  : i32 {
          %mul3A_306 = arith.constant 16 : i32
          %mul3A_307 = arith.muli %scan3A_290, %mul3A_306 : i32
          %add3A_308 = arith.addi %mul3A_307, %scan3A_304 : i32
          %broadcast_in_dim3A_309 = arith.constant 0.000000e+00 : f32
          %broadcast_in_dim3A_310 = vector.broadcast %broadcast_in_dim3A_309 : f32 to vector<16xf32>
          %get3A = arith.constant 0 : i32
          %get3A_311 = arith.constant 0 : i32
          %get3A_312 = tpu.memref_slice %arg11[%scan3A, %get3A, %get3A_311] : memref<2x48x256xf32, #tpu.memory_space<vmem>> -> memref<1x48x256xf32, #tpu.memory_space<vmem>>
          %get3A_313 = tpu.memref_squeeze %get3A_312 : memref<1x48x256xf32, #tpu.memory_space<vmem>> -> memref<48x256xf32, #tpu.memory_space<vmem>>
          %get3A_314 = arith.index_cast %add3A_308 : i32 to index
          %get3A_315 = arith.constant 0 : index
          %get3A_316 = tpu.vector_load %get3A_313[%get3A_314, %get3A_315] {strides = array<i32>} : memref<48x256xf32, #tpu.memory_space<vmem>>, vector<1x16xf32>,
          %get3A_317 = vector.shape_cast %get3A_316 : vector<1x16xf32> to vector<16xf32>
          %get3A_318 = arith.constant 0 : i32
          %get3A_319 = arith.constant 0 : i32
          %get3A_320 = tpu.memref_slice %arg13[%scan3A_193, %get3A_318, %get3A_319] : memref<2x48x256xf32, #tpu.memory_space<vmem>> -> memref<1x48x256xf32, #tpu.memory_space<vmem>>
          %get3A_321 = tpu.memref_squeeze %get3A_320 : memref<1x48x256xf32, #tpu.memory_space<vmem>> -> memref<48x256xf32, #tpu.memory_space<vmem>>
          %get3A_322 = arith.index_cast %add3A_308 : i32 to index
          %get3A_323 = arith.constant 0 : index
          %get3A_324 = tpu.vector_load %get3A_321[%get3A_322, %get3A_323] {strides = array<i32>} : memref<48x256xf32, #tpu.memory_space<vmem>>, vector<1x16xf32>,
          %get3A_325 = vector.shape_cast %get3A_324 : vector<1x16xf32> to vector<16xf32>
          %mul3A_326 = arith.mulf %get3A_317, %get3A_325 : vector<16xf32>
          %get3A_327 = arith.constant 0 : i32
          %get3A_328 = arith.constant 0 : i32
          %get3A_329 = tpu.memref_slice %arg12[%scan3A_194, %get3A_327, %get3A_328] : memref<2x48x256xf32, #tpu.memory_space<vmem>> -> memref<1x48x256xf32, #tpu.memory_space<vmem>>
          %get3A_330 = tpu.memref_squeeze %get3A_329 : memref<1x48x256xf32, #tpu.memory_space<vmem>> -> memref<48x256xf32, #tpu.memory_space<vmem>>
          %get3A_331 = arith.index_cast %add3A_308 : i32 to index
          %get3A_332 = arith.constant 0 : index
          %get3A_333 = tpu.vector_load %get3A_330[%get3A_331, %get3A_332] {strides = array<i32>} : memref<48x256xf32, #tpu.memory_space<vmem>>, vector<1x16xf32>,
          %get3A_334 = vector.shape_cast %get3A_333 : vector<1x16xf32> to vector<16xf32>
          %mul3A_335 = arith.mulf %mul3A_326, %get3A_334 : vector<16xf32>
          %add3A_336 = arith.addf %broadcast_in_dim3A_310, %mul3A_335 : vector<16xf32>
          %get3A_337 = arith.constant 0 : i32
          %get3A_338 = arith.constant 0 : i32
          %get3A_339 = tpu.memref_slice %arg11[%scan3A, %get3A_337, %get3A_338] : memref<2x48x256xf32, #tpu.memory_space<vmem>> -> memref<1x48x256xf32, #tpu.memory_space<vmem>>
          %get3A_340 = tpu.memref_squeeze %get3A_339 : memref<1x48x256xf32, #tpu.memory_space<vmem>> -> memref<48x256xf32, #tpu.memory_space<vmem>>
          %get3A_341 = arith.index_cast %add3A_308 : i32 to index
          %get3A_342 = arith.constant 16 : index
          %get3A_343 = tpu.vector_load %get3A_340[%get3A_341, %get3A_342] {strides = array<i32>} : memref<48x256xf32, #tpu.memory_space<vmem>>, vector<1x16xf32>,
          %get3A_344 = vector.shape_cast %get3A_343 : vector<1x16xf32> to vector<16xf32>
          %get3A_345 = arith.constant 0 : i32
          %get3A_346 = arith.constant 0 : i32
          %get3A_347 = tpu.memref_slice %arg13[%scan3A_193, %get3A_345, %get3A_346] : memref<2x48x256xf32, #tpu.memory_space<vmem>> -> memref<1x48x256xf32, #tpu.memory_space<vmem>>
          %get3A_348 = tpu.memref_squeeze %get3A_347 : memref<1x48x256xf32, #tpu.memory_space<vmem>> -> memref<48x256xf32, #tpu.memory_space<vmem>>
          %get3A_349 = arith.index_cast %add3A_308 : i32 to index
          %get3A_350 = arith.constant 16 : index
          %get3A_351 = tpu.vector_load %get3A_348[%get3A_349, %get3A_350] {strides = array<i32>} : memref<48x256xf32, #tpu.memory_space<vmem>>, vector<1x16xf32>,
          %get3A_352 = vector.shape_cast %get3A_351 : vector<1x16xf32> to vector<16xf32>
          %mul3A_353 = arith.mulf %get3A_344, %get3A_352 : vector<16xf32>
          %get3A_354 = arith.constant 0 : i32
          %get3A_355 = arith.constant 0 : i32
          %get3A_356 = tpu.memref_slice %arg12[%scan3A_194, %get3A_354, %get3A_355] : memref<2x48x256xf32, #tpu.memory_space<vmem>> -> memref<1x48x256xf32, #tpu.memory_space<vmem>>
          %get3A_357 = tpu.memref_squeeze %get3A_356 : memref<1x48x256xf32, #tpu.memory_space<vmem>> -> memref<48x256xf32, #tpu.memory_space<vmem>>
          %get3A_358 = arith.index_cast %add3A_308 : i32 to index
          %get3A_359 = arith.constant 16 : index
          %get3A_360 = tpu.vector_load %get3A_357[%get3A_358, %get3A_359] {strides = array<i32>} : memref<48x256xf32, #tpu.memory_space<vmem>>, vector<1x16xf32>,
          %get3A_361 = vector.shape_cast %get3A_360 : vector<1x16xf32> to vector<16xf32>
          %mul3A_362 = arith.mulf %mul3A_353, %get3A_361 : vector<16xf32>
          %add3A_363 = arith.addf %add3A_336, %mul3A_362 : vector<16xf32>
          %get3A_364 = arith.constant 0 : i32
          %get3A_365 = arith.constant 0 : i32
          %get3A_366 = tpu.memref_slice %arg11[%scan3A, %get3A_364, %get3A_365] : memref<2x48x256xf32, #tpu.memory_space<vmem>> -> memref<1x48x256xf32, #tpu.memory_space<vmem>>
          %get3A_367 = tpu.memref_squeeze %get3A_366 : memref<1x48x256xf32, #tpu.memory_space<vmem>> -> memref<48x256xf32, #tpu.memory_space<vmem>>
          %get3A_368 = arith.index_cast %add3A_308 : i32 to index
          %get3A_369 = arith.constant 32 : index
          %get3A_370 = tpu.vector_load %get3A_367[%get3A_368, %get3A_369] {strides = array<i32>} : memref<48x256xf32, #tpu.memory_space<vmem>>, vector<1x16xf32>,
          %get3A_371 = vector.shape_cast %get3A_370 : vector<1x16xf32> to vector<16xf32>
          %get3A_372 = arith.constant 0 : i32
          %get3A_373 = arith.constant 0 : i32
          %get3A_374 = tpu.memref_slice %arg13[%scan3A_193, %get3A_372, %get3A_373] : memref<2x48x256xf32, #tpu.memory_space<vmem>> -> memref<1x48x256xf32, #tpu.memory_space<vmem>>
          %get3A_375 = tpu.memref_squeeze %get3A_374 : memref<1x48x256xf32, #tpu.memory_space<vmem>> -> memref<48x256xf32, #tpu.memory_space<vmem>>
          %get3A_376 = arith.index_cast %add3A_308 : i32 to index
          %get3A_377 = arith.constant 32 : index
          %get3A_378 = tpu.vector_load %get3A_375[%get3A_376, %get3A_377] {strides = array<i32>} : memref<48x256xf32, #tpu.memory_space<vmem>>, vector<1x16xf32>,
          %get3A_379 = vector.shape_cast %get3A_378 : vector<1x16xf32> to vector<16xf32>
          %mul3A_380 = arith.mulf %get3A_371, %get3A_379 : vector<16xf32>
          %get3A_381 = arith.constant 0 : i32
          %get3A_382 = arith.constant 0 : i32
          %get3A_383 = tpu.memref_slice %arg12[%scan3A_194, %get3A_381, %get3A_382] : memref<2x48x256xf32, #tpu.memory_space<vmem>> -> memref<1x48x256xf32, #tpu.memory_space<vmem>>
          %get3A_384 = tpu.memref_squeeze %get3A_383 : memref<1x48x256xf32, #tpu.memory_space<vmem>> -> memref<48x256xf32, #tpu.memory_space<vmem>>
          %get3A_385 = arith.index_cast %add3A_308 : i32 to index
          %get3A_386 = arith.constant 32 : index
          %get3A_387 = tpu.vector_load %get3A_384[%get3A_385, %get3A_386] {strides = array<i32>} : memref<48x256xf32, #tpu.memory_space<vmem>>, vector<1x16xf32>,
          %get3A_388 = vector.shape_cast %get3A_387 : vector<1x16xf32> to vector<16xf32>
          %mul3A_389 = arith.mulf %mul3A_380, %get3A_388 : vector<16xf32>
          %add3A_390 = arith.addf %add3A_363, %mul3A_389 : vector<16xf32>
          %get3A_391 = arith.constant 0 : i32
          %get3A_392 = arith.constant 0 : i32
          %get3A_393 = tpu.memref_slice %arg11[%scan3A, %get3A_391, %get3A_392] : memref<2x48x256xf32, #tpu.memory_space<vmem>> -> memref<1x48x256xf32, #tpu.memory_space<vmem>>
          %get3A_394 = tpu.memref_squeeze %get3A_393 : memref<1x48x256xf32, #tpu.memory_space<vmem>> -> memref<48x256xf32, #tpu.memory_space<vmem>>
          %get3A_395 = arith.index_cast %add3A_308 : i32 to index
          %get3A_396 = arith.constant 48 : index
          %get3A_397 = tpu.vector_load %get3A_394[%get3A_395, %get3A_396] {strides = array<i32>} : memref<48x256xf32, #tpu.memory_space<vmem>>, vector<1x16xf32>,
          %get3A_398 = vector.shape_cast %get3A_397 : vector<1x16xf32> to vector<16xf32>
          %get3A_399 = arith.constant 0 : i32
          %get3A_400 = arith.constant 0 : i32
          %get3A_401 = tpu.memref_slice %arg13[%scan3A_193, %get3A_399, %get3A_400] : memref<2x48x256xf32, #tpu.memory_space<vmem>> -> memref<1x48x256xf32, #tpu.memory_space<vmem>>
          %get3A_402 = tpu.memref_squeeze %get3A_401 : memref<1x48x256xf32, #tpu.memory_space<vmem>> -> memref<48x256xf32, #tpu.memory_space<vmem>>
          %get3A_403 = arith.index_cast %add3A_308 : i32 to index
          %get3A_404 = arith.constant 48 : index
          %get3A_405 = tpu.vector_load %get3A_402[%get3A_403, %get3A_404] {strides = array<i32>} : memref<48x256xf32, #tpu.memory_space<vmem>>, vector<1x16xf32>,
          %get3A_406 = vector.shape_cast %get3A_405 : vector<1x16xf32> to vector<16xf32>
          %mul3A_407 = arith.mulf %get3A_398, %get3A_406 : vector<16xf32>
          %get3A_408 = arith.constant 0 : i32
          %get3A_409 = arith.constant 0 : i32
          %get3A_410 = tpu.memref_slice %arg12[%scan3A_194, %get3A_408, %get3A_409] : memref<2x48x256xf32, #tpu.memory_space<vmem>> -> memref<1x48x256xf32, #tpu.memory_space<vmem>>
          %get3A_411 = tpu.memref_squeeze %get3A_410 : memref<1x48x256xf32, #tpu.memory_space<vmem>> -> memref<48x256xf32, #tpu.memory_space<vmem>>
          %get3A_412 = arith.index_cast %add3A_308 : i32 to index
          %get3A_413 = arith.constant 48 : index
          %get3A_414 = tpu.vector_load %get3A_411[%get3A_412, %get3A_413] {strides = array<i32>} : memref<48x256xf32, #tpu.memory_space<vmem>>, vector<1x16xf32>,
          %get3A_415 = vector.shape_cast %get3A_414 : vector<1x16xf32> to vector<16xf32>
          %mul3A_416 = arith.mulf %mul3A_407, %get3A_415 : vector<16xf32>
          %add3A_417 = arith.addf %add3A_390, %mul3A_416 : vector<16xf32>
          %get3A_418 = arith.constant 0 : i32
          %get3A_419 = arith.constant 0 : i32
          %get3A_420 = tpu.memref_slice %arg11[%scan3A, %get3A_418, %get3A_419] : memref<2x48x256xf32, #tpu.memory_space<vmem>> -> memref<1x48x256xf32, #tpu.memory_space<vmem>>
          %get3A_421 = tpu.memref_squeeze %get3A_420 : memref<1x48x256xf32, #tpu.memory_space<vmem>> -> memref<48x256xf32, #tpu.memory_space<vmem>>
          %get3A_422 = arith.index_cast %add3A_308 : i32 to index
          %get3A_423 = arith.constant 64 : index
          %get3A_424 = tpu.vector_load %get3A_421[%get3A_422, %get3A_423] {strides = array<i32>} : memref<48x256xf32, #tpu.memory_space<vmem>>, vector<1x16xf32>,
          %get3A_425 = vector.shape_cast %get3A_424 : vector<1x16xf32> to vector<16xf32>
          %get3A_426 = arith.constant 0 : i32
          %get3A_427 = arith.constant 0 : i32
          %get3A_428 = tpu.memref_slice %arg13[%scan3A_193, %get3A_426, %get3A_427] : memref<2x48x256xf32, #tpu.memory_space<vmem>> -> memref<1x48x256xf32, #tpu.memory_space<vmem>>
          %get3A_429 = tpu.memref_squeeze %get3A_428 : memref<1x48x256xf32, #tpu.memory_space<vmem>> -> memref<48x256xf32, #tpu.memory_space<vmem>>
          %get3A_430 = arith.index_cast %add3A_308 : i32 to index
          %get3A_431 = arith.constant 64 : index
          %get3A_432 = tpu.vector_load %get3A_429[%get3A_430, %get3A_431] {strides = array<i32>} : memref<48x256xf32, #tpu.memory_space<vmem>>, vector<1x16xf32>,
          %get3A_433 = vector.shape_cast %get3A_432 : vector<1x16xf32> to vector<16xf32>
          %mul3A_434 = arith.mulf %get3A_425, %get3A_433 : vector<16xf32>
          %get3A_435 = arith.constant 0 : i32
          %get3A_436 = arith.constant 0 : i32
          %get3A_437 = tpu.memref_slice %arg12[%scan3A_194, %get3A_435, %get3A_436] : memref<2x48x256xf32, #tpu.memory_space<vmem>> -> memref<1x48x256xf32, #tpu.memory_space<vmem>>
          %get3A_438 = tpu.memref_squeeze %get3A_437 : memref<1x48x256xf32, #tpu.memory_space<vmem>> -> memref<48x256xf32, #tpu.memory_space<vmem>>
          %get3A_439 = arith.index_cast %add3A_308 : i32 to index
          %get3A_440 = arith.constant 64 : index
          %get3A_441 = tpu.vector_load %get3A_438[%get3A_439, %get3A_440] {strides = array<i32>} : memref<48x256xf32, #tpu.memory_space<vmem>>, vector<1x16xf32>,
          %get3A_442 = vector.shape_cast %get3A_441 : vector<1x16xf32> to vector<16xf32>
          %mul3A_443 = arith.mulf %mul3A_434, %get3A_442 : vector<16xf32>
          %add3A_444 = arith.addf %add3A_417, %mul3A_443 : vector<16xf32>
          %get3A_445 = arith.constant 0 : i32
          %get3A_446 = arith.constant 0 : i32
          %get3A_447 = tpu.memref_slice %arg11[%scan3A, %get3A_445, %get3A_446] : memref<2x48x256xf32, #tpu.memory_space<vmem>> -> memref<1x48x256xf32, #tpu.memory_space<vmem>>
          %get3A_448 = tpu.memref_squeeze %get3A_447 : memref<1x48x256xf32, #tpu.memory_space<vmem>> -> memref<48x256xf32, #tpu.memory_space<vmem>>
          %get3A_449 = arith.index_cast %add3A_308 : i32 to index
          %get3A_450 = arith.constant 80 : index
          %get3A_451 = tpu.vector_load %get3A_448[%get3A_449, %get3A_450] {strides = array<i32>} : memref<48x256xf32, #tpu.memory_space<vmem>>, vector<1x16xf32>,
          %get3A_452 = vector.shape_cast %get3A_451 : vector<1x16xf32> to vector<16xf32>
          %get3A_453 = arith.constant 0 : i32
          %get3A_454 = arith.constant 0 : i32
          %get3A_455 = tpu.memref_slice %arg13[%scan3A_193, %get3A_453, %get3A_454] : memref<2x48x256xf32, #tpu.memory_space<vmem>> -> memref<1x48x256xf32, #tpu.memory_space<vmem>>
          %get3A_456 = tpu.memref_squeeze %get3A_455 : memref<1x48x256xf32, #tpu.memory_space<vmem>> -> memref<48x256xf32, #tpu.memory_space<vmem>>
          %get3A_457 = arith.index_cast %add3A_308 : i32 to index
          %get3A_458 = arith.constant 80 : index
          %get3A_459 = tpu.vector_load %get3A_456[%get3A_457, %get3A_458] {strides = array<i32>} : memref<48x256xf32, #tpu.memory_space<vmem>>, vector<1x16xf32>,
          %get3A_460 = vector.shape_cast %get3A_459 : vector<1x16xf32> to vector<16xf32>
          %mul3A_461 = arith.mulf %get3A_452, %get3A_460 : vector<16xf32>
          %get3A_462 = arith.constant 0 : i32
          %get3A_463 = arith.constant 0 : i32
          %get3A_464 = tpu.memref_slice %arg12[%scan3A_194, %get3A_462, %get3A_463] : memref<2x48x256xf32, #tpu.memory_space<vmem>> -> memref<1x48x256xf32, #tpu.memory_space<vmem>>
          %get3A_465 = tpu.memref_squeeze %get3A_464 : memref<1x48x256xf32, #tpu.memory_space<vmem>> -> memref<48x256xf32, #tpu.memory_space<vmem>>
          %get3A_466 = arith.index_cast %add3A_308 : i32 to index
          %get3A_467 = arith.constant 80 : index
          %get3A_468 = tpu.vector_load %get3A_465[%get3A_466, %get3A_467] {strides = array<i32>} : memref<48x256xf32, #tpu.memory_space<vmem>>, vector<1x16xf32>,
          %get3A_469 = vector.shape_cast %get3A_468 : vector<1x16xf32> to vector<16xf32>
          %mul3A_470 = arith.mulf %mul3A_461, %get3A_469 : vector<16xf32>
          %add3A_471 = arith.addf %add3A_444, %mul3A_470 : vector<16xf32>
          %get3A_472 = arith.constant 0 : i32
          %get3A_473 = arith.constant 0 : i32
          %get3A_474 = tpu.memref_slice %arg11[%scan3A, %get3A_472, %get3A_473] : memref<2x48x256xf32, #tpu.memory_space<vmem>> -> memref<1x48x256xf32, #tpu.memory_space<vmem>>
          %get3A_475 = tpu.memref_squeeze %get3A_474 : memref<1x48x256xf32, #tpu.memory_space<vmem>> -> memref<48x256xf32, #tpu.memory_space<vmem>>
          %get3A_476 = arith.index_cast %add3A_308 : i32 to index
          %get3A_477 = arith.constant 96 : index
          %get3A_478 = tpu.vector_load %get3A_475[%get3A_476, %get3A_477] {strides = array<i32>} : memref<48x256xf32, #tpu.memory_space<vmem>>, vector<1x16xf32>,
          %get3A_479 = vector.shape_cast %get3A_478 : vector<1x16xf32> to vector<16xf32>
          %get3A_480 = arith.constant 0 : i32
          %get3A_481 = arith.constant 0 : i32
          %get3A_482 = tpu.memref_slice %arg13[%scan3A_193, %get3A_480, %get3A_481] : memref<2x48x256xf32, #tpu.memory_space<vmem>> -> memref<1x48x256xf32, #tpu.memory_space<vmem>>
          %get3A_483 = tpu.memref_squeeze %get3A_482 : memref<1x48x256xf32, #tpu.memory_space<vmem>> -> memref<48x256xf32, #tpu.memory_space<vmem>>
          %get3A_484 = arith.index_cast %add3A_308 : i32 to index
          %get3A_485 = arith.constant 96 : index
          %get3A_486 = tpu.vector_load %get3A_483[%get3A_484, %get3A_485] {strides = array<i32>} : memref<48x256xf32, #tpu.memory_space<vmem>>, vector<1x16xf32>,
          %get3A_487 = vector.shape_cast %get3A_486 : vector<1x16xf32> to vector<16xf32>
          %mul3A_488 = arith.mulf %get3A_479, %get3A_487 : vector<16xf32>
          %get3A_489 = arith.constant 0 : i32
          %get3A_490 = arith.constant 0 : i32
          %get3A_491 = tpu.memref_slice %arg12[%scan3A_194, %get3A_489, %get3A_490] : memref<2x48x256xf32, #tpu.memory_space<vmem>> -> memref<1x48x256xf32, #tpu.memory_space<vmem>>
          %get3A_492 = tpu.memref_squeeze %get3A_491 : memref<1x48x256xf32, #tpu.memory_space<vmem>> -> memref<48x256xf32, #tpu.memory_space<vmem>>
          %get3A_493 = arith.index_cast %add3A_308 : i32 to index
          %get3A_494 = arith.constant 96 : index
          %get3A_495 = tpu.vector_load %get3A_492[%get3A_493, %get3A_494] {strides = array<i32>} : memref<48x256xf32, #tpu.memory_space<vmem>>, vector<1x16xf32>,
          %get3A_496 = vector.shape_cast %get3A_495 : vector<1x16xf32> to vector<16xf32>
          %mul3A_497 = arith.mulf %mul3A_488, %get3A_496 : vector<16xf32>
          %add3A_498 = arith.addf %add3A_471, %mul3A_497 : vector<16xf32>
          %get3A_499 = arith.constant 0 : i32
          %get3A_500 = arith.constant 0 : i32
          %get3A_501 = tpu.memref_slice %arg11[%scan3A, %get3A_499, %get3A_500] : memref<2x48x256xf32, #tpu.memory_space<vmem>> -> memref<1x48x256xf32, #tpu.memory_space<vmem>>
          %get3A_502 = tpu.memref_squeeze %get3A_501 : memref<1x48x256xf32, #tpu.memory_space<vmem>> -> memref<48x256xf32, #tpu.memory_space<vmem>>
          %get3A_503 = arith.index_cast %add3A_308 : i32 to index
          %get3A_504 = arith.constant 112 : index
          %get3A_505 = tpu.vector_load %get3A_502[%get3A_503, %get3A_504] {strides = array<i32>} : memref<48x256xf32, #tpu.memory_space<vmem>>, vector<1x16xf32>,
          %get3A_506 = vector.shape_cast %get3A_505 : vector<1x16xf32> to vector<16xf32>
          %get3A_507 = arith.constant 0 : i32
          %get3A_508 = arith.constant 0 : i32
          %get3A_509 = tpu.memref_slice %arg13[%scan3A_193, %get3A_507, %get3A_508] : memref<2x48x256xf32, #tpu.memory_space<vmem>> -> memref<1x48x256xf32, #tpu.memory_space<vmem>>
          %get3A_510 = tpu.memref_squeeze %get3A_509 : memref<1x48x256xf32, #tpu.memory_space<vmem>> -> memref<48x256xf32, #tpu.memory_space<vmem>>
          %get3A_511 = arith.index_cast %add3A_308 : i32 to index
          %get3A_512 = arith.constant 112 : index
          %get3A_513 = tpu.vector_load %get3A_510[%get3A_511, %get3A_512] {strides = array<i32>} : memref<48x256xf32, #tpu.memory_space<vmem>>, vector<1x16xf32>,
          %get3A_514 = vector.shape_cast %get3A_513 : vector<1x16xf32> to vector<16xf32>
          %mul3A_515 = arith.mulf %get3A_506, %get3A_514 : vector<16xf32>
          %get3A_516 = arith.constant 0 : i32
          %get3A_517 = arith.constant 0 : i32
          %get3A_518 = tpu.memref_slice %arg12[%scan3A_194, %get3A_516, %get3A_517] : memref<2x48x256xf32, #tpu.memory_space<vmem>> -> memref<1x48x256xf32, #tpu.memory_space<vmem>>
          %get3A_519 = tpu.memref_squeeze %get3A_518 : memref<1x48x256xf32, #tpu.memory_space<vmem>> -> memref<48x256xf32, #tpu.memory_space<vmem>>
          %get3A_520 = arith.index_cast %add3A_308 : i32 to index
          %get3A_521 = arith.constant 112 : index
          %get3A_522 = tpu.vector_load %get3A_519[%get3A_520, %get3A_521] {strides = array<i32>} : memref<48x256xf32, #tpu.memory_space<vmem>>, vector<1x16xf32>,
          %get3A_523 = vector.shape_cast %get3A_522 : vector<1x16xf32> to vector<16xf32>
          %mul3A_524 = arith.mulf %mul3A_515, %get3A_523 : vector<16xf32>
          %add3A_525 = arith.addf %add3A_498, %mul3A_524 : vector<16xf32>
          %get3A_526 = arith.constant 0 : i32
          %get3A_527 = arith.constant 0 : i32
          %get3A_528 = tpu.memref_slice %arg11[%scan3A, %get3A_526, %get3A_527] : memref<2x48x256xf32, #tpu.memory_space<vmem>> -> memref<1x48x256xf32, #tpu.memory_space<vmem>>
          %get3A_529 = tpu.memref_squeeze %get3A_528 : memref<1x48x256xf32, #tpu.memory_space<vmem>> -> memref<48x256xf32, #tpu.memory_space<vmem>>
          %get3A_530 = arith.index_cast %add3A_308 : i32 to index
          %get3A_531 = arith.constant 128 : index
          %get3A_532 = tpu.vector_load %get3A_529[%get3A_530, %get3A_531] {strides = array<i32>} : memref<48x256xf32, #tpu.memory_space<vmem>>, vector<1x16xf32>,
          %get3A_533 = vector.shape_cast %get3A_532 : vector<1x16xf32> to vector<16xf32>
          %get3A_534 = arith.constant 0 : i32
          %get3A_535 = arith.constant 0 : i32
          %get3A_536 = tpu.memref_slice %arg13[%scan3A_193, %get3A_534, %get3A_535] : memref<2x48x256xf32, #tpu.memory_space<vmem>> -> memref<1x48x256xf32, #tpu.memory_space<vmem>>
          %get3A_537 = tpu.memref_squeeze %get3A_536 : memref<1x48x256xf32, #tpu.memory_space<vmem>> -> memref<48x256xf32, #tpu.memory_space<vmem>>
          %get3A_538 = arith.index_cast %add3A_308 : i32 to index
          %get3A_539 = arith.constant 128 : index
          %get3A_540 = tpu.vector_load %get3A_537[%get3A_538, %get3A_539] {strides = array<i32>} : memref<48x256xf32, #tpu.memory_space<vmem>>, vector<1x16xf32>,
          %get3A_541 = vector.shape_cast %get3A_540 : vector<1x16xf32> to vector<16xf32>
          %mul3A_542 = arith.mulf %get3A_533, %get3A_541 : vector<16xf32>
          %get3A_543 = arith.constant 0 : i32
          %get3A_544 = arith.constant 0 : i32
          %get3A_545 = tpu.memref_slice %arg12[%scan3A_194, %get3A_543, %get3A_544] : memref<2x48x256xf32, #tpu.memory_space<vmem>> -> memref<1x48x256xf32, #tpu.memory_space<vmem>>
          %get3A_546 = tpu.memref_squeeze %get3A_545 : memref<1x48x256xf32, #tpu.memory_space<vmem>> -> memref<48x256xf32, #tpu.memory_space<vmem>>
          %get3A_547 = arith.index_cast %add3A_308 : i32 to index
          %get3A_548 = arith.constant 128 : index
          %get3A_549 = tpu.vector_load %get3A_546[%get3A_547, %get3A_548] {strides = array<i32>} : memref<48x256xf32, #tpu.memory_space<vmem>>, vector<1x16xf32>,
          %get3A_550 = vector.shape_cast %get3A_549 : vector<1x16xf32> to vector<16xf32>
          %mul3A_551 = arith.mulf %mul3A_542, %get3A_550 : vector<16xf32>
          %add3A_552 = arith.addf %add3A_525, %mul3A_551 : vector<16xf32>
          %get3A_553 = arith.constant 0 : i32
          %get3A_554 = arith.constant 0 : i32
          %get3A_555 = tpu.memref_slice %arg11[%scan3A, %get3A_553, %get3A_554] : memref<2x48x256xf32, #tpu.memory_space<vmem>> -> memref<1x48x256xf32, #tpu.memory_space<vmem>>
          %get3A_556 = tpu.memref_squeeze %get3A_555 : memref<1x48x256xf32, #tpu.memory_space<vmem>> -> memref<48x256xf32, #tpu.memory_space<vmem>>
          %get3A_557 = arith.index_cast %add3A_308 : i32 to index
          %get3A_558 = arith.constant 144 : index
          %get3A_559 = tpu.vector_load %get3A_556[%get3A_557, %get3A_558] {strides = array<i32>} : memref<48x256xf32, #tpu.memory_space<vmem>>, vector<1x16xf32>,
          %get3A_560 = vector.shape_cast %get3A_559 : vector<1x16xf32> to vector<16xf32>
          %get3A_561 = arith.constant 0 : i32
          %get3A_562 = arith.constant 0 : i32
          %get3A_563 = tpu.memref_slice %arg13[%scan3A_193, %get3A_561, %get3A_562] : memref<2x48x256xf32, #tpu.memory_space<vmem>> -> memref<1x48x256xf32, #tpu.memory_space<vmem>>
          %get3A_564 = tpu.memref_squeeze %get3A_563 : memref<1x48x256xf32, #tpu.memory_space<vmem>> -> memref<48x256xf32, #tpu.memory_space<vmem>>
          %get3A_565 = arith.index_cast %add3A_308 : i32 to index
          %get3A_566 = arith.constant 144 : index
          %get3A_567 = tpu.vector_load %get3A_564[%get3A_565, %get3A_566] {strides = array<i32>} : memref<48x256xf32, #tpu.memory_space<vmem>>, vector<1x16xf32>,
          %get3A_568 = vector.shape_cast %get3A_567 : vector<1x16xf32> to vector<16xf32>
          %mul3A_569 = arith.mulf %get3A_560, %get3A_568 : vector<16xf32>
          %get3A_570 = arith.constant 0 : i32
          %get3A_571 = arith.constant 0 : i32
          %get3A_572 = tpu.memref_slice %arg12[%scan3A_194, %get3A_570, %get3A_571] : memref<2x48x256xf32, #tpu.memory_space<vmem>> -> memref<1x48x256xf32, #tpu.memory_space<vmem>>
          %get3A_573 = tpu.memref_squeeze %get3A_572 : memref<1x48x256xf32, #tpu.memory_space<vmem>> -> memref<48x256xf32, #tpu.memory_space<vmem>>
          %get3A_574 = arith.index_cast %add3A_308 : i32 to index
          %get3A_575 = arith.constant 144 : index
          %get3A_576 = tpu.vector_load %get3A_573[%get3A_574, %get3A_575] {strides = array<i32>} : memref<48x256xf32, #tpu.memory_space<vmem>>, vector<1x16xf32>,
          %get3A_577 = vector.shape_cast %get3A_576 : vector<1x16xf32> to vector<16xf32>
          %mul3A_578 = arith.mulf %mul3A_569, %get3A_577 : vector<16xf32>
          %add3A_579 = arith.addf %add3A_552, %mul3A_578 : vector<16xf32>
          %get3A_580 = arith.constant 0 : i32
          %get3A_581 = arith.constant 0 : i32
          %get3A_582 = tpu.memref_slice %arg11[%scan3A, %get3A_580, %get3A_581] : memref<2x48x256xf32, #tpu.memory_space<vmem>> -> memref<1x48x256xf32, #tpu.memory_space<vmem>>
          %get3A_583 = tpu.memref_squeeze %get3A_582 : memref<1x48x256xf32, #tpu.memory_space<vmem>> -> memref<48x256xf32, #tpu.memory_space<vmem>>
          %get3A_584 = arith.index_cast %add3A_308 : i32 to index
          %get3A_585 = arith.constant 160 : index
          %get3A_586 = tpu.vector_load %get3A_583[%get3A_584, %get3A_585] {strides = array<i32>} : memref<48x256xf32, #tpu.memory_space<vmem>>, vector<1x16xf32>,
          %get3A_587 = vector.shape_cast %get3A_586 : vector<1x16xf32> to vector<16xf32>
          %get3A_588 = arith.constant 0 : i32
          %get3A_589 = arith.constant 0 : i32
          %get3A_590 = tpu.memref_slice %arg13[%scan3A_193, %get3A_588, %get3A_589] : memref<2x48x256xf32, #tpu.memory_space<vmem>> -> memref<1x48x256xf32, #tpu.memory_space<vmem>>
          %get3A_591 = tpu.memref_squeeze %get3A_590 : memref<1x48x256xf32, #tpu.memory_space<vmem>> -> memref<48x256xf32, #tpu.memory_space<vmem>>
          %get3A_592 = arith.index_cast %add3A_308 : i32 to index
          %get3A_593 = arith.constant 160 : index
          %get3A_594 = tpu.vector_load %get3A_591[%get3A_592, %get3A_593] {strides = array<i32>} : memref<48x256xf32, #tpu.memory_space<vmem>>, vector<1x16xf32>,
          %get3A_595 = vector.shape_cast %get3A_594 : vector<1x16xf32> to vector<16xf32>
          %mul3A_596 = arith.mulf %get3A_587, %get3A_595 : vector<16xf32>
          %get3A_597 = arith.constant 0 : i32
          %get3A_598 = arith.constant 0 : i32
          %get3A_599 = tpu.memref_slice %arg12[%scan3A_194, %get3A_597, %get3A_598] : memref<2x48x256xf32, #tpu.memory_space<vmem>> -> memref<1x48x256xf32, #tpu.memory_space<vmem>>
          %get3A_600 = tpu.memref_squeeze %get3A_599 : memref<1x48x256xf32, #tpu.memory_space<vmem>> -> memref<48x256xf32, #tpu.memory_space<vmem>>
          %get3A_601 = arith.index_cast %add3A_308 : i32 to index
          %get3A_602 = arith.constant 160 : index
          %get3A_603 = tpu.vector_load %get3A_600[%get3A_601, %get3A_602] {strides = array<i32>} : memref<48x256xf32, #tpu.memory_space<vmem>>, vector<1x16xf32>,
          %get3A_604 = vector.shape_cast %get3A_603 : vector<1x16xf32> to vector<16xf32>
          %mul3A_605 = arith.mulf %mul3A_596, %get3A_604 : vector<16xf32>
          %add3A_606 = arith.addf %add3A_579, %mul3A_605 : vector<16xf32>
          %get3A_607 = arith.constant 0 : i32
          %get3A_608 = arith.constant 0 : i32
          %get3A_609 = tpu.memref_slice %arg11[%scan3A, %get3A_607, %get3A_608] : memref<2x48x256xf32, #tpu.memory_space<vmem>> -> memref<1x48x256xf32, #tpu.memory_space<vmem>>
          %get3A_610 = tpu.memref_squeeze %get3A_609 : memref<1x48x256xf32, #tpu.memory_space<vmem>> -> memref<48x256xf32, #tpu.memory_space<vmem>>
          %get3A_611 = arith.index_cast %add3A_308 : i32 to index
          %get3A_612 = arith.constant 176 : index
          %get3A_613 = tpu.vector_load %get3A_610[%get3A_611, %get3A_612] {strides = array<i32>} : memref<48x256xf32, #tpu.memory_space<vmem>>, vector<1x16xf32>,
          %get3A_614 = vector.shape_cast %get3A_613 : vector<1x16xf32> to vector<16xf32>
          %get3A_615 = arith.constant 0 : i32
          %get3A_616 = arith.constant 0 : i32
          %get3A_617 = tpu.memref_slice %arg13[%scan3A_193, %get3A_615, %get3A_616] : memref<2x48x256xf32, #tpu.memory_space<vmem>> -> memref<1x48x256xf32, #tpu.memory_space<vmem>>
          %get3A_618 = tpu.memref_squeeze %get3A_617 : memref<1x48x256xf32, #tpu.memory_space<vmem>> -> memref<48x256xf32, #tpu.memory_space<vmem>>
          %get3A_619 = arith.index_cast %add3A_308 : i32 to index
          %get3A_620 = arith.constant 176 : index
          %get3A_621 = tpu.vector_load %get3A_618[%get3A_619, %get3A_620] {strides = array<i32>} : memref<48x256xf32, #tpu.memory_space<vmem>>, vector<1x16xf32>,
          %get3A_622 = vector.shape_cast %get3A_621 : vector<1x16xf32> to vector<16xf32>
          %mul3A_623 = arith.mulf %get3A_614, %get3A_622 : vector<16xf32>
          %get3A_624 = arith.constant 0 : i32
          %get3A_625 = arith.constant 0 : i32
          %get3A_626 = tpu.memref_slice %arg12[%scan3A_194, %get3A_624, %get3A_625] : memref<2x48x256xf32, #tpu.memory_space<vmem>> -> memref<1x48x256xf32, #tpu.memory_space<vmem>>
          %get3A_627 = tpu.memref_squeeze %get3A_626 : memref<1x48x256xf32, #tpu.memory_space<vmem>> -> memref<48x256xf32, #tpu.memory_space<vmem>>
          %get3A_628 = arith.index_cast %add3A_308 : i32 to index
          %get3A_629 = arith.constant 176 : index
          %get3A_630 = tpu.vector_load %get3A_627[%get3A_628, %get3A_629] {strides = array<i32>} : memref<48x256xf32, #tpu.memory_space<vmem>>, vector<1x16xf32>,
          %get3A_631 = vector.shape_cast %get3A_630 : vector<1x16xf32> to vector<16xf32>
          %mul3A_632 = arith.mulf %mul3A_623, %get3A_631 : vector<16xf32>
          %add3A_633 = arith.addf %add3A_606, %mul3A_632 : vector<16xf32>
          %get3A_634 = arith.constant 0 : i32
          %get3A_635 = arith.constant 0 : i32
          %get3A_636 = tpu.memref_slice %arg11[%scan3A, %get3A_634, %get3A_635] : memref<2x48x256xf32, #tpu.memory_space<vmem>> -> memref<1x48x256xf32, #tpu.memory_space<vmem>>
          %get3A_637 = tpu.memref_squeeze %get3A_636 : memref<1x48x256xf32, #tpu.memory_space<vmem>> -> memref<48x256xf32, #tpu.memory_space<vmem>>
          %get3A_638 = arith.index_cast %add3A_308 : i32 to index
          %get3A_639 = arith.constant 192 : index
          %get3A_640 = tpu.vector_load %get3A_637[%get3A_638, %get3A_639] {strides = array<i32>} : memref<48x256xf32, #tpu.memory_space<vmem>>, vector<1x16xf32>,
          %get3A_641 = vector.shape_cast %get3A_640 : vector<1x16xf32> to vector<16xf32>
          %get3A_642 = arith.constant 0 : i32
          %get3A_643 = arith.constant 0 : i32
          %get3A_644 = tpu.memref_slice %arg13[%scan3A_193, %get3A_642, %get3A_643] : memref<2x48x256xf32, #tpu.memory_space<vmem>> -> memref<1x48x256xf32, #tpu.memory_space<vmem>>
          %get3A_645 = tpu.memref_squeeze %get3A_644 : memref<1x48x256xf32, #tpu.memory_space<vmem>> -> memref<48x256xf32, #tpu.memory_space<vmem>>
          %get3A_646 = arith.index_cast %add3A_308 : i32 to index
          %get3A_647 = arith.constant 192 : index
          %get3A_648 = tpu.vector_load %get3A_645[%get3A_646, %get3A_647] {strides = array<i32>} : memref<48x256xf32, #tpu.memory_space<vmem>>, vector<1x16xf32>,
          %get3A_649 = vector.shape_cast %get3A_648 : vector<1x16xf32> to vector<16xf32>
          %mul3A_650 = arith.mulf %get3A_641, %get3A_649 : vector<16xf32>
          %get3A_651 = arith.constant 0 : i32
          %get3A_652 = arith.constant 0 : i32
          %get3A_653 = tpu.memref_slice %arg12[%scan3A_194, %get3A_651, %get3A_652] : memref<2x48x256xf32, #tpu.memory_space<vmem>> -> memref<1x48x256xf32, #tpu.memory_space<vmem>>
          %get3A_654 = tpu.memref_squeeze %get3A_653 : memref<1x48x256xf32, #tpu.memory_space<vmem>> -> memref<48x256xf32, #tpu.memory_space<vmem>>
          %get3A_655 = arith.index_cast %add3A_308 : i32 to index
          %get3A_656 = arith.constant 192 : index
          %get3A_657 = tpu.vector_load %get3A_654[%get3A_655, %get3A_656] {strides = array<i32>} : memref<48x256xf32, #tpu.memory_space<vmem>>, vector<1x16xf32>,
          %get3A_658 = vector.shape_cast %get3A_657 : vector<1x16xf32> to vector<16xf32>
          %mul3A_659 = arith.mulf %mul3A_650, %get3A_658 : vector<16xf32>
          %add3A_660 = arith.addf %add3A_633, %mul3A_659 : vector<16xf32>
          %get3A_661 = arith.constant 0 : i32
          %get3A_662 = arith.constant 0 : i32
          %get3A_663 = tpu.memref_slice %arg11[%scan3A, %get3A_661, %get3A_662] : memref<2x48x256xf32, #tpu.memory_space<vmem>> -> memref<1x48x256xf32, #tpu.memory_space<vmem>>
          %get3A_664 = tpu.memref_squeeze %get3A_663 : memref<1x48x256xf32, #tpu.memory_space<vmem>> -> memref<48x256xf32, #tpu.memory_space<vmem>>
          %get3A_665 = arith.index_cast %add3A_308 : i32 to index
          %get3A_666 = arith.constant 208 : index
          %get3A_667 = tpu.vector_load %get3A_664[%get3A_665, %get3A_666] {strides = array<i32>} : memref<48x256xf32, #tpu.memory_space<vmem>>, vector<1x16xf32>,
          %get3A_668 = vector.shape_cast %get3A_667 : vector<1x16xf32> to vector<16xf32>
          %get3A_669 = arith.constant 0 : i32
          %get3A_670 = arith.constant 0 : i32
          %get3A_671 = tpu.memref_slice %arg13[%scan3A_193, %get3A_669, %get3A_670] : memref<2x48x256xf32, #tpu.memory_space<vmem>> -> memref<1x48x256xf32, #tpu.memory_space<vmem>>
          %get3A_672 = tpu.memref_squeeze %get3A_671 : memref<1x48x256xf32, #tpu.memory_space<vmem>> -> memref<48x256xf32, #tpu.memory_space<vmem>>
          %get3A_673 = arith.index_cast %add3A_308 : i32 to index
          %get3A_674 = arith.constant 208 : index
          %get3A_675 = tpu.vector_load %get3A_672[%get3A_673, %get3A_674] {strides = array<i32>} : memref<48x256xf32, #tpu.memory_space<vmem>>, vector<1x16xf32>,
          %get3A_676 = vector.shape_cast %get3A_675 : vector<1x16xf32> to vector<16xf32>
          %mul3A_677 = arith.mulf %get3A_668, %get3A_676 : vector<16xf32>
          %get3A_678 = arith.constant 0 : i32
          %get3A_679 = arith.constant 0 : i32
          %get3A_680 = tpu.memref_slice %arg12[%scan3A_194, %get3A_678, %get3A_679] : memref<2x48x256xf32, #tpu.memory_space<vmem>> -> memref<1x48x256xf32, #tpu.memory_space<vmem>>
          %get3A_681 = tpu.memref_squeeze %get3A_680 : memref<1x48x256xf32, #tpu.memory_space<vmem>> -> memref<48x256xf32, #tpu.memory_space<vmem>>
          %get3A_682 = arith.index_cast %add3A_308 : i32 to index
          %get3A_683 = arith.constant 208 : index
          %get3A_684 = tpu.vector_load %get3A_681[%get3A_682, %get3A_683] {strides = array<i32>} : memref<48x256xf32, #tpu.memory_space<vmem>>, vector<1x16xf32>,
          %get3A_685 = vector.shape_cast %get3A_684 : vector<1x16xf32> to vector<16xf32>
          %mul3A_686 = arith.mulf %mul3A_677, %get3A_685 : vector<16xf32>
          %add3A_687 = arith.addf %add3A_660, %mul3A_686 : vector<16xf32>
          %get3A_688 = arith.constant 0 : i32
          %get3A_689 = arith.constant 0 : i32
          %get3A_690 = tpu.memref_slice %arg11[%scan3A, %get3A_688, %get3A_689] : memref<2x48x256xf32, #tpu.memory_space<vmem>> -> memref<1x48x256xf32, #tpu.memory_space<vmem>>
          %get3A_691 = tpu.memref_squeeze %get3A_690 : memref<1x48x256xf32, #tpu.memory_space<vmem>> -> memref<48x256xf32, #tpu.memory_space<vmem>>
          %get3A_692 = arith.index_cast %add3A_308 : i32 to index
          %get3A_693 = arith.constant 224 : index
          %get3A_694 = tpu.vector_load %get3A_691[%get3A_692, %get3A_693] {strides = array<i32>} : memref<48x256xf32, #tpu.memory_space<vmem>>, vector<1x16xf32>,
          %get3A_695 = vector.shape_cast %get3A_694 : vector<1x16xf32> to vector<16xf32>
          %get3A_696 = arith.constant 0 : i32
          %get3A_697 = arith.constant 0 : i32
          %get3A_698 = tpu.memref_slice %arg13[%scan3A_193, %get3A_696, %get3A_697] : memref<2x48x256xf32, #tpu.memory_space<vmem>> -> memref<1x48x256xf32, #tpu.memory_space<vmem>>
          %get3A_699 = tpu.memref_squeeze %get3A_698 : memref<1x48x256xf32, #tpu.memory_space<vmem>> -> memref<48x256xf32, #tpu.memory_space<vmem>>
          %get3A_700 = arith.index_cast %add3A_308 : i32 to index
          %get3A_701 = arith.constant 224 : index
          %get3A_702 = tpu.vector_load %get3A_699[%get3A_700, %get3A_701] {strides = array<i32>} : memref<48x256xf32, #tpu.memory_space<vmem>>, vector<1x16xf32>,
          %get3A_703 = vector.shape_cast %get3A_702 : vector<1x16xf32> to vector<16xf32>
          %mul3A_704 = arith.mulf %get3A_695, %get3A_703 : vector<16xf32>
          %get3A_705 = arith.constant 0 : i32
          %get3A_706 = arith.constant 0 : i32
          %get3A_707 = tpu.memref_slice %arg12[%scan3A_194, %get3A_705, %get3A_706] : memref<2x48x256xf32, #tpu.memory_space<vmem>> -> memref<1x48x256xf32, #tpu.memory_space<vmem>>
          %get3A_708 = tpu.memref_squeeze %get3A_707 : memref<1x48x256xf32, #tpu.memory_space<vmem>> -> memref<48x256xf32, #tpu.memory_space<vmem>>
          %get3A_709 = arith.index_cast %add3A_308 : i32 to index
          %get3A_710 = arith.constant 224 : index
          %get3A_711 = tpu.vector_load %get3A_708[%get3A_709, %get3A_710] {strides = array<i32>} : memref<48x256xf32, #tpu.memory_space<vmem>>, vector<1x16xf32>,
          %get3A_712 = vector.shape_cast %get3A_711 : vector<1x16xf32> to vector<16xf32>
          %mul3A_713 = arith.mulf %mul3A_704, %get3A_712 : vector<16xf32>
          %add3A_714 = arith.addf %add3A_687, %mul3A_713 : vector<16xf32>
          %get3A_715 = arith.constant 0 : i32
          %get3A_716 = arith.constant 0 : i32
          %get3A_717 = tpu.memref_slice %arg11[%scan3A, %get3A_715, %get3A_716] : memref<2x48x256xf32, #tpu.memory_space<vmem>> -> memref<1x48x256xf32, #tpu.memory_space<vmem>>
          %get3A_718 = tpu.memref_squeeze %get3A_717 : memref<1x48x256xf32, #tpu.memory_space<vmem>> -> memref<48x256xf32, #tpu.memory_space<vmem>>
          %get3A_719 = arith.index_cast %add3A_308 : i32 to index
          %get3A_720 = arith.constant 240 : index
          %get3A_721 = tpu.vector_load %get3A_718[%get3A_719, %get3A_720] {strides = array<i32>} : memref<48x256xf32, #tpu.memory_space<vmem>>, vector<1x16xf32>,
          %get3A_722 = vector.shape_cast %get3A_721 : vector<1x16xf32> to vector<16xf32>
          %get3A_723 = arith.constant 0 : i32
          %get3A_724 = arith.constant 0 : i32
          %get3A_725 = tpu.memref_slice %arg13[%scan3A_193, %get3A_723, %get3A_724] : memref<2x48x256xf32, #tpu.memory_space<vmem>> -> memref<1x48x256xf32, #tpu.memory_space<vmem>>
          %get3A_726 = tpu.memref_squeeze %get3A_725 : memref<1x48x256xf32, #tpu.memory_space<vmem>> -> memref<48x256xf32, #tpu.memory_space<vmem>>
          %get3A_727 = arith.index_cast %add3A_308 : i32 to index
          %get3A_728 = arith.constant 240 : index
          %get3A_729 = tpu.vector_load %get3A_726[%get3A_727, %get3A_728] {strides = array<i32>} : memref<48x256xf32, #tpu.memory_space<vmem>>, vector<1x16xf32>,
          %get3A_730 = vector.shape_cast %get3A_729 : vector<1x16xf32> to vector<16xf32>
          %mul3A_731 = arith.mulf %get3A_722, %get3A_730 : vector<16xf32>
          %get3A_732 = arith.constant 0 : i32
          %get3A_733 = arith.constant 0 : i32
          %get3A_734 = tpu.memref_slice %arg12[%scan3A_194, %get3A_732, %get3A_733] : memref<2x48x256xf32, #tpu.memory_space<vmem>> -> memref<1x48x256xf32, #tpu.memory_space<vmem>>
          %get3A_735 = tpu.memref_squeeze %get3A_734 : memref<1x48x256xf32, #tpu.memory_space<vmem>> -> memref<48x256xf32, #tpu.memory_space<vmem>>
          %get3A_736 = arith.index_cast %add3A_308 : i32 to index
          %get3A_737 = arith.constant 240 : index
          %get3A_738 = tpu.vector_load %get3A_735[%get3A_736, %get3A_737] {strides = array<i32>} : memref<48x256xf32, #tpu.memory_space<vmem>>, vector<1x16xf32>,
          %get3A_739 = vector.shape_cast %get3A_738 : vector<1x16xf32> to vector<16xf32>
          %mul3A_740 = arith.mulf %mul3A_731, %get3A_739 : vector<16xf32>
          %add3A_741 = arith.addf %add3A_714, %mul3A_740 : vector<16xf32>
          %eq3A_742 = vector.broadcast %scan3A_304 : i32 to vector<16xi32>
          %eq3A_743 = arith.cmpi eq, %iota3A, %eq3A_742 : vector<16xi32>
          %xor3A = arith.constant 8 : i32
          %xor3A_744 = vector.broadcast %xor3A : i32 to vector<16xi32>
          %xor3A_745 = arith.xori %iota3A, %xor3A_744 : vector<16xi32>
          %broadcast_in_dim3A_746 = vector.shape_cast %xor3A_745 : vector<16xi32> to vector<16x1xi32>
          %gather3A = vector.shape_cast %broadcast_in_dim3A_746 : vector<16x1xi32> to vector<16xi32>
          %gather3A_747 = tpu.dynamic_gather %add3A_741[%gather3A] in [0] : vector<16xf32>, vector<16xi32> -> vector<16xf32>
          %add3A_748 = arith.addf %add3A_741, %gather3A_747 : vector<16xf32>
          %xor3A_749 = arith.constant 4 : i32
          %xor3A_750 = vector.broadcast %xor3A_749 : i32 to vector<16xi32>
          %xor3A_751 = arith.xori %iota3A, %xor3A_750 : vector<16xi32>
          %broadcast_in_dim3A_752 = vector.shape_cast %xor3A_751 : vector<16xi32> to vector<16x1xi32>
          %gather3A_753 = vector.shape_cast %broadcast_in_dim3A_752 : vector<16x1xi32> to vector<16xi32>
          %gather3A_754 = tpu.dynamic_gather %add3A_748[%gather3A_753] in [0] : vector<16xf32>, vector<16xi32> -> vector<16xf32>
          %add3A_755 = arith.addf %add3A_748, %gather3A_754 : vector<16xf32>
          %xor3A_756 = arith.constant 2 : i32
          %xor3A_757 = vector.broadcast %xor3A_756 : i32 to vector<16xi32>
          %xor3A_758 = arith.xori %iota3A, %xor3A_757 : vector<16xi32>
          %broadcast_in_dim3A_759 = vector.shape_cast %xor3A_758 : vector<16xi32> to vector<16x1xi32>
          %gather3A_760 = vector.shape_cast %broadcast_in_dim3A_759 : vector<16x1xi32> to vector<16xi32>
          %gather3A_761 = tpu.dynamic_gather %add3A_755[%gather3A_760] in [0] : vector<16xf32>, vector<16xi32> -> vector<16xf32>
          %add3A_762 = arith.addf %add3A_755, %gather3A_761 : vector<16xf32>
          %xor3A_763 = arith.constant 1 : i32
          %xor3A_764 = vector.broadcast %xor3A_763 : i32 to vector<16xi32>
          %xor3A_765 = arith.xori %iota3A, %xor3A_764 : vector<16xi32>
          %broadcast_in_dim3A_766 = vector.shape_cast %xor3A_765 : vector<16xi32> to vector<16x1xi32>
          %gather3A_767 = vector.shape_cast %broadcast_in_dim3A_766 : vector<16x1xi32> to vector<16xi32>
          %gather3A_768 = tpu.dynamic_gather %add3A_762[%gather3A_767] in [0] : vector<16xf32>, vector<16xi32> -> vector<16xf32>
          %add3A_769 = arith.addf %add3A_762, %gather3A_768 : vector<16xf32>
          %select_n3A_770 = arith.select %eq3A_743, %add3A_769, %scan3A_305 : vector<16xi1>, vector<16xf32>
          scf.yield %select_n3A_770 : vector<16xf32>
        }
        %scan3A_297 = arith.constant 16 : i32
        %mul3A_298 = arith.constant 16 : i32
        %mul3A_299 = arith.muli %scan3A_290, %mul3A_298 : i32
        %add3A_300 = arith.addi %mul3A_115, %mul3A_299 : i32
        %swap3A = arith.index_cast %add3A_300 : i32 to index
        %swap3A_301 = tpu.vector_load %arg14[%swap3A] {strides = array<i32>} : memref<5280xf32, #tpu.memory_space<vmem>>, vector<16xf32>,
        %swap3A_302 = vector.shape_cast %swap3A_301 : vector<16xf32> to vector<16xf32>
        %swap3A_303 = vector.shape_cast %scan3A_296 : vector<16xf32> to vector<16xf32>
        tpu.vector_store %arg14[%swap3A], %swap3A_303 {strides = array<i32>} : memref<5280xf32, #tpu.memory_space<vmem>>, vector<16xf32>,
      }
      %scan3A_199 = arith.constant 3 : i32
      %add3A_200 = arith.constant 1 : i32
      %add3A_201 = arith.addi %mul3A_111, %add3A_200 : i32
      %mul3A_202 = arith.constant 48 : i32
      %mul3A_203 = arith.muli %add3A_201, %mul3A_202 : i32
      %add3A_204 = arith.constant 48 : i32
      %add3A_205 = arith.addi %mul3A_203, %add3A_204 : i32
      %min3A_206 = arith.minsi %add3A_205, %mul3A_16 : i32
      %dma_start3A_207 = arith.constant 0 : i32
      %dma_start3A_208 = arith.constant 0 : i32
      %dma_start3A_209 = arith.constant 0 : i32
      %dma_start3A_210 = arith.constant 0 : i32
      %dma_start3A_211 = tpu.memref_slice %arg11[%dma_start3A_207, %dma_start3A_209, %dma_start3A_210] : memref<2x48x256xf32, #tpu.memory_space<vmem>> -> memref<1x48x256xf32, #tpu.memory_space<vmem>>
      %dma_start3A_212 = tpu.memref_squeeze %dma_start3A_211 : memref<1x48x256xf32, #tpu.memory_space<vmem>> -> memref<48x256xf32, #tpu.memory_space<vmem>>
      %dma_start3A_213 = tpu.memref_slice %arg8[%min3A_206] : memref<5280xi32, #tpu.memory_space<vmem>> -> memref<48xi32, #tpu.memory_space<vmem>>
      %dma_start3A_214 = arith.constant 0 : i32
      %dma_start3A_215 = arith.constant 0 : i32
      %dma_start3A_216 = tpu.memref_slice %arg2[%dma_start3A_214, %dma_start3A_215] : memref<10000x256xf32, #tpu.memory_space<hbm>> -> memref<10000x256xf32, #tpu.memory_space<hbm>>
      %dma_start3A_217 = tpu.memref_slice %arg15[%dma_start3A_208] : memref<2x!tpu.dma_semaphore, #tpu.memory_space<semaphore_mem>> -> memref<1x!tpu.dma_semaphore, #tpu.memory_space<semaphore_mem>>
      %dma_start3A_218 = tpu.memref_squeeze %dma_start3A_217 : memref<1x!tpu.dma_semaphore, #tpu.memory_space<semaphore_mem>> -> memref<!tpu.dma_semaphore, #tpu.memory_space<semaphore_mem>>
      tpu.enqueue_indirect_dma source(%dma_start3A_216 : memref<10000x256xf32, #tpu.memory_space<hbm>>) target(%dma_start3A_212 : memref<48x256xf32, #tpu.memory_space<vmem>>) offsets(%dma_start3A_213 : memref<48xi32, #tpu.memory_space<vmem>>) semaphore(%dma_start3A_218 : memref<!tpu.dma_semaphore, #tpu.memory_space<semaphore_mem>>)
      %dma_start3A_219 = arith.constant 0 : i32
      %dma_start3A_220 = arith.constant 0 : i32
      %dma_start3A_221 = arith.constant 0 : i32
      %dma_start3A_222 = arith.constant 0 : i32
      %dma_start3A_223 = tpu.memref_slice %arg12[%dma_start3A_219, %dma_start3A_221, %dma_start3A_222] : memref<2x48x256xf32, #tpu.memory_space<vmem>> -> memref<1x48x256xf32, #tpu.memory_space<vmem>>
      %dma_start3A_224 = tpu.memref_squeeze %dma_start3A_223 : memref<1x48x256xf32, #tpu.memory_space<vmem>> -> memref<48x256xf32, #tpu.memory_space<vmem>>
      %dma_start3A_225 = tpu.memref_slice %arg9[%min3A_206] : memref<5280xi32, #tpu.memory_space<vmem>> -> memref<48xi32, #tpu.memory_space<vmem>>
      %dma_start3A_226 = arith.constant 0 : i32
      %dma_start3A_227 = arith.constant 0 : i32
      %dma_start3A_228 = tpu.memref_slice %arg2[%dma_start3A_226, %dma_start3A_227] : memref<10000x256xf32, #tpu.memory_space<hbm>> -> memref<10000x256xf32, #tpu.memory_space<hbm>>
      %dma_start3A_229 = tpu.memref_slice %arg15[%dma_start3A_220] : memref<2x!tpu.dma_semaphore, #tpu.memory_space<semaphore_mem>> -> memref<1x!tpu.dma_semaphore, #tpu.memory_space<semaphore_mem>>
      %dma_start3A_230 = tpu.memref_squeeze %dma_start3A_229 : memref<1x!tpu.dma_semaphore, #tpu.memory_space<semaphore_mem>> -> memref<!tpu.dma_semaphore, #tpu.memory_space<semaphore_mem>>
      tpu.enqueue_indirect_dma source(%dma_start3A_228 : memref<10000x256xf32, #tpu.memory_space<hbm>>) target(%dma_start3A_224 : memref<48x256xf32, #tpu.memory_space<vmem>>) offsets(%dma_start3A_225 : memref<48xi32, #tpu.memory_space<vmem>>) semaphore(%dma_start3A_230 : memref<!tpu.dma_semaphore, #tpu.memory_space<semaphore_mem>>)
      %dma_start3A_231 = arith.constant 0 : i32
      %dma_start3A_232 = arith.constant 0 : i32
      %dma_start3A_233 = arith.constant 0 : i32
      %dma_start3A_234 = arith.constant 0 : i32
      %dma_start3A_235 = tpu.memref_slice %arg13[%dma_start3A_231, %dma_start3A_233, %dma_start3A_234] : memref<2x48x256xf32, #tpu.memory_space<vmem>> -> memref<1x48x256xf32, #tpu.memory_space<vmem>>
      %dma_start3A_236 = tpu.memref_squeeze %dma_start3A_235 : memref<1x48x256xf32, #tpu.memory_space<vmem>> -> memref<48x256xf32, #tpu.memory_space<vmem>>
      %dma_start3A_237 = tpu.memref_slice %arg10[%min3A_206] : memref<5280xi32, #tpu.memory_space<vmem>> -> memref<48xi32, #tpu.memory_space<vmem>>
      %dma_start3A_238 = arith.constant 0 : i32
      %dma_start3A_239 = arith.constant 0 : i32
      %dma_start3A_240 = tpu.memref_slice %arg6[%dma_start3A_238, %dma_start3A_239] : memref<500x256xf32, #tpu.memory_space<hbm>> -> memref<500x256xf32, #tpu.memory_space<hbm>>
      %dma_start3A_241 = tpu.memref_slice %arg15[%dma_start3A_232] : memref<2x!tpu.dma_semaphore, #tpu.memory_space<semaphore_mem>> -> memref<1x!tpu.dma_semaphore, #tpu.memory_space<semaphore_mem>>
      %dma_start3A_242 = tpu.memref_squeeze %dma_start3A_241 : memref<1x!tpu.dma_semaphore, #tpu.memory_space<semaphore_mem>> -> memref<!tpu.dma_semaphore, #tpu.memory_space<semaphore_mem>>
      tpu.enqueue_indirect_dma source(%dma_start3A_240 : memref<500x256xf32, #tpu.memory_space<hbm>>) target(%dma_start3A_236 : memref<48x256xf32, #tpu.memory_space<vmem>>) offsets(%dma_start3A_237 : memref<48xi32, #tpu.memory_space<vmem>>) semaphore(%dma_start3A_242 : memref<!tpu.dma_semaphore, #tpu.memory_space<semaphore_mem>>)
      %dma_wait3A_243 = arith.constant 1 : i32
      %dma_wait3A_244 = arith.constant 1 : i32
      %dma_wait3A_245 = arith.constant 0 : i32
      %dma_wait3A_246 = arith.constant 0 : i32
      %dma_wait3A_247 = tpu.memref_slice %arg11[%dma_wait3A_243, %dma_wait3A_245, %dma_wait3A_246] : memref<2x48x256xf32, #tpu.memory_space<vmem>> -> memref<1x48x256xf32, #tpu.memory_space<vmem>>
      %dma_wait3A_248 = tpu.memref_squeeze %dma_wait3A_247 : memref<1x48x256xf32, #tpu.memory_space<vmem>> -> memref<48x256xf32, #tpu.memory_space<vmem>>
      %dma_wait3A_249 = arith.constant 0 : i32
      %dma_wait3A_250 = tpu.memref_slice %arg8[%dma_wait3A_249] : memref<5280xi32, #tpu.memory_space<vmem>> -> memref<48xi32, #tpu.memory_space<vmem>>
      %dma_wait3A_251 = arith.constant 0 : i32
      %dma_wait3A_252 = arith.constant 0 : i32
      %dma_wait3A_253 = tpu.memref_slice %arg2[%dma_wait3A_251, %dma_wait3A_252] : memref<10000x256xf32, #tpu.memory_space<hbm>> -> memref<10000x256xf32, #tpu.memory_space<hbm>>
      %dma_wait3A_254 = tpu.memref_slice %arg15[%dma_wait3A_244] : memref<2x!tpu.dma_semaphore, #tpu.memory_space<semaphore_mem>> -> memref<1x!tpu.dma_semaphore, #tpu.memory_space<semaphore_mem>>
      %dma_wait3A_255 = tpu.memref_squeeze %dma_wait3A_254 : memref<1x!tpu.dma_semaphore, #tpu.memory_space<semaphore_mem>> -> memref<!tpu.dma_semaphore, #tpu.memory_space<semaphore_mem>>
      tpu.wait_indirect_dma semaphore(%dma_wait3A_255 : memref<!tpu.dma_semaphore, #tpu.memory_space<semaphore_mem>>) src(%dma_wait3A_253 : memref<10000x256xf32, #tpu.memory_space<hbm>>) dst(%dma_wait3A_248 : memref<48x256xf32, #tpu.memory_space<vmem>>)
      %dma_wait3A_256 = arith.constant 1 : i32
      %dma_wait3A_257 = arith.constant 1 : i32
      %dma_wait3A_258 = arith.constant 0 : i32
      %dma_wait3A_259 = arith.constant 0 : i32
      %dma_wait3A_260 = tpu.memref_slice %arg12[%dma_wait3A_256, %dma_wait3A_258, %dma_wait3A_259] : memref<2x48x256xf32, #tpu.memory_space<vmem>> -> memref<1x48x256xf32, #tpu.memory_space<vmem>>
      %dma_wait3A_261 = tpu.memref_squeeze %dma_wait3A_260 : memref<1x48x256xf32, #tpu.memory_space<vmem>> -> memref<48x256xf32, #tpu.memory_space<vmem>>
      %dma_wait3A_262 = arith.constant 0 : i32
      %dma_wait3A_263 = tpu.memref_slice %arg9[%dma_wait3A_262] : memref<5280xi32, #tpu.memory_space<vmem>> -> memref<48xi32, #tpu.memory_space<vmem>>
      %dma_wait3A_264 = arith.constant 0 : i32
      %dma_wait3A_265 = arith.constant 0 : i32
      %dma_wait3A_266 = tpu.memref_slice %arg2[%dma_wait3A_264, %dma_wait3A_265] : memref<10000x256xf32, #tpu.memory_space<hbm>> -> memref<10000x256xf32, #tpu.memory_space<hbm>>
      %dma_wait3A_267 = tpu.memref_slice %arg15[%dma_wait3A_257] : memref<2x!tpu.dma_semaphore, #tpu.memory_space<semaphore_mem>> -> memref<1x!tpu.dma_semaphore, #tpu.memory_space<semaphore_mem>>
      %dma_wait3A_268 = tpu.memref_squeeze %dma_wait3A_267 : memref<1x!tpu.dma_semaphore, #tpu.memory_space<semaphore_mem>> -> memref<!tpu.dma_semaphore, #tpu.memory_space<semaphore_mem>>
      tpu.wait_indirect_dma semaphore(%dma_wait3A_268 : memref<!tpu.dma_semaphore, #tpu.memory_space<semaphore_mem>>) src(%dma_wait3A_266 : memref<10000x256xf32, #tpu.memory_space<hbm>>) dst(%dma_wait3A_261 : memref<48x256xf32, #tpu.memory_space<vmem>>)
      %dma_wait3A_269 = arith.constant 1 : i32
      %dma_wait3A_270 = arith.constant 1 : i32
      %dma_wait3A_271 = arith.constant 0 : i32
      %dma_wait3A_272 = arith.constant 0 : i32
      %dma_wait3A_273 = tpu.memref_slice %arg13[%dma_wait3A_269, %dma_wait3A_271, %dma_wait3A_272] : memref<2x48x256xf32, #tpu.memory_space<vmem>> -> memref<1x48x256xf32, #tpu.memory_space<vmem>>
      %dma_wait3A_274 = tpu.memref_squeeze %dma_wait3A_273 : memref<1x48x256xf32, #tpu.memory_space<vmem>> -> memref<48x256xf32, #tpu.memory_space<vmem>>
      %dma_wait3A_275 = arith.constant 0 : i32
      %dma_wait3A_276 = tpu.memref_slice %arg10[%dma_wait3A_275] : memref<5280xi32, #tpu.memory_space<vmem>> -> memref<48xi32, #tpu.memory_space<vmem>>
      %dma_wait3A_277 = arith.constant 0 : i32
      %dma_wait3A_278 = arith.constant 0 : i32
      %dma_wait3A_279 = tpu.memref_slice %arg6[%dma_wait3A_277, %dma_wait3A_278] : memref<500x256xf32, #tpu.memory_space<hbm>> -> memref<500x256xf32, #tpu.memory_space<hbm>>
      %dma_wait3A_280 = tpu.memref_slice %arg15[%dma_wait3A_270] : memref<2x!tpu.dma_semaphore, #tpu.memory_space<semaphore_mem>> -> memref<1x!tpu.dma_semaphore, #tpu.memory_space<semaphore_mem>>
      %dma_wait3A_281 = tpu.memref_squeeze %dma_wait3A_280 : memref<1x!tpu.dma_semaphore, #tpu.memory_space<semaphore_mem>> -> memref<!tpu.dma_semaphore, #tpu.memory_space<semaphore_mem>>
      tpu.wait_indirect_dma semaphore(%dma_wait3A_281 : memref<!tpu.dma_semaphore, #tpu.memory_space<semaphore_mem>>) src(%dma_wait3A_279 : memref<500x256xf32, #tpu.memory_space<hbm>>) dst(%dma_wait3A_274 : memref<48x256xf32, #tpu.memory_space<vmem>>)
      %scan3A_282 = arith.constant 1 : i32
      %scan3A_283 = arith.constant 1 : i32
      %scan3A_284 = arith.constant 1 : i32
      %scan3A_285 = arith.constant 0 : i32
      %scan3A_286 = arith.constant 3 : i32
      %scan3A_287 = arith.addi %scan3A_285, %scan3A_286 : i32
      %scan3A_288 = arith.constant 1 : i32
      scf.for %scan3A_290 = %scan3A_285 to %scan3A_287 step %scan3A_288  : i32 {
        %broadcast_in_dim3A = arith.constant 0.000000e+00 : f32
        %broadcast_in_dim3A_291 = vector.broadcast %broadcast_in_dim3A : f32 to vector<16xf32>
        %scan3A_292 = arith.constant 0 : i32
        %scan3A_293 = arith.constant 16 : i32
        %scan3A_294 = arith.addi %scan3A_292, %scan3A_293 : i32
        %scan3A_295 = arith.constant 1 : i32
        %scan3A_296 = scf.for %scan3A_304 = %scan3A_292 to %scan3A_294 step %scan3A_295 iter_args(%scan3A_305 = %broadcast_in_dim3A_291) -> (vector<16xf32>)  : i32 {
          %mul3A_306 = arith.constant 16 : i32
          %mul3A_307 = arith.muli %scan3A_290, %mul3A_306 : i32
          %add3A_308 = arith.addi %mul3A_307, %scan3A_304 : i32
          %broadcast_in_dim3A_309 = arith.constant 0.000000e+00 : f32
          %broadcast_in_dim3A_310 = vector.broadcast %broadcast_in_dim3A_309 : f32 to vector<16xf32>
          %get3A = arith.constant 0 : i32
          %get3A_311 = arith.constant 0 : i32
          %get3A_312 = tpu.memref_slice %arg11[%scan3A_282, %get3A, %get3A_311] : memref<2x48x256xf32, #tpu.memory_space<vmem>> -> memref<1x48x256xf32, #tpu.memory_space<vmem>>
          %get3A_313 = tpu.memref_squeeze %get3A_312 : memref<1x48x256xf32, #tpu.memory_space<vmem>> -> memref<48x256xf32, #tpu.memory_space<vmem>>
          %get3A_314 = arith.index_cast %add3A_308 : i32 to index
          %get3A_315 = arith.constant 0 : index
          %get3A_316 = tpu.vector_load %get3A_313[%get3A_314, %get3A_315] {strides = array<i32>} : memref<48x256xf32, #tpu.memory_space<vmem>>, vector<1x16xf32>,
          %get3A_317 = vector.shape_cast %get3A_316 : vector<1x16xf32> to vector<16xf32>
          %get3A_318 = arith.constant 0 : i32
          %get3A_319 = arith.constant 0 : i32
          %get3A_320 = tpu.memref_slice %arg13[%scan3A_283, %get3A_318, %get3A_319] : memref<2x48x256xf32, #tpu.memory_space<vmem>> -> memref<1x48x256xf32, #tpu.memory_space<vmem>>
          %get3A_321 = tpu.memref_squeeze %get3A_320 : memref<1x48x256xf32, #tpu.memory_space<vmem>> -> memref<48x256xf32, #tpu.memory_space<vmem>>
          %get3A_322 = arith.index_cast %add3A_308 : i32 to index
          %get3A_323 = arith.constant 0 : index
          %get3A_324 = tpu.vector_load %get3A_321[%get3A_322, %get3A_323] {strides = array<i32>} : memref<48x256xf32, #tpu.memory_space<vmem>>, vector<1x16xf32>,
          %get3A_325 = vector.shape_cast %get3A_324 : vector<1x16xf32> to vector<16xf32>
          %mul3A_326 = arith.mulf %get3A_317, %get3A_325 : vector<16xf32>
          %get3A_327 = arith.constant 0 : i32
          %get3A_328 = arith.constant 0 : i32
          %get3A_329 = tpu.memref_slice %arg12[%scan3A_284, %get3A_327, %get3A_328] : memref<2x48x256xf32, #tpu.memory_space<vmem>> -> memref<1x48x256xf32, #tpu.memory_space<vmem>>
          %get3A_330 = tpu.memref_squeeze %get3A_329 : memref<1x48x256xf32, #tpu.memory_space<vmem>> -> memref<48x256xf32, #tpu.memory_space<vmem>>
          %get3A_331 = arith.index_cast %add3A_308 : i32 to index
          %get3A_332 = arith.constant 0 : index
          %get3A_333 = tpu.vector_load %get3A_330[%get3A_331, %get3A_332] {strides = array<i32>} : memref<48x256xf32, #tpu.memory_space<vmem>>, vector<1x16xf32>,
          %get3A_334 = vector.shape_cast %get3A_333 : vector<1x16xf32> to vector<16xf32>
          %mul3A_335 = arith.mulf %mul3A_326, %get3A_334 : vector<16xf32>
          %add3A_336 = arith.addf %broadcast_in_dim3A_310, %mul3A_335 : vector<16xf32>
          %get3A_337 = arith.constant 0 : i32
          %get3A_338 = arith.constant 0 : i32
          %get3A_339 = tpu.memref_slice %arg11[%scan3A_282, %get3A_337, %get3A_338] : memref<2x48x256xf32, #tpu.memory_space<vmem>> -> memref<1x48x256xf32, #tpu.memory_space<vmem>>
          %get3A_340 = tpu.memref_squeeze %get3A_339 : memref<1x48x256xf32, #tpu.memory_space<vmem>> -> memref<48x256xf32, #tpu.memory_space<vmem>>
          %get3A_341 = arith.index_cast %add3A_308 : i32 to index
          %get3A_342 = arith.constant 16 : index
          %get3A_343 = tpu.vector_load %get3A_340[%get3A_341, %get3A_342] {strides = array<i32>} : memref<48x256xf32, #tpu.memory_space<vmem>>, vector<1x16xf32>,
          %get3A_344 = vector.shape_cast %get3A_343 : vector<1x16xf32> to vector<16xf32>
          %get3A_345 = arith.constant 0 : i32
          %get3A_346 = arith.constant 0 : i32
          %get3A_347 = tpu.memref_slice %arg13[%scan3A_283, %get3A_345, %get3A_346] : memref<2x48x256xf32, #tpu.memory_space<vmem>> -> memref<1x48x256xf32, #tpu.memory_space<vmem>>
          %get3A_348 = tpu.memref_squeeze %get3A_347 : memref<1x48x256xf32, #tpu.memory_space<vmem>> -> memref<48x256xf32, #tpu.memory_space<vmem>>
          %get3A_349 = arith.index_cast %add3A_308 : i32 to index
          %get3A_350 = arith.constant 16 : index
          %get3A_351 = tpu.vector_load %get3A_348[%get3A_349, %get3A_350] {strides = array<i32>} : memref<48x256xf32, #tpu.memory_space<vmem>>, vector<1x16xf32>,
          %get3A_352 = vector.shape_cast %get3A_351 : vector<1x16xf32> to vector<16xf32>
          %mul3A_353 = arith.mulf %get3A_344, %get3A_352 : vector<16xf32>
          %get3A_354 = arith.constant 0 : i32
          %get3A_355 = arith.constant 0 : i32
          %get3A_356 = tpu.memref_slice %arg12[%scan3A_284, %get3A_354, %get3A_355] : memref<2x48x256xf32, #tpu.memory_space<vmem>> -> memref<1x48x256xf32, #tpu.memory_space<vmem>>
          %get3A_357 = tpu.memref_squeeze %get3A_356 : memref<1x48x256xf32, #tpu.memory_space<vmem>> -> memref<48x256xf32, #tpu.memory_space<vmem>>
          %get3A_358 = arith.index_cast %add3A_308 : i32 to index
          %get3A_359 = arith.constant 16 : index
          %get3A_360 = tpu.vector_load %get3A_357[%get3A_358, %get3A_359] {strides = array<i32>} : memref<48x256xf32, #tpu.memory_space<vmem>>, vector<1x16xf32>,
          %get3A_361 = vector.shape_cast %get3A_360 : vector<1x16xf32> to vector<16xf32>
          %mul3A_362 = arith.mulf %mul3A_353, %get3A_361 : vector<16xf32>
          %add3A_363 = arith.addf %add3A_336, %mul3A_362 : vector<16xf32>
          %get3A_364 = arith.constant 0 : i32
          %get3A_365 = arith.constant 0 : i32
          %get3A_366 = tpu.memref_slice %arg11[%scan3A_282, %get3A_364, %get3A_365] : memref<2x48x256xf32, #tpu.memory_space<vmem>> -> memref<1x48x256xf32, #tpu.memory_space<vmem>>
          %get3A_367 = tpu.memref_squeeze %get3A_366 : memref<1x48x256xf32, #tpu.memory_space<vmem>> -> memref<48x256xf32, #tpu.memory_space<vmem>>
          %get3A_368 = arith.index_cast %add3A_308 : i32 to index
          %get3A_369 = arith.constant 32 : index
          %get3A_370 = tpu.vector_load %get3A_367[%get3A_368, %get3A_369] {strides = array<i32>} : memref<48x256xf32, #tpu.memory_space<vmem>>, vector<1x16xf32>,
          %get3A_371 = vector.shape_cast %get3A_370 : vector<1x16xf32> to vector<16xf32>
          %get3A_372 = arith.constant 0 : i32
          %get3A_373 = arith.constant 0 : i32
          %get3A_374 = tpu.memref_slice %arg13[%scan3A_283, %get3A_372, %get3A_373] : memref<2x48x256xf32, #tpu.memory_space<vmem>> -> memref<1x48x256xf32, #tpu.memory_space<vmem>>
          %get3A_375 = tpu.memref_squeeze %get3A_374 : memref<1x48x256xf32, #tpu.memory_space<vmem>> -> memref<48x256xf32, #tpu.memory_space<vmem>>
          %get3A_376 = arith.index_cast %add3A_308 : i32 to index
          %get3A_377 = arith.constant 32 : index
          %get3A_378 = tpu.vector_load %get3A_375[%get3A_376, %get3A_377] {strides = array<i32>} : memref<48x256xf32, #tpu.memory_space<vmem>>, vector<1x16xf32>,
          %get3A_379 = vector.shape_cast %get3A_378 : vector<1x16xf32> to vector<16xf32>
          %mul3A_380 = arith.mulf %get3A_371, %get3A_379 : vector<16xf32>
          %get3A_381 = arith.constant 0 : i32
          %get3A_382 = arith.constant 0 : i32
          %get3A_383 = tpu.memref_slice %arg12[%scan3A_284, %get3A_381, %get3A_382] : memref<2x48x256xf32, #tpu.memory_space<vmem>> -> memref<1x48x256xf32, #tpu.memory_space<vmem>>
          %get3A_384 = tpu.memref_squeeze %get3A_383 : memref<1x48x256xf32, #tpu.memory_space<vmem>> -> memref<48x256xf32, #tpu.memory_space<vmem>>
          %get3A_385 = arith.index_cast %add3A_308 : i32 to index
          %get3A_386 = arith.constant 32 : index
          %get3A_387 = tpu.vector_load %get3A_384[%get3A_385, %get3A_386] {strides = array<i32>} : memref<48x256xf32, #tpu.memory_space<vmem>>, vector<1x16xf32>,
          %get3A_388 = vector.shape_cast %get3A_387 : vector<1x16xf32> to vector<16xf32>
          %mul3A_389 = arith.mulf %mul3A_380, %get3A_388 : vector<16xf32>
          %add3A_390 = arith.addf %add3A_363, %mul3A_389 : vector<16xf32>
          %get3A_391 = arith.constant 0 : i32
          %get3A_392 = arith.constant 0 : i32
          %get3A_393 = tpu.memref_slice %arg11[%scan3A_282, %get3A_391, %get3A_392] : memref<2x48x256xf32, #tpu.memory_space<vmem>> -> memref<1x48x256xf32, #tpu.memory_space<vmem>>
          %get3A_394 = tpu.memref_squeeze %get3A_393 : memref<1x48x256xf32, #tpu.memory_space<vmem>> -> memref<48x256xf32, #tpu.memory_space<vmem>>
          %get3A_395 = arith.index_cast %add3A_308 : i32 to index
          %get3A_396 = arith.constant 48 : index
          %get3A_397 = tpu.vector_load %get3A_394[%get3A_395, %get3A_396] {strides = array<i32>} : memref<48x256xf32, #tpu.memory_space<vmem>>, vector<1x16xf32>,
          %get3A_398 = vector.shape_cast %get3A_397 : vector<1x16xf32> to vector<16xf32>
          %get3A_399 = arith.constant 0 : i32
          %get3A_400 = arith.constant 0 : i32
          %get3A_401 = tpu.memref_slice %arg13[%scan3A_283, %get3A_399, %get3A_400] : memref<2x48x256xf32, #tpu.memory_space<vmem>> -> memref<1x48x256xf32, #tpu.memory_space<vmem>>
          %get3A_402 = tpu.memref_squeeze %get3A_401 : memref<1x48x256xf32, #tpu.memory_space<vmem>> -> memref<48x256xf32, #tpu.memory_space<vmem>>
          %get3A_403 = arith.index_cast %add3A_308 : i32 to index
          %get3A_404 = arith.constant 48 : index
          %get3A_405 = tpu.vector_load %get3A_402[%get3A_403, %get3A_404] {strides = array<i32>} : memref<48x256xf32, #tpu.memory_space<vmem>>, vector<1x16xf32>,
          %get3A_406 = vector.shape_cast %get3A_405 : vector<1x16xf32> to vector<16xf32>
          %mul3A_407 = arith.mulf %get3A_398, %get3A_406 : vector<16xf32>
          %get3A_408 = arith.constant 0 : i32
          %get3A_409 = arith.constant 0 : i32
          %get3A_410 = tpu.memref_slice %arg12[%scan3A_284, %get3A_408, %get3A_409] : memref<2x48x256xf32, #tpu.memory_space<vmem>> -> memref<1x48x256xf32, #tpu.memory_space<vmem>>
          %get3A_411 = tpu.memref_squeeze %get3A_410 : memref<1x48x256xf32, #tpu.memory_space<vmem>> -> memref<48x256xf32, #tpu.memory_space<vmem>>
          %get3A_412 = arith.index_cast %add3A_308 : i32 to index
          %get3A_413 = arith.constant 48 : index
          %get3A_414 = tpu.vector_load %get3A_411[%get3A_412, %get3A_413] {strides = array<i32>} : memref<48x256xf32, #tpu.memory_space<vmem>>, vector<1x16xf32>,
          %get3A_415 = vector.shape_cast %get3A_414 : vector<1x16xf32> to vector<16xf32>
          %mul3A_416 = arith.mulf %mul3A_407, %get3A_415 : vector<16xf32>
          %add3A_417 = arith.addf %add3A_390, %mul3A_416 : vector<16xf32>
          %get3A_418 = arith.constant 0 : i32
          %get3A_419 = arith.constant 0 : i32
          %get3A_420 = tpu.memref_slice %arg11[%scan3A_282, %get3A_418, %get3A_419] : memref<2x48x256xf32, #tpu.memory_space<vmem>> -> memref<1x48x256xf32, #tpu.memory_space<vmem>>
          %get3A_421 = tpu.memref_squeeze %get3A_420 : memref<1x48x256xf32, #tpu.memory_space<vmem>> -> memref<48x256xf32, #tpu.memory_space<vmem>>
          %get3A_422 = arith.index_cast %add3A_308 : i32 to index
          %get3A_423 = arith.constant 64 : index
          %get3A_424 = tpu.vector_load %get3A_421[%get3A_422, %get3A_423] {strides = array<i32>} : memref<48x256xf32, #tpu.memory_space<vmem>>, vector<1x16xf32>,
          %get3A_425 = vector.shape_cast %get3A_424 : vector<1x16xf32> to vector<16xf32>
          %get3A_426 = arith.constant 0 : i32
          %get3A_427 = arith.constant 0 : i32
          %get3A_428 = tpu.memref_slice %arg13[%scan3A_283, %get3A_426, %get3A_427] : memref<2x48x256xf32, #tpu.memory_space<vmem>> -> memref<1x48x256xf32, #tpu.memory_space<vmem>>
          %get3A_429 = tpu.memref_squeeze %get3A_428 : memref<1x48x256xf32, #tpu.memory_space<vmem>> -> memref<48x256xf32, #tpu.memory_space<vmem>>
          %get3A_430 = arith.index_cast %add3A_308 : i32 to index
          %get3A_431 = arith.constant 64 : index
          %get3A_432 = tpu.vector_load %get3A_429[%get3A_430, %get3A_431] {strides = array<i32>} : memref<48x256xf32, #tpu.memory_space<vmem>>, vector<1x16xf32>,
          %get3A_433 = vector.shape_cast %get3A_432 : vector<1x16xf32> to vector<16xf32>
          %mul3A_434 = arith.mulf %get3A_425, %get3A_433 : vector<16xf32>
          %get3A_435 = arith.constant 0 : i32
          %get3A_436 = arith.constant 0 : i32
          %get3A_437 = tpu.memref_slice %arg12[%scan3A_284, %get3A_435, %get3A_436] : memref<2x48x256xf32, #tpu.memory_space<vmem>> -> memref<1x48x256xf32, #tpu.memory_space<vmem>>
          %get3A_438 = tpu.memref_squeeze %get3A_437 : memref<1x48x256xf32, #tpu.memory_space<vmem>> -> memref<48x256xf32, #tpu.memory_space<vmem>>
          %get3A_439 = arith.index_cast %add3A_308 : i32 to index
          %get3A_440 = arith.constant 64 : index
          %get3A_441 = tpu.vector_load %get3A_438[%get3A_439, %get3A_440] {strides = array<i32>} : memref<48x256xf32, #tpu.memory_space<vmem>>, vector<1x16xf32>,
          %get3A_442 = vector.shape_cast %get3A_441 : vector<1x16xf32> to vector<16xf32>
          %mul3A_443 = arith.mulf %mul3A_434, %get3A_442 : vector<16xf32>
          %add3A_444 = arith.addf %add3A_417, %mul3A_443 : vector<16xf32>
          %get3A_445 = arith.constant 0 : i32
          %get3A_446 = arith.constant 0 : i32
          %get3A_447 = tpu.memref_slice %arg11[%scan3A_282, %get3A_445, %get3A_446] : memref<2x48x256xf32, #tpu.memory_space<vmem>> -> memref<1x48x256xf32, #tpu.memory_space<vmem>>
          %get3A_448 = tpu.memref_squeeze %get3A_447 : memref<1x48x256xf32, #tpu.memory_space<vmem>> -> memref<48x256xf32, #tpu.memory_space<vmem>>
          %get3A_449 = arith.index_cast %add3A_308 : i32 to index
          %get3A_450 = arith.constant 80 : index
          %get3A_451 = tpu.vector_load %get3A_448[%get3A_449, %get3A_450] {strides = array<i32>} : memref<48x256xf32, #tpu.memory_space<vmem>>, vector<1x16xf32>,
          %get3A_452 = vector.shape_cast %get3A_451 : vector<1x16xf32> to vector<16xf32>
          %get3A_453 = arith.constant 0 : i32
          %get3A_454 = arith.constant 0 : i32
          %get3A_455 = tpu.memref_slice %arg13[%scan3A_283, %get3A_453, %get3A_454] : memref<2x48x256xf32, #tpu.memory_space<vmem>> -> memref<1x48x256xf32, #tpu.memory_space<vmem>>
          %get3A_456 = tpu.memref_squeeze %get3A_455 : memref<1x48x256xf32, #tpu.memory_space<vmem>> -> memref<48x256xf32, #tpu.memory_space<vmem>>
          %get3A_457 = arith.index_cast %add3A_308 : i32 to index
          %get3A_458 = arith.constant 80 : index
          %get3A_459 = tpu.vector_load %get3A_456[%get3A_457, %get3A_458] {strides = array<i32>} : memref<48x256xf32, #tpu.memory_space<vmem>>, vector<1x16xf32>,
          %get3A_460 = vector.shape_cast %get3A_459 : vector<1x16xf32> to vector<16xf32>
          %mul3A_461 = arith.mulf %get3A_452, %get3A_460 : vector<16xf32>
          %get3A_462 = arith.constant 0 : i32
          %get3A_463 = arith.constant 0 : i32
          %get3A_464 = tpu.memref_slice %arg12[%scan3A_284, %get3A_462, %get3A_463] : memref<2x48x256xf32, #tpu.memory_space<vmem>> -> memref<1x48x256xf32, #tpu.memory_space<vmem>>
          %get3A_465 = tpu.memref_squeeze %get3A_464 : memref<1x48x256xf32, #tpu.memory_space<vmem>> -> memref<48x256xf32, #tpu.memory_space<vmem>>
          %get3A_466 = arith.index_cast %add3A_308 : i32 to index
          %get3A_467 = arith.constant 80 : index
          %get3A_468 = tpu.vector_load %get3A_465[%get3A_466, %get3A_467] {strides = array<i32>} : memref<48x256xf32, #tpu.memory_space<vmem>>, vector<1x16xf32>,
          %get3A_469 = vector.shape_cast %get3A_468 : vector<1x16xf32> to vector<16xf32>
          %mul3A_470 = arith.mulf %mul3A_461, %get3A_469 : vector<16xf32>
          %add3A_471 = arith.addf %add3A_444, %mul3A_470 : vector<16xf32>
          %get3A_472 = arith.constant 0 : i32
          %get3A_473 = arith.constant 0 : i32
          %get3A_474 = tpu.memref_slice %arg11[%scan3A_282, %get3A_472, %get3A_473] : memref<2x48x256xf32, #tpu.memory_space<vmem>> -> memref<1x48x256xf32, #tpu.memory_space<vmem>>
          %get3A_475 = tpu.memref_squeeze %get3A_474 : memref<1x48x256xf32, #tpu.memory_space<vmem>> -> memref<48x256xf32, #tpu.memory_space<vmem>>
          %get3A_476 = arith.index_cast %add3A_308 : i32 to index
          %get3A_477 = arith.constant 96 : index
          %get3A_478 = tpu.vector_load %get3A_475[%get3A_476, %get3A_477] {strides = array<i32>} : memref<48x256xf32, #tpu.memory_space<vmem>>, vector<1x16xf32>,
          %get3A_479 = vector.shape_cast %get3A_478 : vector<1x16xf32> to vector<16xf32>
          %get3A_480 = arith.constant 0 : i32
          %get3A_481 = arith.constant 0 : i32
          %get3A_482 = tpu.memref_slice %arg13[%scan3A_283, %get3A_480, %get3A_481] : memref<2x48x256xf32, #tpu.memory_space<vmem>> -> memref<1x48x256xf32, #tpu.memory_space<vmem>>
          %get3A_483 = tpu.memref_squeeze %get3A_482 : memref<1x48x256xf32, #tpu.memory_space<vmem>> -> memref<48x256xf32, #tpu.memory_space<vmem>>
          %get3A_484 = arith.index_cast %add3A_308 : i32 to index
          %get3A_485 = arith.constant 96 : index
          %get3A_486 = tpu.vector_load %get3A_483[%get3A_484, %get3A_485] {strides = array<i32>} : memref<48x256xf32, #tpu.memory_space<vmem>>, vector<1x16xf32>,
          %get3A_487 = vector.shape_cast %get3A_486 : vector<1x16xf32> to vector<16xf32>
          %mul3A_488 = arith.mulf %get3A_479, %get3A_487 : vector<16xf32>
          %get3A_489 = arith.constant 0 : i32
          %get3A_490 = arith.constant 0 : i32
          %get3A_491 = tpu.memref_slice %arg12[%scan3A_284, %get3A_489, %get3A_490] : memref<2x48x256xf32, #tpu.memory_space<vmem>> -> memref<1x48x256xf32, #tpu.memory_space<vmem>>
          %get3A_492 = tpu.memref_squeeze %get3A_491 : memref<1x48x256xf32, #tpu.memory_space<vmem>> -> memref<48x256xf32, #tpu.memory_space<vmem>>
          %get3A_493 = arith.index_cast %add3A_308 : i32 to index
          %get3A_494 = arith.constant 96 : index
          %get3A_495 = tpu.vector_load %get3A_492[%get3A_493, %get3A_494] {strides = array<i32>} : memref<48x256xf32, #tpu.memory_space<vmem>>, vector<1x16xf32>,
          %get3A_496 = vector.shape_cast %get3A_495 : vector<1x16xf32> to vector<16xf32>
          %mul3A_497 = arith.mulf %mul3A_488, %get3A_496 : vector<16xf32>
          %add3A_498 = arith.addf %add3A_471, %mul3A_497 : vector<16xf32>
          %get3A_499 = arith.constant 0 : i32
          %get3A_500 = arith.constant 0 : i32
          %get3A_501 = tpu.memref_slice %arg11[%scan3A_282, %get3A_499, %get3A_500] : memref<2x48x256xf32, #tpu.memory_space<vmem>> -> memref<1x48x256xf32, #tpu.memory_space<vmem>>
          %get3A_502 = tpu.memref_squeeze %get3A_501 : memref<1x48x256xf32, #tpu.memory_space<vmem>> -> memref<48x256xf32, #tpu.memory_space<vmem>>
          %get3A_503 = arith.index_cast %add3A_308 : i32 to index
          %get3A_504 = arith.constant 112 : index
          %get3A_505 = tpu.vector_load %get3A_502[%get3A_503, %get3A_504] {strides = array<i32>} : memref<48x256xf32, #tpu.memory_space<vmem>>, vector<1x16xf32>,
          %get3A_506 = vector.shape_cast %get3A_505 : vector<1x16xf32> to vector<16xf32>
          %get3A_507 = arith.constant 0 : i32
          %get3A_508 = arith.constant 0 : i32
          %get3A_509 = tpu.memref_slice %arg13[%scan3A_283, %get3A_507, %get3A_508] : memref<2x48x256xf32, #tpu.memory_space<vmem>> -> memref<1x48x256xf32, #tpu.memory_space<vmem>>
          %get3A_510 = tpu.memref_squeeze %get3A_509 : memref<1x48x256xf32, #tpu.memory_space<vmem>> -> memref<48x256xf32, #tpu.memory_space<vmem>>
          %get3A_511 = arith.index_cast %add3A_308 : i32 to index
          %get3A_512 = arith.constant 112 : index
          %get3A_513 = tpu.vector_load %get3A_510[%get3A_511, %get3A_512] {strides = array<i32>} : memref<48x256xf32, #tpu.memory_space<vmem>>, vector<1x16xf32>,
          %get3A_514 = vector.shape_cast %get3A_513 : vector<1x16xf32> to vector<16xf32>
          %mul3A_515 = arith.mulf %get3A_506, %get3A_514 : vector<16xf32>
          %get3A_516 = arith.constant 0 : i32
          %get3A_517 = arith.constant 0 : i32
          %get3A_518 = tpu.memref_slice %arg12[%scan3A_284, %get3A_516, %get3A_517] : memref<2x48x256xf32, #tpu.memory_space<vmem>> -> memref<1x48x256xf32, #tpu.memory_space<vmem>>
          %get3A_519 = tpu.memref_squeeze %get3A_518 : memref<1x48x256xf32, #tpu.memory_space<vmem>> -> memref<48x256xf32, #tpu.memory_space<vmem>>
          %get3A_520 = arith.index_cast %add3A_308 : i32 to index
          %get3A_521 = arith.constant 112 : index
          %get3A_522 = tpu.vector_load %get3A_519[%get3A_520, %get3A_521] {strides = array<i32>} : memref<48x256xf32, #tpu.memory_space<vmem>>, vector<1x16xf32>,
          %get3A_523 = vector.shape_cast %get3A_522 : vector<1x16xf32> to vector<16xf32>
          %mul3A_524 = arith.mulf %mul3A_515, %get3A_523 : vector<16xf32>
          %add3A_525 = arith.addf %add3A_498, %mul3A_524 : vector<16xf32>
          %get3A_526 = arith.constant 0 : i32
          %get3A_527 = arith.constant 0 : i32
          %get3A_528 = tpu.memref_slice %arg11[%scan3A_282, %get3A_526, %get3A_527] : memref<2x48x256xf32, #tpu.memory_space<vmem>> -> memref<1x48x256xf32, #tpu.memory_space<vmem>>
          %get3A_529 = tpu.memref_squeeze %get3A_528 : memref<1x48x256xf32, #tpu.memory_space<vmem>> -> memref<48x256xf32, #tpu.memory_space<vmem>>
          %get3A_530 = arith.index_cast %add3A_308 : i32 to index
          %get3A_531 = arith.constant 128 : index
          %get3A_532 = tpu.vector_load %get3A_529[%get3A_530, %get3A_531] {strides = array<i32>} : memref<48x256xf32, #tpu.memory_space<vmem>>, vector<1x16xf32>,
          %get3A_533 = vector.shape_cast %get3A_532 : vector<1x16xf32> to vector<16xf32>
          %get3A_534 = arith.constant 0 : i32
          %get3A_535 = arith.constant 0 : i32
          %get3A_536 = tpu.memref_slice %arg13[%scan3A_283, %get3A_534, %get3A_535] : memref<2x48x256xf32, #tpu.memory_space<vmem>> -> memref<1x48x256xf32, #tpu.memory_space<vmem>>
          %get3A_537 = tpu.memref_squeeze %get3A_536 : memref<1x48x256xf32, #tpu.memory_space<vmem>> -> memref<48x256xf32, #tpu.memory_space<vmem>>
          %get3A_538 = arith.index_cast %add3A_308 : i32 to index
          %get3A_539 = arith.constant 128 : index
          %get3A_540 = tpu.vector_load %get3A_537[%get3A_538, %get3A_539] {strides = array<i32>} : memref<48x256xf32, #tpu.memory_space<vmem>>, vector<1x16xf32>,
          %get3A_541 = vector.shape_cast %get3A_540 : vector<1x16xf32> to vector<16xf32>
          %mul3A_542 = arith.mulf %get3A_533, %get3A_541 : vector<16xf32>
          %get3A_543 = arith.constant 0 : i32
          %get3A_544 = arith.constant 0 : i32
          %get3A_545 = tpu.memref_slice %arg12[%scan3A_284, %get3A_543, %get3A_544] : memref<2x48x256xf32, #tpu.memory_space<vmem>> -> memref<1x48x256xf32, #tpu.memory_space<vmem>>
          %get3A_546 = tpu.memref_squeeze %get3A_545 : memref<1x48x256xf32, #tpu.memory_space<vmem>> -> memref<48x256xf32, #tpu.memory_space<vmem>>
          %get3A_547 = arith.index_cast %add3A_308 : i32 to index
          %get3A_548 = arith.constant 128 : index
          %get3A_549 = tpu.vector_load %get3A_546[%get3A_547, %get3A_548] {strides = array<i32>} : memref<48x256xf32, #tpu.memory_space<vmem>>, vector<1x16xf32>,
          %get3A_550 = vector.shape_cast %get3A_549 : vector<1x16xf32> to vector<16xf32>
          %mul3A_551 = arith.mulf %mul3A_542, %get3A_550 : vector<16xf32>
          %add3A_552 = arith.addf %add3A_525, %mul3A_551 : vector<16xf32>
          %get3A_553 = arith.constant 0 : i32
          %get3A_554 = arith.constant 0 : i32
          %get3A_555 = tpu.memref_slice %arg11[%scan3A_282, %get3A_553, %get3A_554] : memref<2x48x256xf32, #tpu.memory_space<vmem>> -> memref<1x48x256xf32, #tpu.memory_space<vmem>>
          %get3A_556 = tpu.memref_squeeze %get3A_555 : memref<1x48x256xf32, #tpu.memory_space<vmem>> -> memref<48x256xf32, #tpu.memory_space<vmem>>
          %get3A_557 = arith.index_cast %add3A_308 : i32 to index
          %get3A_558 = arith.constant 144 : index
          %get3A_559 = tpu.vector_load %get3A_556[%get3A_557, %get3A_558] {strides = array<i32>} : memref<48x256xf32, #tpu.memory_space<vmem>>, vector<1x16xf32>,
          %get3A_560 = vector.shape_cast %get3A_559 : vector<1x16xf32> to vector<16xf32>
          %get3A_561 = arith.constant 0 : i32
          %get3A_562 = arith.constant 0 : i32
          %get3A_563 = tpu.memref_slice %arg13[%scan3A_283, %get3A_561, %get3A_562] : memref<2x48x256xf32, #tpu.memory_space<vmem>> -> memref<1x48x256xf32, #tpu.memory_space<vmem>>
          %get3A_564 = tpu.memref_squeeze %get3A_563 : memref<1x48x256xf32, #tpu.memory_space<vmem>> -> memref<48x256xf32, #tpu.memory_space<vmem>>
          %get3A_565 = arith.index_cast %add3A_308 : i32 to index
          %get3A_566 = arith.constant 144 : index
          %get3A_567 = tpu.vector_load %get3A_564[%get3A_565, %get3A_566] {strides = array<i32>} : memref<48x256xf32, #tpu.memory_space<vmem>>, vector<1x16xf32>,
          %get3A_568 = vector.shape_cast %get3A_567 : vector<1x16xf32> to vector<16xf32>
          %mul3A_569 = arith.mulf %get3A_560, %get3A_568 : vector<16xf32>
          %get3A_570 = arith.constant 0 : i32
          %get3A_571 = arith.constant 0 : i32
          %get3A_572 = tpu.memref_slice %arg12[%scan3A_284, %get3A_570, %get3A_571] : memref<2x48x256xf32, #tpu.memory_space<vmem>> -> memref<1x48x256xf32, #tpu.memory_space<vmem>>
          %get3A_573 = tpu.memref_squeeze %get3A_572 : memref<1x48x256xf32, #tpu.memory_space<vmem>> -> memref<48x256xf32, #tpu.memory_space<vmem>>
          %get3A_574 = arith.index_cast %add3A_308 : i32 to index
          %get3A_575 = arith.constant 144 : index
          %get3A_576 = tpu.vector_load %get3A_573[%get3A_574, %get3A_575] {strides = array<i32>} : memref<48x256xf32, #tpu.memory_space<vmem>>, vector<1x16xf32>,
          %get3A_577 = vector.shape_cast %get3A_576 : vector<1x16xf32> to vector<16xf32>
          %mul3A_578 = arith.mulf %mul3A_569, %get3A_577 : vector<16xf32>
          %add3A_579 = arith.addf %add3A_552, %mul3A_578 : vector<16xf32>
          %get3A_580 = arith.constant 0 : i32
          %get3A_581 = arith.constant 0 : i32
          %get3A_582 = tpu.memref_slice %arg11[%scan3A_282, %get3A_580, %get3A_581] : memref<2x48x256xf32, #tpu.memory_space<vmem>> -> memref<1x48x256xf32, #tpu.memory_space<vmem>>
          %get3A_583 = tpu.memref_squeeze %get3A_582 : memref<1x48x256xf32, #tpu.memory_space<vmem>> -> memref<48x256xf32, #tpu.memory_space<vmem>>
          %get3A_584 = arith.index_cast %add3A_308 : i32 to index
          %get3A_585 = arith.constant 160 : index
          %get3A_586 = tpu.vector_load %get3A_583[%get3A_584, %get3A_585] {strides = array<i32>} : memref<48x256xf32, #tpu.memory_space<vmem>>, vector<1x16xf32>,
          %get3A_587 = vector.shape_cast %get3A_586 : vector<1x16xf32> to vector<16xf32>
          %get3A_588 = arith.constant 0 : i32
          %get3A_589 = arith.constant 0 : i32
          %get3A_590 = tpu.memref_slice %arg13[%scan3A_283, %get3A_588, %get3A_589] : memref<2x48x256xf32, #tpu.memory_space<vmem>> -> memref<1x48x256xf32, #tpu.memory_space<vmem>>
          %get3A_591 = tpu.memref_squeeze %get3A_590 : memref<1x48x256xf32, #tpu.memory_space<vmem>> -> memref<48x256xf32, #tpu.memory_space<vmem>>
          %get3A_592 = arith.index_cast %add3A_308 : i32 to index
          %get3A_593 = arith.constant 160 : index
          %get3A_594 = tpu.vector_load %get3A_591[%get3A_592, %get3A_593] {strides = array<i32>} : memref<48x256xf32, #tpu.memory_space<vmem>>, vector<1x16xf32>,
          %get3A_595 = vector.shape_cast %get3A_594 : vector<1x16xf32> to vector<16xf32>
          %mul3A_596 = arith.mulf %get3A_587, %get3A_595 : vector<16xf32>
          %get3A_597 = arith.constant 0 : i32
          %get3A_598 = arith.constant 0 : i32
          %get3A_599 = tpu.memref_slice %arg12[%scan3A_284, %get3A_597, %get3A_598] : memref<2x48x256xf32, #tpu.memory_space<vmem>> -> memref<1x48x256xf32, #tpu.memory_space<vmem>>
          %get3A_600 = tpu.memref_squeeze %get3A_599 : memref<1x48x256xf32, #tpu.memory_space<vmem>> -> memref<48x256xf32, #tpu.memory_space<vmem>>
          %get3A_601 = arith.index_cast %add3A_308 : i32 to index
          %get3A_602 = arith.constant 160 : index
          %get3A_603 = tpu.vector_load %get3A_600[%get3A_601, %get3A_602] {strides = array<i32>} : memref<48x256xf32, #tpu.memory_space<vmem>>, vector<1x16xf32>,
          %get3A_604 = vector.shape_cast %get3A_603 : vector<1x16xf32> to vector<16xf32>
          %mul3A_605 = arith.mulf %mul3A_596, %get3A_604 : vector<16xf32>
          %add3A_606 = arith.addf %add3A_579, %mul3A_605 : vector<16xf32>
          %get3A_607 = arith.constant 0 : i32
          %get3A_608 = arith.constant 0 : i32
          %get3A_609 = tpu.memref_slice %arg11[%scan3A_282, %get3A_607, %get3A_608] : memref<2x48x256xf32, #tpu.memory_space<vmem>> -> memref<1x48x256xf32, #tpu.memory_space<vmem>>
          %get3A_610 = tpu.memref_squeeze %get3A_609 : memref<1x48x256xf32, #tpu.memory_space<vmem>> -> memref<48x256xf32, #tpu.memory_space<vmem>>
          %get3A_611 = arith.index_cast %add3A_308 : i32 to index
          %get3A_612 = arith.constant 176 : index
          %get3A_613 = tpu.vector_load %get3A_610[%get3A_611, %get3A_612] {strides = array<i32>} : memref<48x256xf32, #tpu.memory_space<vmem>>, vector<1x16xf32>,
          %get3A_614 = vector.shape_cast %get3A_613 : vector<1x16xf32> to vector<16xf32>
          %get3A_615 = arith.constant 0 : i32
          %get3A_616 = arith.constant 0 : i32
          %get3A_617 = tpu.memref_slice %arg13[%scan3A_283, %get3A_615, %get3A_616] : memref<2x48x256xf32, #tpu.memory_space<vmem>> -> memref<1x48x256xf32, #tpu.memory_space<vmem>>
          %get3A_618 = tpu.memref_squeeze %get3A_617 : memref<1x48x256xf32, #tpu.memory_space<vmem>> -> memref<48x256xf32, #tpu.memory_space<vmem>>
          %get3A_619 = arith.index_cast %add3A_308 : i32 to index
          %get3A_620 = arith.constant 176 : index
          %get3A_621 = tpu.vector_load %get3A_618[%get3A_619, %get3A_620] {strides = array<i32>} : memref<48x256xf32, #tpu.memory_space<vmem>>, vector<1x16xf32>,
          %get3A_622 = vector.shape_cast %get3A_621 : vector<1x16xf32> to vector<16xf32>
          %mul3A_623 = arith.mulf %get3A_614, %get3A_622 : vector<16xf32>
          %get3A_624 = arith.constant 0 : i32
          %get3A_625 = arith.constant 0 : i32
          %get3A_626 = tpu.memref_slice %arg12[%scan3A_284, %get3A_624, %get3A_625] : memref<2x48x256xf32, #tpu.memory_space<vmem>> -> memref<1x48x256xf32, #tpu.memory_space<vmem>>
          %get3A_627 = tpu.memref_squeeze %get3A_626 : memref<1x48x256xf32, #tpu.memory_space<vmem>> -> memref<48x256xf32, #tpu.memory_space<vmem>>
          %get3A_628 = arith.index_cast %add3A_308 : i32 to index
          %get3A_629 = arith.constant 176 : index
          %get3A_630 = tpu.vector_load %get3A_627[%get3A_628, %get3A_629] {strides = array<i32>} : memref<48x256xf32, #tpu.memory_space<vmem>>, vector<1x16xf32>,
          %get3A_631 = vector.shape_cast %get3A_630 : vector<1x16xf32> to vector<16xf32>
          %mul3A_632 = arith.mulf %mul3A_623, %get3A_631 : vector<16xf32>
          %add3A_633 = arith.addf %add3A_606, %mul3A_632 : vector<16xf32>
          %get3A_634 = arith.constant 0 : i32
          %get3A_635 = arith.constant 0 : i32
          %get3A_636 = tpu.memref_slice %arg11[%scan3A_282, %get3A_634, %get3A_635] : memref<2x48x256xf32, #tpu.memory_space<vmem>> -> memref<1x48x256xf32, #tpu.memory_space<vmem>>
          %get3A_637 = tpu.memref_squeeze %get3A_636 : memref<1x48x256xf32, #tpu.memory_space<vmem>> -> memref<48x256xf32, #tpu.memory_space<vmem>>
          %get3A_638 = arith.index_cast %add3A_308 : i32 to index
          %get3A_639 = arith.constant 192 : index
          %get3A_640 = tpu.vector_load %get3A_637[%get3A_638, %get3A_639] {strides = array<i32>} : memref<48x256xf32, #tpu.memory_space<vmem>>, vector<1x16xf32>,
          %get3A_641 = vector.shape_cast %get3A_640 : vector<1x16xf32> to vector<16xf32>
          %get3A_642 = arith.constant 0 : i32
          %get3A_643 = arith.constant 0 : i32
          %get3A_644 = tpu.memref_slice %arg13[%scan3A_283, %get3A_642, %get3A_643] : memref<2x48x256xf32, #tpu.memory_space<vmem>> -> memref<1x48x256xf32, #tpu.memory_space<vmem>>
          %get3A_645 = tpu.memref_squeeze %get3A_644 : memref<1x48x256xf32, #tpu.memory_space<vmem>> -> memref<48x256xf32, #tpu.memory_space<vmem>>
          %get3A_646 = arith.index_cast %add3A_308 : i32 to index
          %get3A_647 = arith.constant 192 : index
          %get3A_648 = tpu.vector_load %get3A_645[%get3A_646, %get3A_647] {strides = array<i32>} : memref<48x256xf32, #tpu.memory_space<vmem>>, vector<1x16xf32>,
          %get3A_649 = vector.shape_cast %get3A_648 : vector<1x16xf32> to vector<16xf32>
          %mul3A_650 = arith.mulf %get3A_641, %get3A_649 : vector<16xf32>
          %get3A_651 = arith.constant 0 : i32
          %get3A_652 = arith.constant 0 : i32
          %get3A_653 = tpu.memref_slice %arg12[%scan3A_284, %get3A_651, %get3A_652] : memref<2x48x256xf32, #tpu.memory_space<vmem>> -> memref<1x48x256xf32, #tpu.memory_space<vmem>>
          %get3A_654 = tpu.memref_squeeze %get3A_653 : memref<1x48x256xf32, #tpu.memory_space<vmem>> -> memref<48x256xf32, #tpu.memory_space<vmem>>
          %get3A_655 = arith.index_cast %add3A_308 : i32 to index
          %get3A_656 = arith.constant 192 : index
          %get3A_657 = tpu.vector_load %get3A_654[%get3A_655, %get3A_656] {strides = array<i32>} : memref<48x256xf32, #tpu.memory_space<vmem>>, vector<1x16xf32>,
          %get3A_658 = vector.shape_cast %get3A_657 : vector<1x16xf32> to vector<16xf32>
          %mul3A_659 = arith.mulf %mul3A_650, %get3A_658 : vector<16xf32>
          %add3A_660 = arith.addf %add3A_633, %mul3A_659 : vector<16xf32>
          %get3A_661 = arith.constant 0 : i32
          %get3A_662 = arith.constant 0 : i32
          %get3A_663 = tpu.memref_slice %arg11[%scan3A_282, %get3A_661, %get3A_662] : memref<2x48x256xf32, #tpu.memory_space<vmem>> -> memref<1x48x256xf32, #tpu.memory_space<vmem>>
          %get3A_664 = tpu.memref_squeeze %get3A_663 : memref<1x48x256xf32, #tpu.memory_space<vmem>> -> memref<48x256xf32, #tpu.memory_space<vmem>>
          %get3A_665 = arith.index_cast %add3A_308 : i32 to index
          %get3A_666 = arith.constant 208 : index
          %get3A_667 = tpu.vector_load %get3A_664[%get3A_665, %get3A_666] {strides = array<i32>} : memref<48x256xf32, #tpu.memory_space<vmem>>, vector<1x16xf32>,
          %get3A_668 = vector.shape_cast %get3A_667 : vector<1x16xf32> to vector<16xf32>
          %get3A_669 = arith.constant 0 : i32
          %get3A_670 = arith.constant 0 : i32
          %get3A_671 = tpu.memref_slice %arg13[%scan3A_283, %get3A_669, %get3A_670] : memref<2x48x256xf32, #tpu.memory_space<vmem>> -> memref<1x48x256xf32, #tpu.memory_space<vmem>>
          %get3A_672 = tpu.memref_squeeze %get3A_671 : memref<1x48x256xf32, #tpu.memory_space<vmem>> -> memref<48x256xf32, #tpu.memory_space<vmem>>
          %get3A_673 = arith.index_cast %add3A_308 : i32 to index
          %get3A_674 = arith.constant 208 : index
          %get3A_675 = tpu.vector_load %get3A_672[%get3A_673, %get3A_674] {strides = array<i32>} : memref<48x256xf32, #tpu.memory_space<vmem>>, vector<1x16xf32>,
          %get3A_676 = vector.shape_cast %get3A_675 : vector<1x16xf32> to vector<16xf32>
          %mul3A_677 = arith.mulf %get3A_668, %get3A_676 : vector<16xf32>
          %get3A_678 = arith.constant 0 : i32
          %get3A_679 = arith.constant 0 : i32
          %get3A_680 = tpu.memref_slice %arg12[%scan3A_284, %get3A_678, %get3A_679] : memref<2x48x256xf32, #tpu.memory_space<vmem>> -> memref<1x48x256xf32, #tpu.memory_space<vmem>>
          %get3A_681 = tpu.memref_squeeze %get3A_680 : memref<1x48x256xf32, #tpu.memory_space<vmem>> -> memref<48x256xf32, #tpu.memory_space<vmem>>
          %get3A_682 = arith.index_cast %add3A_308 : i32 to index
          %get3A_683 = arith.constant 208 : index
          %get3A_684 = tpu.vector_load %get3A_681[%get3A_682, %get3A_683] {strides = array<i32>} : memref<48x256xf32, #tpu.memory_space<vmem>>, vector<1x16xf32>,
          %get3A_685 = vector.shape_cast %get3A_684 : vector<1x16xf32> to vector<16xf32>
          %mul3A_686 = arith.mulf %mul3A_677, %get3A_685 : vector<16xf32>
          %add3A_687 = arith.addf %add3A_660, %mul3A_686 : vector<16xf32>
          %get3A_688 = arith.constant 0 : i32
          %get3A_689 = arith.constant 0 : i32
          %get3A_690 = tpu.memref_slice %arg11[%scan3A_282, %get3A_688, %get3A_689] : memref<2x48x256xf32, #tpu.memory_space<vmem>> -> memref<1x48x256xf32, #tpu.memory_space<vmem>>
          %get3A_691 = tpu.memref_squeeze %get3A_690 : memref<1x48x256xf32, #tpu.memory_space<vmem>> -> memref<48x256xf32, #tpu.memory_space<vmem>>
          %get3A_692 = arith.index_cast %add3A_308 : i32 to index
          %get3A_693 = arith.constant 224 : index
          %get3A_694 = tpu.vector_load %get3A_691[%get3A_692, %get3A_693] {strides = array<i32>} : memref<48x256xf32, #tpu.memory_space<vmem>>, vector<1x16xf32>,
          %get3A_695 = vector.shape_cast %get3A_694 : vector<1x16xf32> to vector<16xf32>
          %get3A_696 = arith.constant 0 : i32
          %get3A_697 = arith.constant 0 : i32
          %get3A_698 = tpu.memref_slice %arg13[%scan3A_283, %get3A_696, %get3A_697] : memref<2x48x256xf32, #tpu.memory_space<vmem>> -> memref<1x48x256xf32, #tpu.memory_space<vmem>>
          %get3A_699 = tpu.memref_squeeze %get3A_698 : memref<1x48x256xf32, #tpu.memory_space<vmem>> -> memref<48x256xf32, #tpu.memory_space<vmem>>
          %get3A_700 = arith.index_cast %add3A_308 : i32 to index
          %get3A_701 = arith.constant 224 : index
          %get3A_702 = tpu.vector_load %get3A_699[%get3A_700, %get3A_701] {strides = array<i32>} : memref<48x256xf32, #tpu.memory_space<vmem>>, vector<1x16xf32>,
          %get3A_703 = vector.shape_cast %get3A_702 : vector<1x16xf32> to vector<16xf32>
          %mul3A_704 = arith.mulf %get3A_695, %get3A_703 : vector<16xf32>
          %get3A_705 = arith.constant 0 : i32
          %get3A_706 = arith.constant 0 : i32
          %get3A_707 = tpu.memref_slice %arg12[%scan3A_284, %get3A_705, %get3A_706] : memref<2x48x256xf32, #tpu.memory_space<vmem>> -> memref<1x48x256xf32, #tpu.memory_space<vmem>>
          %get3A_708 = tpu.memref_squeeze %get3A_707 : memref<1x48x256xf32, #tpu.memory_space<vmem>> -> memref<48x256xf32, #tpu.memory_space<vmem>>
          %get3A_709 = arith.index_cast %add3A_308 : i32 to index
          %get3A_710 = arith.constant 224 : index
          %get3A_711 = tpu.vector_load %get3A_708[%get3A_709, %get3A_710] {strides = array<i32>} : memref<48x256xf32, #tpu.memory_space<vmem>>, vector<1x16xf32>,
          %get3A_712 = vector.shape_cast %get3A_711 : vector<1x16xf32> to vector<16xf32>
          %mul3A_713 = arith.mulf %mul3A_704, %get3A_712 : vector<16xf32>
          %add3A_714 = arith.addf %add3A_687, %mul3A_713 : vector<16xf32>
          %get3A_715 = arith.constant 0 : i32
          %get3A_716 = arith.constant 0 : i32
          %get3A_717 = tpu.memref_slice %arg11[%scan3A_282, %get3A_715, %get3A_716] : memref<2x48x256xf32, #tpu.memory_space<vmem>> -> memref<1x48x256xf32, #tpu.memory_space<vmem>>
          %get3A_718 = tpu.memref_squeeze %get3A_717 : memref<1x48x256xf32, #tpu.memory_space<vmem>> -> memref<48x256xf32, #tpu.memory_space<vmem>>
          %get3A_719 = arith.index_cast %add3A_308 : i32 to index
          %get3A_720 = arith.constant 240 : index
          %get3A_721 = tpu.vector_load %get3A_718[%get3A_719, %get3A_720] {strides = array<i32>} : memref<48x256xf32, #tpu.memory_space<vmem>>, vector<1x16xf32>,
          %get3A_722 = vector.shape_cast %get3A_721 : vector<1x16xf32> to vector<16xf32>
          %get3A_723 = arith.constant 0 : i32
          %get3A_724 = arith.constant 0 : i32
          %get3A_725 = tpu.memref_slice %arg13[%scan3A_283, %get3A_723, %get3A_724] : memref<2x48x256xf32, #tpu.memory_space<vmem>> -> memref<1x48x256xf32, #tpu.memory_space<vmem>>
          %get3A_726 = tpu.memref_squeeze %get3A_725 : memref<1x48x256xf32, #tpu.memory_space<vmem>> -> memref<48x256xf32, #tpu.memory_space<vmem>>
          %get3A_727 = arith.index_cast %add3A_308 : i32 to index
          %get3A_728 = arith.constant 240 : index
          %get3A_729 = tpu.vector_load %get3A_726[%get3A_727, %get3A_728] {strides = array<i32>} : memref<48x256xf32, #tpu.memory_space<vmem>>, vector<1x16xf32>,
          %get3A_730 = vector.shape_cast %get3A_729 : vector<1x16xf32> to vector<16xf32>
          %mul3A_731 = arith.mulf %get3A_722, %get3A_730 : vector<16xf32>
          %get3A_732 = arith.constant 0 : i32
          %get3A_733 = arith.constant 0 : i32
          %get3A_734 = tpu.memref_slice %arg12[%scan3A_284, %get3A_732, %get3A_733] : memref<2x48x256xf32, #tpu.memory_space<vmem>> -> memref<1x48x256xf32, #tpu.memory_space<vmem>>
          %get3A_735 = tpu.memref_squeeze %get3A_734 : memref<1x48x256xf32, #tpu.memory_space<vmem>> -> memref<48x256xf32, #tpu.memory_space<vmem>>
          %get3A_736 = arith.index_cast %add3A_308 : i32 to index
          %get3A_737 = arith.constant 240 : index
          %get3A_738 = tpu.vector_load %get3A_735[%get3A_736, %get3A_737] {strides = array<i32>} : memref<48x256xf32, #tpu.memory_space<vmem>>, vector<1x16xf32>,
          %get3A_739 = vector.shape_cast %get3A_738 : vector<1x16xf32> to vector<16xf32>
          %mul3A_740 = arith.mulf %mul3A_731, %get3A_739 : vector<16xf32>
          %add3A_741 = arith.addf %add3A_714, %mul3A_740 : vector<16xf32>
          %eq3A_742 = vector.broadcast %scan3A_304 : i32 to vector<16xi32>
          %eq3A_743 = arith.cmpi eq, %iota3A, %eq3A_742 : vector<16xi32>
          %xor3A = arith.constant 8 : i32
          %xor3A_744 = vector.broadcast %xor3A : i32 to vector<16xi32>
          %xor3A_745 = arith.xori %iota3A, %xor3A_744 : vector<16xi32>
          %broadcast_in_dim3A_746 = vector.shape_cast %xor3A_745 : vector<16xi32> to vector<16x1xi32>
          %gather3A = vector.shape_cast %broadcast_in_dim3A_746 : vector<16x1xi32> to vector<16xi32>
          %gather3A_747 = tpu.dynamic_gather %add3A_741[%gather3A] in [0] : vector<16xf32>, vector<16xi32> -> vector<16xf32>
          %add3A_748 = arith.addf %add3A_741, %gather3A_747 : vector<16xf32>
          %xor3A_749 = arith.constant 4 : i32
          %xor3A_750 = vector.broadcast %xor3A_749 : i32 to vector<16xi32>
          %xor3A_751 = arith.xori %iota3A, %xor3A_750 : vector<16xi32>
          %broadcast_in_dim3A_752 = vector.shape_cast %xor3A_751 : vector<16xi32> to vector<16x1xi32>
          %gather3A_753 = vector.shape_cast %broadcast_in_dim3A_752 : vector<16x1xi32> to vector<16xi32>
          %gather3A_754 = tpu.dynamic_gather %add3A_748[%gather3A_753] in [0] : vector<16xf32>, vector<16xi32> -> vector<16xf32>
          %add3A_755 = arith.addf %add3A_748, %gather3A_754 : vector<16xf32>
          %xor3A_756 = arith.constant 2 : i32
          %xor3A_757 = vector.broadcast %xor3A_756 : i32 to vector<16xi32>
          %xor3A_758 = arith.xori %iota3A, %xor3A_757 : vector<16xi32>
          %broadcast_in_dim3A_759 = vector.shape_cast %xor3A_758 : vector<16xi32> to vector<16x1xi32>
          %gather3A_760 = vector.shape_cast %broadcast_in_dim3A_759 : vector<16x1xi32> to vector<16xi32>
          %gather3A_761 = tpu.dynamic_gather %add3A_755[%gather3A_760] in [0] : vector<16xf32>, vector<16xi32> -> vector<16xf32>
          %add3A_762 = arith.addf %add3A_755, %gather3A_761 : vector<16xf32>
          %xor3A_763 = arith.constant 1 : i32
          %xor3A_764 = vector.broadcast %xor3A_763 : i32 to vector<16xi32>
          %xor3A_765 = arith.xori %iota3A, %xor3A_764 : vector<16xi32>
          %broadcast_in_dim3A_766 = vector.shape_cast %xor3A_765 : vector<16xi32> to vector<16x1xi32>
          %gather3A_767 = vector.shape_cast %broadcast_in_dim3A_766 : vector<16x1xi32> to vector<16xi32>
          %gather3A_768 = tpu.dynamic_gather %add3A_762[%gather3A_767] in [0] : vector<16xf32>, vector<16xi32> -> vector<16xf32>
          %add3A_769 = arith.addf %add3A_762, %gather3A_768 : vector<16xf32>
          %select_n3A_770 = arith.select %eq3A_743, %add3A_769, %scan3A_305 : vector<16xi1>, vector<16xf32>
          scf.yield %select_n3A_770 : vector<16xf32>
        }
        %scan3A_297 = arith.constant 16 : i32
        %mul3A_298 = arith.constant 16 : i32
        %mul3A_299 = arith.muli %scan3A_290, %mul3A_298 : i32
        %add3A_300 = arith.addi %mul3A_203, %mul3A_299 : i32
        %swap3A = arith.index_cast %add3A_300 : i32 to index
        %swap3A_301 = tpu.vector_load %arg14[%swap3A] {strides = array<i32>} : memref<5280xf32, #tpu.memory_space<vmem>>, vector<16xf32>,
        %swap3A_302 = vector.shape_cast %swap3A_301 : vector<16xf32> to vector<16xf32>
        %swap3A_303 = vector.shape_cast %scan3A_296 : vector<16xf32> to vector<16xf32>
        tpu.vector_store %arg14[%swap3A], %swap3A_303 {strides = array<i32>} : memref<5280xf32, #tpu.memory_space<vmem>>, vector<16xf32>,
      }
      %scan3A_289 = arith.constant 3 : i32
    }
    %while3A_62 = arith.constant 1 : i32
    scf.for %while3A_109 = %while3A_60 to %while3A_56 step %while3A_62  : i32 {
      %mul3A_110 = arith.constant 2 : i32
      %mul3A_111 = arith.muli %while3A_109, %mul3A_110 : i32
      %add3A_112 = arith.constant 0 : i32
      %add3A_113 = arith.addi %mul3A_111, %add3A_112 : i32
      %mul3A_114 = arith.constant 48 : i32
      %mul3A_115 = arith.muli %add3A_113, %mul3A_114 : i32
      %add3A_116 = arith.constant 48 : i32
      %add3A_117 = arith.addi %mul3A_115, %add3A_116 : i32
      %min3A = arith.minsi %add3A_117, %mul3A_16 : i32
      %dma_start3A_118 = arith.constant 1 : i32
      %dma_start3A_119 = arith.constant 1 : i32
      %dma_start3A_120 = arith.constant 0 : i32
      %dma_start3A_121 = arith.constant 0 : i32
      %dma_start3A_122 = tpu.memref_slice %arg11[%dma_start3A_118, %dma_start3A_120, %dma_start3A_121] : memref<2x48x256xf32, #tpu.memory_space<vmem>> -> memref<1x48x256xf32, #tpu.memory_space<vmem>>
      %dma_start3A_123 = tpu.memref_squeeze %dma_start3A_122 : memref<1x48x256xf32, #tpu.memory_space<vmem>> -> memref<48x256xf32, #tpu.memory_space<vmem>>
      %dma_start3A_124 = tpu.memref_slice %arg8[%min3A] : memref<5280xi32, #tpu.memory_space<vmem>> -> memref<48xi32, #tpu.memory_space<vmem>>
      %dma_start3A_125 = arith.constant 0 : i32
      %dma_start3A_126 = arith.constant 0 : i32
      %dma_start3A_127 = tpu.memref_slice %arg2[%dma_start3A_125, %dma_start3A_126] : memref<10000x256xf32, #tpu.memory_space<hbm>> -> memref<10000x256xf32, #tpu.memory_space<hbm>>
      %dma_start3A_128 = tpu.memref_slice %arg15[%dma_start3A_119] : memref<2x!tpu.dma_semaphore, #tpu.memory_space<semaphore_mem>> -> memref<1x!tpu.dma_semaphore, #tpu.memory_space<semaphore_mem>>
      %dma_start3A_129 = tpu.memref_squeeze %dma_start3A_128 : memref<1x!tpu.dma_semaphore, #tpu.memory_space<semaphore_mem>> -> memref<!tpu.dma_semaphore, #tpu.memory_space<semaphore_mem>>
      tpu.enqueue_indirect_dma source(%dma_start3A_127 : memref<10000x256xf32, #tpu.memory_space<hbm>>) target(%dma_start3A_123 : memref<48x256xf32, #tpu.memory_space<vmem>>) offsets(%dma_start3A_124 : memref<48xi32, #tpu.memory_space<vmem>>) semaphore(%dma_start3A_129 : memref<!tpu.dma_semaphore, #tpu.memory_space<semaphore_mem>>)
      %dma_start3A_130 = arith.constant 1 : i32
      %dma_start3A_131 = arith.constant 1 : i32
      %dma_start3A_132 = arith.constant 0 : i32
      %dma_start3A_133 = arith.constant 0 : i32
      %dma_start3A_134 = tpu.memref_slice %arg12[%dma_start3A_130, %dma_start3A_132, %dma_start3A_133] : memref<2x48x256xf32, #tpu.memory_space<vmem>> -> memref<1x48x256xf32, #tpu.memory_space<vmem>>
      %dma_start3A_135 = tpu.memref_squeeze %dma_start3A_134 : memref<1x48x256xf32, #tpu.memory_space<vmem>> -> memref<48x256xf32, #tpu.memory_space<vmem>>
      %dma_start3A_136 = tpu.memref_slice %arg9[%min3A] : memref<5280xi32, #tpu.memory_space<vmem>> -> memref<48xi32, #tpu.memory_space<vmem>>
      %dma_start3A_137 = arith.constant 0 : i32
      %dma_start3A_138 = arith.constant 0 : i32
      %dma_start3A_139 = tpu.memref_slice %arg2[%dma_start3A_137, %dma_start3A_138] : memref<10000x256xf32, #tpu.memory_space<hbm>> -> memref<10000x256xf32, #tpu.memory_space<hbm>>
      %dma_start3A_140 = tpu.memref_slice %arg15[%dma_start3A_131] : memref<2x!tpu.dma_semaphore, #tpu.memory_space<semaphore_mem>> -> memref<1x!tpu.dma_semaphore, #tpu.memory_space<semaphore_mem>>
      %dma_start3A_141 = tpu.memref_squeeze %dma_start3A_140 : memref<1x!tpu.dma_semaphore, #tpu.memory_space<semaphore_mem>> -> memref<!tpu.dma_semaphore, #tpu.memory_space<semaphore_mem>>
      tpu.enqueue_indirect_dma source(%dma_start3A_139 : memref<10000x256xf32, #tpu.memory_space<hbm>>) target(%dma_start3A_135 : memref<48x256xf32, #tpu.memory_space<vmem>>) offsets(%dma_start3A_136 : memref<48xi32, #tpu.memory_space<vmem>>) semaphore(%dma_start3A_141 : memref<!tpu.dma_semaphore, #tpu.memory_space<semaphore_mem>>)
      %dma_start3A_142 = arith.constant 1 : i32
      %dma_start3A_143 = arith.constant 1 : i32
      %dma_start3A_144 = arith.constant 0 : i32
      %dma_start3A_145 = arith.constant 0 : i32
      %dma_start3A_146 = tpu.memref_slice %arg13[%dma_start3A_142, %dma_start3A_144, %dma_start3A_145] : memref<2x48x256xf32, #tpu.memory_space<vmem>> -> memref<1x48x256xf32, #tpu.memory_space<vmem>>
      %dma_start3A_147 = tpu.memref_squeeze %dma_start3A_146 : memref<1x48x256xf32, #tpu.memory_space<vmem>> -> memref<48x256xf32, #tpu.memory_space<vmem>>
      %dma_start3A_148 = tpu.memref_slice %arg10[%min3A] : memref<5280xi32, #tpu.memory_space<vmem>> -> memref<48xi32, #tpu.memory_space<vmem>>
      %dma_start3A_149 = arith.constant 0 : i32
      %dma_start3A_150 = arith.constant 0 : i32
      %dma_start3A_151 = tpu.memref_slice %arg6[%dma_start3A_149, %dma_start3A_150] : memref<500x256xf32, #tpu.memory_space<hbm>> -> memref<500x256xf32, #tpu.memory_space<hbm>>
      %dma_start3A_152 = tpu.memref_slice %arg15[%dma_start3A_143] : memref<2x!tpu.dma_semaphore, #tpu.memory_space<semaphore_mem>> -> memref<1x!tpu.dma_semaphore, #tpu.memory_space<semaphore_mem>>
      %dma_start3A_153 = tpu.memref_squeeze %dma_start3A_152 : memref<1x!tpu.dma_semaphore, #tpu.memory_space<semaphore_mem>> -> memref<!tpu.dma_semaphore, #tpu.memory_space<semaphore_mem>>
      tpu.enqueue_indirect_dma source(%dma_start3A_151 : memref<500x256xf32, #tpu.memory_space<hbm>>) target(%dma_start3A_147 : memref<48x256xf32, #tpu.memory_space<vmem>>) offsets(%dma_start3A_148 : memref<48xi32, #tpu.memory_space<vmem>>) semaphore(%dma_start3A_153 : memref<!tpu.dma_semaphore, #tpu.memory_space<semaphore_mem>>)
      %dma_wait3A_154 = arith.constant 0 : i32
      %dma_wait3A_155 = arith.constant 0 : i32
      %dma_wait3A_156 = arith.constant 0 : i32
      %dma_wait3A_157 = arith.constant 0 : i32
      %dma_wait3A_158 = tpu.memref_slice %arg11[%dma_wait3A_154, %dma_wait3A_156, %dma_wait3A_157] : memref<2x48x256xf32, #tpu.memory_space<vmem>> -> memref<1x48x256xf32, #tpu.memory_space<vmem>>
      %dma_wait3A_159 = tpu.memref_squeeze %dma_wait3A_158 : memref<1x48x256xf32, #tpu.memory_space<vmem>> -> memref<48x256xf32, #tpu.memory_space<vmem>>
      %dma_wait3A_160 = arith.constant 0 : i32
      %dma_wait3A_161 = tpu.memref_slice %arg8[%dma_wait3A_160] : memref<5280xi32, #tpu.memory_space<vmem>> -> memref<48xi32, #tpu.memory_space<vmem>>
      %dma_wait3A_162 = arith.constant 0 : i32
      %dma_wait3A_163 = arith.constant 0 : i32
      %dma_wait3A_164 = tpu.memref_slice %arg2[%dma_wait3A_162, %dma_wait3A_163] : memref<10000x256xf32, #tpu.memory_space<hbm>> -> memref<10000x256xf32, #tpu.memory_space<hbm>>
      %dma_wait3A_165 = tpu.memref_slice %arg15[%dma_wait3A_155] : memref<2x!tpu.dma_semaphore, #tpu.memory_space<semaphore_mem>> -> memref<1x!tpu.dma_semaphore, #tpu.memory_space<semaphore_mem>>
      %dma_wait3A_166 = tpu.memref_squeeze %dma_wait3A_165 : memref<1x!tpu.dma_semaphore, #tpu.memory_space<semaphore_mem>> -> memref<!tpu.dma_semaphore, #tpu.memory_space<semaphore_mem>>
      tpu.wait_indirect_dma semaphore(%dma_wait3A_166 : memref<!tpu.dma_semaphore, #tpu.memory_space<semaphore_mem>>) src(%dma_wait3A_164 : memref<10000x256xf32, #tpu.memory_space<hbm>>) dst(%dma_wait3A_159 : memref<48x256xf32, #tpu.memory_space<vmem>>)
      %dma_wait3A_167 = arith.constant 0 : i32
      %dma_wait3A_168 = arith.constant 0 : i32
      %dma_wait3A_169 = arith.constant 0 : i32
      %dma_wait3A_170 = arith.constant 0 : i32
      %dma_wait3A_171 = tpu.memref_slice %arg12[%dma_wait3A_167, %dma_wait3A_169, %dma_wait3A_170] : memref<2x48x256xf32, #tpu.memory_space<vmem>> -> memref<1x48x256xf32, #tpu.memory_space<vmem>>
      %dma_wait3A_172 = tpu.memref_squeeze %dma_wait3A_171 : memref<1x48x256xf32, #tpu.memory_space<vmem>> -> memref<48x256xf32, #tpu.memory_space<vmem>>
      %dma_wait3A_173 = arith.constant 0 : i32
      %dma_wait3A_174 = tpu.memref_slice %arg9[%dma_wait3A_173] : memref<5280xi32, #tpu.memory_space<vmem>> -> memref<48xi32, #tpu.memory_space<vmem>>
      %dma_wait3A_175 = arith.constant 0 : i32
      %dma_wait3A_176 = arith.constant 0 : i32
      %dma_wait3A_177 = tpu.memref_slice %arg2[%dma_wait3A_175, %dma_wait3A_176] : memref<10000x256xf32, #tpu.memory_space<hbm>> -> memref<10000x256xf32, #tpu.memory_space<hbm>>
      %dma_wait3A_178 = tpu.memref_slice %arg15[%dma_wait3A_168] : memref<2x!tpu.dma_semaphore, #tpu.memory_space<semaphore_mem>> -> memref<1x!tpu.dma_semaphore, #tpu.memory_space<semaphore_mem>>
      %dma_wait3A_179 = tpu.memref_squeeze %dma_wait3A_178 : memref<1x!tpu.dma_semaphore, #tpu.memory_space<semaphore_mem>> -> memref<!tpu.dma_semaphore, #tpu.memory_space<semaphore_mem>>
      tpu.wait_indirect_dma semaphore(%dma_wait3A_179 : memref<!tpu.dma_semaphore, #tpu.memory_space<semaphore_mem>>) src(%dma_wait3A_177 : memref<10000x256xf32, #tpu.memory_space<hbm>>) dst(%dma_wait3A_172 : memref<48x256xf32, #tpu.memory_space<vmem>>)
      %dma_wait3A_180 = arith.constant 0 : i32
      %dma_wait3A_181 = arith.constant 0 : i32
      %dma_wait3A_182 = arith.constant 0 : i32
      %dma_wait3A_183 = arith.constant 0 : i32
      %dma_wait3A_184 = tpu.memref_slice %arg13[%dma_wait3A_180, %dma_wait3A_182, %dma_wait3A_183] : memref<2x48x256xf32, #tpu.memory_space<vmem>> -> memref<1x48x256xf32, #tpu.memory_space<vmem>>
      %dma_wait3A_185 = tpu.memref_squeeze %dma_wait3A_184 : memref<1x48x256xf32, #tpu.memory_space<vmem>> -> memref<48x256xf32, #tpu.memory_space<vmem>>
      %dma_wait3A_186 = arith.constant 0 : i32
      %dma_wait3A_187 = tpu.memref_slice %arg10[%dma_wait3A_186] : memref<5280xi32, #tpu.memory_space<vmem>> -> memref<48xi32, #tpu.memory_space<vmem>>
      %dma_wait3A_188 = arith.constant 0 : i32
      %dma_wait3A_189 = arith.constant 0 : i32
      %dma_wait3A_190 = tpu.memref_slice %arg6[%dma_wait3A_188, %dma_wait3A_189] : memref<500x256xf32, #tpu.memory_space<hbm>> -> memref<500x256xf32, #tpu.memory_space<hbm>>
      %dma_wait3A_191 = tpu.memref_slice %arg15[%dma_wait3A_181] : memref<2x!tpu.dma_semaphore, #tpu.memory_space<semaphore_mem>> -> memref<1x!tpu.dma_semaphore, #tpu.memory_space<semaphore_mem>>
      %dma_wait3A_192 = tpu.memref_squeeze %dma_wait3A_191 : memref<1x!tpu.dma_semaphore, #tpu.memory_space<semaphore_mem>> -> memref<!tpu.dma_semaphore, #tpu.memory_space<semaphore_mem>>
      tpu.wait_indirect_dma semaphore(%dma_wait3A_192 : memref<!tpu.dma_semaphore, #tpu.memory_space<semaphore_mem>>) src(%dma_wait3A_190 : memref<500x256xf32, #tpu.memory_space<hbm>>) dst(%dma_wait3A_185 : memref<48x256xf32, #tpu.memory_space<vmem>>)
      %scan3A = arith.constant 0 : i32
      %scan3A_193 = arith.constant 0 : i32
      %scan3A_194 = arith.constant 0 : i32
      %scan3A_195 = arith.constant 0 : i32
      %scan3A_196 = arith.constant 3 : i32
      %scan3A_197 = arith.addi %scan3A_195, %scan3A_196 : i32
      %scan3A_198 = arith.constant 1 : i32
      scf.for %scan3A_290 = %scan3A_195 to %scan3A_197 step %scan3A_198  : i32 {
        %broadcast_in_dim3A = arith.constant 0.000000e+00 : f32
        %broadcast_in_dim3A_291 = vector.broadcast %broadcast_in_dim3A : f32 to vector<16xf32>
        %scan3A_292 = arith.constant 0 : i32
        %scan3A_293 = arith.constant 16 : i32
        %scan3A_294 = arith.addi %scan3A_292, %scan3A_293 : i32
        %scan3A_295 = arith.constant 1 : i32
        %scan3A_296 = scf.for %scan3A_304 = %scan3A_292 to %scan3A_294 step %scan3A_295 iter_args(%scan3A_305 = %broadcast_in_dim3A_291) -> (vector<16xf32>)  : i32 {
          %mul3A_306 = arith.constant 16 : i32
          %mul3A_307 = arith.muli %scan3A_290, %mul3A_306 : i32
          %add3A_308 = arith.addi %mul3A_307, %scan3A_304 : i32
          %broadcast_in_dim3A_309 = arith.constant 0.000000e+00 : f32
          %broadcast_in_dim3A_310 = vector.broadcast %broadcast_in_dim3A_309 : f32 to vector<16xf32>
          %get3A = arith.constant 0 : i32
          %get3A_311 = arith.constant 0 : i32
          %get3A_312 = tpu.memref_slice %arg11[%scan3A, %get3A, %get3A_311] : memref<2x48x256xf32, #tpu.memory_space<vmem>> -> memref<1x48x256xf32, #tpu.memory_space<vmem>>
          %get3A_313 = tpu.memref_squeeze %get3A_312 : memref<1x48x256xf32, #tpu.memory_space<vmem>> -> memref<48x256xf32, #tpu.memory_space<vmem>>
          %get3A_314 = arith.index_cast %add3A_308 : i32 to index
          %get3A_315 = arith.constant 0 : index
          %get3A_316 = tpu.vector_load %get3A_313[%get3A_314, %get3A_315] {strides = array<i32>} : memref<48x256xf32, #tpu.memory_space<vmem>>, vector<1x16xf32>,
          %get3A_317 = vector.shape_cast %get3A_316 : vector<1x16xf32> to vector<16xf32>
          %get3A_318 = arith.constant 0 : i32
          %get3A_319 = arith.constant 0 : i32
          %get3A_320 = tpu.memref_slice %arg13[%scan3A_193, %get3A_318, %get3A_319] : memref<2x48x256xf32, #tpu.memory_space<vmem>> -> memref<1x48x256xf32, #tpu.memory_space<vmem>>
          %get3A_321 = tpu.memref_squeeze %get3A_320 : memref<1x48x256xf32, #tpu.memory_space<vmem>> -> memref<48x256xf32, #tpu.memory_space<vmem>>
          %get3A_322 = arith.index_cast %add3A_308 : i32 to index
          %get3A_323 = arith.constant 0 : index
          %get3A_324 = tpu.vector_load %get3A_321[%get3A_322, %get3A_323] {strides = array<i32>} : memref<48x256xf32, #tpu.memory_space<vmem>>, vector<1x16xf32>,
          %get3A_325 = vector.shape_cast %get3A_324 : vector<1x16xf32> to vector<16xf32>
          %mul3A_326 = arith.mulf %get3A_317, %get3A_325 : vector<16xf32>
          %get3A_327 = arith.constant 0 : i32
          %get3A_328 = arith.constant 0 : i32
          %get3A_329 = tpu.memref_slice %arg12[%scan3A_194, %get3A_327, %get3A_328] : memref<2x48x256xf32, #tpu.memory_space<vmem>> -> memref<1x48x256xf32, #tpu.memory_space<vmem>>
          %get3A_330 = tpu.memref_squeeze %get3A_329 : memref<1x48x256xf32, #tpu.memory_space<vmem>> -> memref<48x256xf32, #tpu.memory_space<vmem>>
          %get3A_331 = arith.index_cast %add3A_308 : i32 to index
          %get3A_332 = arith.constant 0 : index
          %get3A_333 = tpu.vector_load %get3A_330[%get3A_331, %get3A_332] {strides = array<i32>} : memref<48x256xf32, #tpu.memory_space<vmem>>, vector<1x16xf32>,
          %get3A_334 = vector.shape_cast %get3A_333 : vector<1x16xf32> to vector<16xf32>
          %mul3A_335 = arith.mulf %mul3A_326, %get3A_334 : vector<16xf32>
          %add3A_336 = arith.addf %broadcast_in_dim3A_310, %mul3A_335 : vector<16xf32>
          %get3A_337 = arith.constant 0 : i32
          %get3A_338 = arith.constant 0 : i32
          %get3A_339 = tpu.memref_slice %arg11[%scan3A, %get3A_337, %get3A_338] : memref<2x48x256xf32, #tpu.memory_space<vmem>> -> memref<1x48x256xf32, #tpu.memory_space<vmem>>
          %get3A_340 = tpu.memref_squeeze %get3A_339 : memref<1x48x256xf32, #tpu.memory_space<vmem>> -> memref<48x256xf32, #tpu.memory_space<vmem>>
          %get3A_341 = arith.index_cast %add3A_308 : i32 to index
          %get3A_342 = arith.constant 16 : index
          %get3A_343 = tpu.vector_load %get3A_340[%get3A_341, %get3A_342] {strides = array<i32>} : memref<48x256xf32, #tpu.memory_space<vmem>>, vector<1x16xf32>,
          %get3A_344 = vector.shape_cast %get3A_343 : vector<1x16xf32> to vector<16xf32>
          %get3A_345 = arith.constant 0 : i32
          %get3A_346 = arith.constant 0 : i32
          %get3A_347 = tpu.memref_slice %arg13[%scan3A_193, %get3A_345, %get3A_346] : memref<2x48x256xf32, #tpu.memory_space<vmem>> -> memref<1x48x256xf32, #tpu.memory_space<vmem>>
          %get3A_348 = tpu.memref_squeeze %get3A_347 : memref<1x48x256xf32, #tpu.memory_space<vmem>> -> memref<48x256xf32, #tpu.memory_space<vmem>>
          %get3A_349 = arith.index_cast %add3A_308 : i32 to index
          %get3A_350 = arith.constant 16 : index
          %get3A_351 = tpu.vector_load %get3A_348[%get3A_349, %get3A_350] {strides = array<i32>} : memref<48x256xf32, #tpu.memory_space<vmem>>, vector<1x16xf32>,
          %get3A_352 = vector.shape_cast %get3A_351 : vector<1x16xf32> to vector<16xf32>
          %mul3A_353 = arith.mulf %get3A_344, %get3A_352 : vector<16xf32>
          %get3A_354 = arith.constant 0 : i32
          %get3A_355 = arith.constant 0 : i32
          %get3A_356 = tpu.memref_slice %arg12[%scan3A_194, %get3A_354, %get3A_355] : memref<2x48x256xf32, #tpu.memory_space<vmem>> -> memref<1x48x256xf32, #tpu.memory_space<vmem>>
          %get3A_357 = tpu.memref_squeeze %get3A_356 : memref<1x48x256xf32, #tpu.memory_space<vmem>> -> memref<48x256xf32, #tpu.memory_space<vmem>>
          %get3A_358 = arith.index_cast %add3A_308 : i32 to index
          %get3A_359 = arith.constant 16 : index
          %get3A_360 = tpu.vector_load %get3A_357[%get3A_358, %get3A_359] {strides = array<i32>} : memref<48x256xf32, #tpu.memory_space<vmem>>, vector<1x16xf32>,
          %get3A_361 = vector.shape_cast %get3A_360 : vector<1x16xf32> to vector<16xf32>
          %mul3A_362 = arith.mulf %mul3A_353, %get3A_361 : vector<16xf32>
          %add3A_363 = arith.addf %add3A_336, %mul3A_362 : vector<16xf32>
          %get3A_364 = arith.constant 0 : i32
          %get3A_365 = arith.constant 0 : i32
          %get3A_366 = tpu.memref_slice %arg11[%scan3A, %get3A_364, %get3A_365] : memref<2x48x256xf32, #tpu.memory_space<vmem>> -> memref<1x48x256xf32, #tpu.memory_space<vmem>>
          %get3A_367 = tpu.memref_squeeze %get3A_366 : memref<1x48x256xf32, #tpu.memory_space<vmem>> -> memref<48x256xf32, #tpu.memory_space<vmem>>
          %get3A_368 = arith.index_cast %add3A_308 : i32 to index
          %get3A_369 = arith.constant 32 : index
          %get3A_370 = tpu.vector_load %get3A_367[%get3A_368, %get3A_369] {strides = array<i32>} : memref<48x256xf32, #tpu.memory_space<vmem>>, vector<1x16xf32>,
          %get3A_371 = vector.shape_cast %get3A_370 : vector<1x16xf32> to vector<16xf32>
          %get3A_372 = arith.constant 0 : i32
          %get3A_373 = arith.constant 0 : i32
          %get3A_374 = tpu.memref_slice %arg13[%scan3A_193, %get3A_372, %get3A_373] : memref<2x48x256xf32, #tpu.memory_space<vmem>> -> memref<1x48x256xf32, #tpu.memory_space<vmem>>
          %get3A_375 = tpu.memref_squeeze %get3A_374 : memref<1x48x256xf32, #tpu.memory_space<vmem>> -> memref<48x256xf32, #tpu.memory_space<vmem>>
          %get3A_376 = arith.index_cast %add3A_308 : i32 to index
          %get3A_377 = arith.constant 32 : index
          %get3A_378 = tpu.vector_load %get3A_375[%get3A_376, %get3A_377] {strides = array<i32>} : memref<48x256xf32, #tpu.memory_space<vmem>>, vector<1x16xf32>,
          %get3A_379 = vector.shape_cast %get3A_378 : vector<1x16xf32> to vector<16xf32>
          %mul3A_380 = arith.mulf %get3A_371, %get3A_379 : vector<16xf32>
          %get3A_381 = arith.constant 0 : i32
          %get3A_382 = arith.constant 0 : i32
          %get3A_383 = tpu.memref_slice %arg12[%scan3A_194, %get3A_381, %get3A_382] : memref<2x48x256xf32, #tpu.memory_space<vmem>> -> memref<1x48x256xf32, #tpu.memory_space<vmem>>
          %get3A_384 = tpu.memref_squeeze %get3A_383 : memref<1x48x256xf32, #tpu.memory_space<vmem>> -> memref<48x256xf32, #tpu.memory_space<vmem>>
          %get3A_385 = arith.index_cast %add3A_308 : i32 to index
          %get3A_386 = arith.constant 32 : index
          %get3A_387 = tpu.vector_load %get3A_384[%get3A_385, %get3A_386] {strides = array<i32>} : memref<48x256xf32, #tpu.memory_space<vmem>>, vector<1x16xf32>,
          %get3A_388 = vector.shape_cast %get3A_387 : vector<1x16xf32> to vector<16xf32>
          %mul3A_389 = arith.mulf %mul3A_380, %get3A_388 : vector<16xf32>
          %add3A_390 = arith.addf %add3A_363, %mul3A_389 : vector<16xf32>
          %get3A_391 = arith.constant 0 : i32
          %get3A_392 = arith.constant 0 : i32
          %get3A_393 = tpu.memref_slice %arg11[%scan3A, %get3A_391, %get3A_392] : memref<2x48x256xf32, #tpu.memory_space<vmem>> -> memref<1x48x256xf32, #tpu.memory_space<vmem>>
          %get3A_394 = tpu.memref_squeeze %get3A_393 : memref<1x48x256xf32, #tpu.memory_space<vmem>> -> memref<48x256xf32, #tpu.memory_space<vmem>>
          %get3A_395 = arith.index_cast %add3A_308 : i32 to index
          %get3A_396 = arith.constant 48 : index
          %get3A_397 = tpu.vector_load %get3A_394[%get3A_395, %get3A_396] {strides = array<i32>} : memref<48x256xf32, #tpu.memory_space<vmem>>, vector<1x16xf32>,
          %get3A_398 = vector.shape_cast %get3A_397 : vector<1x16xf32> to vector<16xf32>
          %get3A_399 = arith.constant 0 : i32
          %get3A_400 = arith.constant 0 : i32
          %get3A_401 = tpu.memref_slice %arg13[%scan3A_193, %get3A_399, %get3A_400] : memref<2x48x256xf32, #tpu.memory_space<vmem>> -> memref<1x48x256xf32, #tpu.memory_space<vmem>>
          %get3A_402 = tpu.memref_squeeze %get3A_401 : memref<1x48x256xf32, #tpu.memory_space<vmem>> -> memref<48x256xf32, #tpu.memory_space<vmem>>
          %get3A_403 = arith.index_cast %add3A_308 : i32 to index
          %get3A_404 = arith.constant 48 : index
          %get3A_405 = tpu.vector_load %get3A_402[%get3A_403, %get3A_404] {strides = array<i32>} : memref<48x256xf32, #tpu.memory_space<vmem>>, vector<1x16xf32>,
          %get3A_406 = vector.shape_cast %get3A_405 : vector<1x16xf32> to vector<16xf32>
          %mul3A_407 = arith.mulf %get3A_398, %get3A_406 : vector<16xf32>
          %get3A_408 = arith.constant 0 : i32
          %get3A_409 = arith.constant 0 : i32
          %get3A_410 = tpu.memref_slice %arg12[%scan3A_194, %get3A_408, %get3A_409] : memref<2x48x256xf32, #tpu.memory_space<vmem>> -> memref<1x48x256xf32, #tpu.memory_space<vmem>>
          %get3A_411 = tpu.memref_squeeze %get3A_410 : memref<1x48x256xf32, #tpu.memory_space<vmem>> -> memref<48x256xf32, #tpu.memory_space<vmem>>
          %get3A_412 = arith.index_cast %add3A_308 : i32 to index
          %get3A_413 = arith.constant 48 : index
          %get3A_414 = tpu.vector_load %get3A_411[%get3A_412, %get3A_413] {strides = array<i32>} : memref<48x256xf32, #tpu.memory_space<vmem>>, vector<1x16xf32>,
          %get3A_415 = vector.shape_cast %get3A_414 : vector<1x16xf32> to vector<16xf32>
          %mul3A_416 = arith.mulf %mul3A_407, %get3A_415 : vector<16xf32>
          %add3A_417 = arith.addf %add3A_390, %mul3A_416 : vector<16xf32>
          %get3A_418 = arith.constant 0 : i32
          %get3A_419 = arith.constant 0 : i32
          %get3A_420 = tpu.memref_slice %arg11[%scan3A, %get3A_418, %get3A_419] : memref<2x48x256xf32, #tpu.memory_space<vmem>> -> memref<1x48x256xf32, #tpu.memory_space<vmem>>
          %get3A_421 = tpu.memref_squeeze %get3A_420 : memref<1x48x256xf32, #tpu.memory_space<vmem>> -> memref<48x256xf32, #tpu.memory_space<vmem>>
          %get3A_422 = arith.index_cast %add3A_308 : i32 to index
          %get3A_423 = arith.constant 64 : index
          %get3A_424 = tpu.vector_load %get3A_421[%get3A_422, %get3A_423] {strides = array<i32>} : memref<48x256xf32, #tpu.memory_space<vmem>>, vector<1x16xf32>,
          %get3A_425 = vector.shape_cast %get3A_424 : vector<1x16xf32> to vector<16xf32>
          %get3A_426 = arith.constant 0 : i32
          %get3A_427 = arith.constant 0 : i32
          %get3A_428 = tpu.memref_slice %arg13[%scan3A_193, %get3A_426, %get3A_427] : memref<2x48x256xf32, #tpu.memory_space<vmem>> -> memref<1x48x256xf32, #tpu.memory_space<vmem>>
          %get3A_429 = tpu.memref_squeeze %get3A_428 : memref<1x48x256xf32, #tpu.memory_space<vmem>> -> memref<48x256xf32, #tpu.memory_space<vmem>>
          %get3A_430 = arith.index_cast %add3A_308 : i32 to index
          %get3A_431 = arith.constant 64 : index
          %get3A_432 = tpu.vector_load %get3A_429[%get3A_430, %get3A_431] {strides = array<i32>} : memref<48x256xf32, #tpu.memory_space<vmem>>, vector<1x16xf32>,
          %get3A_433 = vector.shape_cast %get3A_432 : vector<1x16xf32> to vector<16xf32>
          %mul3A_434 = arith.mulf %get3A_425, %get3A_433 : vector<16xf32>
          %get3A_435 = arith.constant 0 : i32
          %get3A_436 = arith.constant 0 : i32
          %get3A_437 = tpu.memref_slice %arg12[%scan3A_194, %get3A_435, %get3A_436] : memref<2x48x256xf32, #tpu.memory_space<vmem>> -> memref<1x48x256xf32, #tpu.memory_space<vmem>>
          %get3A_438 = tpu.memref_squeeze %get3A_437 : memref<1x48x256xf32, #tpu.memory_space<vmem>> -> memref<48x256xf32, #tpu.memory_space<vmem>>
          %get3A_439 = arith.index_cast %add3A_308 : i32 to index
          %get3A_440 = arith.constant 64 : index
          %get3A_441 = tpu.vector_load %get3A_438[%get3A_439, %get3A_440] {strides = array<i32>} : memref<48x256xf32, #tpu.memory_space<vmem>>, vector<1x16xf32>,
          %get3A_442 = vector.shape_cast %get3A_441 : vector<1x16xf32> to vector<16xf32>
          %mul3A_443 = arith.mulf %mul3A_434, %get3A_442 : vector<16xf32>
          %add3A_444 = arith.addf %add3A_417, %mul3A_443 : vector<16xf32>
          %get3A_445 = arith.constant 0 : i32
          %get3A_446 = arith.constant 0 : i32
          %get3A_447 = tpu.memref_slice %arg11[%scan3A, %get3A_445, %get3A_446] : memref<2x48x256xf32, #tpu.memory_space<vmem>> -> memref<1x48x256xf32, #tpu.memory_space<vmem>>
          %get3A_448 = tpu.memref_squeeze %get3A_447 : memref<1x48x256xf32, #tpu.memory_space<vmem>> -> memref<48x256xf32, #tpu.memory_space<vmem>>
          %get3A_449 = arith.index_cast %add3A_308 : i32 to index
          %get3A_450 = arith.constant 80 : index
          %get3A_451 = tpu.vector_load %get3A_448[%get3A_449, %get3A_450] {strides = array<i32>} : memref<48x256xf32, #tpu.memory_space<vmem>>, vector<1x16xf32>,
          %get3A_452 = vector.shape_cast %get3A_451 : vector<1x16xf32> to vector<16xf32>
          %get3A_453 = arith.constant 0 : i32
          %get3A_454 = arith.constant 0 : i32
          %get3A_455 = tpu.memref_slice %arg13[%scan3A_193, %get3A_453, %get3A_454] : memref<2x48x256xf32, #tpu.memory_space<vmem>> -> memref<1x48x256xf32, #tpu.memory_space<vmem>>
          %get3A_456 = tpu.memref_squeeze %get3A_455 : memref<1x48x256xf32, #tpu.memory_space<vmem>> -> memref<48x256xf32, #tpu.memory_space<vmem>>
          %get3A_457 = arith.index_cast %add3A_308 : i32 to index
          %get3A_458 = arith.constant 80 : index
          %get3A_459 = tpu.vector_load %get3A_456[%get3A_457, %get3A_458] {strides = array<i32>} : memref<48x256xf32, #tpu.memory_space<vmem>>, vector<1x16xf32>,
          %get3A_460 = vector.shape_cast %get3A_459 : vector<1x16xf32> to vector<16xf32>
          %mul3A_461 = arith.mulf %get3A_452, %get3A_460 : vector<16xf32>
          %get3A_462 = arith.constant 0 : i32
          %get3A_463 = arith.constant 0 : i32
          %get3A_464 = tpu.memref_slice %arg12[%scan3A_194, %get3A_462, %get3A_463] : memref<2x48x256xf32, #tpu.memory_space<vmem>> -> memref<1x48x256xf32, #tpu.memory_space<vmem>>
          %get3A_465 = tpu.memref_squeeze %get3A_464 : memref<1x48x256xf32, #tpu.memory_space<vmem>> -> memref<48x256xf32, #tpu.memory_space<vmem>>
          %get3A_466 = arith.index_cast %add3A_308 : i32 to index
          %get3A_467 = arith.constant 80 : index
          %get3A_468 = tpu.vector_load %get3A_465[%get3A_466, %get3A_467] {strides = array<i32>} : memref<48x256xf32, #tpu.memory_space<vmem>>, vector<1x16xf32>,
          %get3A_469 = vector.shape_cast %get3A_468 : vector<1x16xf32> to vector<16xf32>
          %mul3A_470 = arith.mulf %mul3A_461, %get3A_469 : vector<16xf32>
          %add3A_471 = arith.addf %add3A_444, %mul3A_470 : vector<16xf32>
          %get3A_472 = arith.constant 0 : i32
          %get3A_473 = arith.constant 0 : i32
          %get3A_474 = tpu.memref_slice %arg11[%scan3A, %get3A_472, %get3A_473] : memref<2x48x256xf32, #tpu.memory_space<vmem>> -> memref<1x48x256xf32, #tpu.memory_space<vmem>>
          %get3A_475 = tpu.memref_squeeze %get3A_474 : memref<1x48x256xf32, #tpu.memory_space<vmem>> -> memref<48x256xf32, #tpu.memory_space<vmem>>
          %get3A_476 = arith.index_cast %add3A_308 : i32 to index
          %get3A_477 = arith.constant 96 : index
          %get3A_478 = tpu.vector_load %get3A_475[%get3A_476, %get3A_477] {strides = array<i32>} : memref<48x256xf32, #tpu.memory_space<vmem>>, vector<1x16xf32>,
          %get3A_479 = vector.shape_cast %get3A_478 : vector<1x16xf32> to vector<16xf32>
          %get3A_480 = arith.constant 0 : i32
          %get3A_481 = arith.constant 0 : i32
          %get3A_482 = tpu.memref_slice %arg13[%scan3A_193, %get3A_480, %get3A_481] : memref<2x48x256xf32, #tpu.memory_space<vmem>> -> memref<1x48x256xf32, #tpu.memory_space<vmem>>
          %get3A_483 = tpu.memref_squeeze %get3A_482 : memref<1x48x256xf32, #tpu.memory_space<vmem>> -> memref<48x256xf32, #tpu.memory_space<vmem>>
          %get3A_484 = arith.index_cast %add3A_308 : i32 to index
          %get3A_485 = arith.constant 96 : index
          %get3A_486 = tpu.vector_load %get3A_483[%get3A_484, %get3A_485] {strides = array<i32>} : memref<48x256xf32, #tpu.memory_space<vmem>>, vector<1x16xf32>,
          %get3A_487 = vector.shape_cast %get3A_486 : vector<1x16xf32> to vector<16xf32>
          %mul3A_488 = arith.mulf %get3A_479, %get3A_487 : vector<16xf32>
          %get3A_489 = arith.constant 0 : i32
          %get3A_490 = arith.constant 0 : i32
          %get3A_491 = tpu.memref_slice %arg12[%scan3A_194, %get3A_489, %get3A_490] : memref<2x48x256xf32, #tpu.memory_space<vmem>> -> memref<1x48x256xf32, #tpu.memory_space<vmem>>
          %get3A_492 = tpu.memref_squeeze %get3A_491 : memref<1x48x256xf32, #tpu.memory_space<vmem>> -> memref<48x256xf32, #tpu.memory_space<vmem>>
          %get3A_493 = arith.index_cast %add3A_308 : i32 to index
          %get3A_494 = arith.constant 96 : index
          %get3A_495 = tpu.vector_load %get3A_492[%get3A_493, %get3A_494] {strides = array<i32>} : memref<48x256xf32, #tpu.memory_space<vmem>>, vector<1x16xf32>,
          %get3A_496 = vector.shape_cast %get3A_495 : vector<1x16xf32> to vector<16xf32>
          %mul3A_497 = arith.mulf %mul3A_488, %get3A_496 : vector<16xf32>
          %add3A_498 = arith.addf %add3A_471, %mul3A_497 : vector<16xf32>
          %get3A_499 = arith.constant 0 : i32
          %get3A_500 = arith.constant 0 : i32
          %get3A_501 = tpu.memref_slice %arg11[%scan3A, %get3A_499, %get3A_500] : memref<2x48x256xf32, #tpu.memory_space<vmem>> -> memref<1x48x256xf32, #tpu.memory_space<vmem>>
          %get3A_502 = tpu.memref_squeeze %get3A_501 : memref<1x48x256xf32, #tpu.memory_space<vmem>> -> memref<48x256xf32, #tpu.memory_space<vmem>>
          %get3A_503 = arith.index_cast %add3A_308 : i32 to index
          %get3A_504 = arith.constant 112 : index
          %get3A_505 = tpu.vector_load %get3A_502[%get3A_503, %get3A_504] {strides = array<i32>} : memref<48x256xf32, #tpu.memory_space<vmem>>, vector<1x16xf32>,
          %get3A_506 = vector.shape_cast %get3A_505 : vector<1x16xf32> to vector<16xf32>
          %get3A_507 = arith.constant 0 : i32
          %get3A_508 = arith.constant 0 : i32
          %get3A_509 = tpu.memref_slice %arg13[%scan3A_193, %get3A_507, %get3A_508] : memref<2x48x256xf32, #tpu.memory_space<vmem>> -> memref<1x48x256xf32, #tpu.memory_space<vmem>>
          %get3A_510 = tpu.memref_squeeze %get3A_509 : memref<1x48x256xf32, #tpu.memory_space<vmem>> -> memref<48x256xf32, #tpu.memory_space<vmem>>
          %get3A_511 = arith.index_cast %add3A_308 : i32 to index
          %get3A_512 = arith.constant 112 : index
          %get3A_513 = tpu.vector_load %get3A_510[%get3A_511, %get3A_512] {strides = array<i32>} : memref<48x256xf32, #tpu.memory_space<vmem>>, vector<1x16xf32>,
          %get3A_514 = vector.shape_cast %get3A_513 : vector<1x16xf32> to vector<16xf32>
          %mul3A_515 = arith.mulf %get3A_506, %get3A_514 : vector<16xf32>
          %get3A_516 = arith.constant 0 : i32
          %get3A_517 = arith.constant 0 : i32
          %get3A_518 = tpu.memref_slice %arg12[%scan3A_194, %get3A_516, %get3A_517] : memref<2x48x256xf32, #tpu.memory_space<vmem>> -> memref<1x48x256xf32, #tpu.memory_space<vmem>>
          %get3A_519 = tpu.memref_squeeze %get3A_518 : memref<1x48x256xf32, #tpu.memory_space<vmem>> -> memref<48x256xf32, #tpu.memory_space<vmem>>
          %get3A_520 = arith.index_cast %add3A_308 : i32 to index
          %get3A_521 = arith.constant 112 : index
          %get3A_522 = tpu.vector_load %get3A_519[%get3A_520, %get3A_521] {strides = array<i32>} : memref<48x256xf32, #tpu.memory_space<vmem>>, vector<1x16xf32>,
          %get3A_523 = vector.shape_cast %get3A_522 : vector<1x16xf32> to vector<16xf32>
          %mul3A_524 = arith.mulf %mul3A_515, %get3A_523 : vector<16xf32>
          %add3A_525 = arith.addf %add3A_498, %mul3A_524 : vector<16xf32>
          %get3A_526 = arith.constant 0 : i32
          %get3A_527 = arith.constant 0 : i32
          %get3A_528 = tpu.memref_slice %arg11[%scan3A, %get3A_526, %get3A_527] : memref<2x48x256xf32, #tpu.memory_space<vmem>> -> memref<1x48x256xf32, #tpu.memory_space<vmem>>
          %get3A_529 = tpu.memref_squeeze %get3A_528 : memref<1x48x256xf32, #tpu.memory_space<vmem>> -> memref<48x256xf32, #tpu.memory_space<vmem>>
          %get3A_530 = arith.index_cast %add3A_308 : i32 to index
          %get3A_531 = arith.constant 128 : index
          %get3A_532 = tpu.vector_load %get3A_529[%get3A_530, %get3A_531] {strides = array<i32>} : memref<48x256xf32, #tpu.memory_space<vmem>>, vector<1x16xf32>,
          %get3A_533 = vector.shape_cast %get3A_532 : vector<1x16xf32> to vector<16xf32>
          %get3A_534 = arith.constant 0 : i32
          %get3A_535 = arith.constant 0 : i32
          %get3A_536 = tpu.memref_slice %arg13[%scan3A_193, %get3A_534, %get3A_535] : memref<2x48x256xf32, #tpu.memory_space<vmem>> -> memref<1x48x256xf32, #tpu.memory_space<vmem>>
          %get3A_537 = tpu.memref_squeeze %get3A_536 : memref<1x48x256xf32, #tpu.memory_space<vmem>> -> memref<48x256xf32, #tpu.memory_space<vmem>>
          %get3A_538 = arith.index_cast %add3A_308 : i32 to index
          %get3A_539 = arith.constant 128 : index
          %get3A_540 = tpu.vector_load %get3A_537[%get3A_538, %get3A_539] {strides = array<i32>} : memref<48x256xf32, #tpu.memory_space<vmem>>, vector<1x16xf32>,
          %get3A_541 = vector.shape_cast %get3A_540 : vector<1x16xf32> to vector<16xf32>
          %mul3A_542 = arith.mulf %get3A_533, %get3A_541 : vector<16xf32>
          %get3A_543 = arith.constant 0 : i32
          %get3A_544 = arith.constant 0 : i32
          %get3A_545 = tpu.memref_slice %arg12[%scan3A_194, %get3A_543, %get3A_544] : memref<2x48x256xf32, #tpu.memory_space<vmem>> -> memref<1x48x256xf32, #tpu.memory_space<vmem>>
          %get3A_546 = tpu.memref_squeeze %get3A_545 : memref<1x48x256xf32, #tpu.memory_space<vmem>> -> memref<48x256xf32, #tpu.memory_space<vmem>>
          %get3A_547 = arith.index_cast %add3A_308 : i32 to index
          %get3A_548 = arith.constant 128 : index
          %get3A_549 = tpu.vector_load %get3A_546[%get3A_547, %get3A_548] {strides = array<i32>} : memref<48x256xf32, #tpu.memory_space<vmem>>, vector<1x16xf32>,
          %get3A_550 = vector.shape_cast %get3A_549 : vector<1x16xf32> to vector<16xf32>
          %mul3A_551 = arith.mulf %mul3A_542, %get3A_550 : vector<16xf32>
          %add3A_552 = arith.addf %add3A_525, %mul3A_551 : vector<16xf32>
          %get3A_553 = arith.constant 0 : i32
          %get3A_554 = arith.constant 0 : i32
          %get3A_555 = tpu.memref_slice %arg11[%scan3A, %get3A_553, %get3A_554] : memref<2x48x256xf32, #tpu.memory_space<vmem>> -> memref<1x48x256xf32, #tpu.memory_space<vmem>>
          %get3A_556 = tpu.memref_squeeze %get3A_555 : memref<1x48x256xf32, #tpu.memory_space<vmem>> -> memref<48x256xf32, #tpu.memory_space<vmem>>
          %get3A_557 = arith.index_cast %add3A_308 : i32 to index
          %get3A_558 = arith.constant 144 : index
          %get3A_559 = tpu.vector_load %get3A_556[%get3A_557, %get3A_558] {strides = array<i32>} : memref<48x256xf32, #tpu.memory_space<vmem>>, vector<1x16xf32>,
          %get3A_560 = vector.shape_cast %get3A_559 : vector<1x16xf32> to vector<16xf32>
          %get3A_561 = arith.constant 0 : i32
          %get3A_562 = arith.constant 0 : i32
          %get3A_563 = tpu.memref_slice %arg13[%scan3A_193, %get3A_561, %get3A_562] : memref<2x48x256xf32, #tpu.memory_space<vmem>> -> memref<1x48x256xf32, #tpu.memory_space<vmem>>
          %get3A_564 = tpu.memref_squeeze %get3A_563 : memref<1x48x256xf32, #tpu.memory_space<vmem>> -> memref<48x256xf32, #tpu.memory_space<vmem>>
          %get3A_565 = arith.index_cast %add3A_308 : i32 to index
          %get3A_566 = arith.constant 144 : index
          %get3A_567 = tpu.vector_load %get3A_564[%get3A_565, %get3A_566] {strides = array<i32>} : memref<48x256xf32, #tpu.memory_space<vmem>>, vector<1x16xf32>,
          %get3A_568 = vector.shape_cast %get3A_567 : vector<1x16xf32> to vector<16xf32>
          %mul3A_569 = arith.mulf %get3A_560, %get3A_568 : vector<16xf32>
          %get3A_570 = arith.constant 0 : i32
          %get3A_571 = arith.constant 0 : i32
          %get3A_572 = tpu.memref_slice %arg12[%scan3A_194, %get3A_570, %get3A_571] : memref<2x48x256xf32, #tpu.memory_space<vmem>> -> memref<1x48x256xf32, #tpu.memory_space<vmem>>
          %get3A_573 = tpu.memref_squeeze %get3A_572 : memref<1x48x256xf32, #tpu.memory_space<vmem>> -> memref<48x256xf32, #tpu.memory_space<vmem>>
          %get3A_574 = arith.index_cast %add3A_308 : i32 to index
          %get3A_575 = arith.constant 144 : index
          %get3A_576 = tpu.vector_load %get3A_573[%get3A_574, %get3A_575] {strides = array<i32>} : memref<48x256xf32, #tpu.memory_space<vmem>>, vector<1x16xf32>,
          %get3A_577 = vector.shape_cast %get3A_576 : vector<1x16xf32> to vector<16xf32>
          %mul3A_578 = arith.mulf %mul3A_569, %get3A_577 : vector<16xf32>
          %add3A_579 = arith.addf %add3A_552, %mul3A_578 : vector<16xf32>
          %get3A_580 = arith.constant 0 : i32
          %get3A_581 = arith.constant 0 : i32
          %get3A_582 = tpu.memref_slice %arg11[%scan3A, %get3A_580, %get3A_581] : memref<2x48x256xf32, #tpu.memory_space<vmem>> -> memref<1x48x256xf32, #tpu.memory_space<vmem>>
          %get3A_583 = tpu.memref_squeeze %get3A_582 : memref<1x48x256xf32, #tpu.memory_space<vmem>> -> memref<48x256xf32, #tpu.memory_space<vmem>>
          %get3A_584 = arith.index_cast %add3A_308 : i32 to index
          %get3A_585 = arith.constant 160 : index
          %get3A_586 = tpu.vector_load %get3A_583[%get3A_584, %get3A_585] {strides = array<i32>} : memref<48x256xf32, #tpu.memory_space<vmem>>, vector<1x16xf32>,
          %get3A_587 = vector.shape_cast %get3A_586 : vector<1x16xf32> to vector<16xf32>
          %get3A_588 = arith.constant 0 : i32
          %get3A_589 = arith.constant 0 : i32
          %get3A_590 = tpu.memref_slice %arg13[%scan3A_193, %get3A_588, %get3A_589] : memref<2x48x256xf32, #tpu.memory_space<vmem>> -> memref<1x48x256xf32, #tpu.memory_space<vmem>>
          %get3A_591 = tpu.memref_squeeze %get3A_590 : memref<1x48x256xf32, #tpu.memory_space<vmem>> -> memref<48x256xf32, #tpu.memory_space<vmem>>
          %get3A_592 = arith.index_cast %add3A_308 : i32 to index
          %get3A_593 = arith.constant 160 : index
          %get3A_594 = tpu.vector_load %get3A_591[%get3A_592, %get3A_593] {strides = array<i32>} : memref<48x256xf32, #tpu.memory_space<vmem>>, vector<1x16xf32>,
          %get3A_595 = vector.shape_cast %get3A_594 : vector<1x16xf32> to vector<16xf32>
          %mul3A_596 = arith.mulf %get3A_587, %get3A_595 : vector<16xf32>
          %get3A_597 = arith.constant 0 : i32
          %get3A_598 = arith.constant 0 : i32
          %get3A_599 = tpu.memref_slice %arg12[%scan3A_194, %get3A_597, %get3A_598] : memref<2x48x256xf32, #tpu.memory_space<vmem>> -> memref<1x48x256xf32, #tpu.memory_space<vmem>>
          %get3A_600 = tpu.memref_squeeze %get3A_599 : memref<1x48x256xf32, #tpu.memory_space<vmem>> -> memref<48x256xf32, #tpu.memory_space<vmem>>
          %get3A_601 = arith.index_cast %add3A_308 : i32 to index
          %get3A_602 = arith.constant 160 : index
          %get3A_603 = tpu.vector_load %get3A_600[%get3A_601, %get3A_602] {strides = array<i32>} : memref<48x256xf32, #tpu.memory_space<vmem>>, vector<1x16xf32>,
          %get3A_604 = vector.shape_cast %get3A_603 : vector<1x16xf32> to vector<16xf32>
          %mul3A_605 = arith.mulf %mul3A_596, %get3A_604 : vector<16xf32>
          %add3A_606 = arith.addf %add3A_579, %mul3A_605 : vector<16xf32>
          %get3A_607 = arith.constant 0 : i32
          %get3A_608 = arith.constant 0 : i32
          %get3A_609 = tpu.memref_slice %arg11[%scan3A, %get3A_607, %get3A_608] : memref<2x48x256xf32, #tpu.memory_space<vmem>> -> memref<1x48x256xf32, #tpu.memory_space<vmem>>
          %get3A_610 = tpu.memref_squeeze %get3A_609 : memref<1x48x256xf32, #tpu.memory_space<vmem>> -> memref<48x256xf32, #tpu.memory_space<vmem>>
          %get3A_611 = arith.index_cast %add3A_308 : i32 to index
          %get3A_612 = arith.constant 176 : index
          %get3A_613 = tpu.vector_load %get3A_610[%get3A_611, %get3A_612] {strides = array<i32>} : memref<48x256xf32, #tpu.memory_space<vmem>>, vector<1x16xf32>,
          %get3A_614 = vector.shape_cast %get3A_613 : vector<1x16xf32> to vector<16xf32>
          %get3A_615 = arith.constant 0 : i32
          %get3A_616 = arith.constant 0 : i32
          %get3A_617 = tpu.memref_slice %arg13[%scan3A_193, %get3A_615, %get3A_616] : memref<2x48x256xf32, #tpu.memory_space<vmem>> -> memref<1x48x256xf32, #tpu.memory_space<vmem>>
          %get3A_618 = tpu.memref_squeeze %get3A_617 : memref<1x48x256xf32, #tpu.memory_space<vmem>> -> memref<48x256xf32, #tpu.memory_space<vmem>>
          %get3A_619 = arith.index_cast %add3A_308 : i32 to index
          %get3A_620 = arith.constant 176 : index
          %get3A_621 = tpu.vector_load %get3A_618[%get3A_619, %get3A_620] {strides = array<i32>} : memref<48x256xf32, #tpu.memory_space<vmem>>, vector<1x16xf32>,
          %get3A_622 = vector.shape_cast %get3A_621 : vector<1x16xf32> to vector<16xf32>
          %mul3A_623 = arith.mulf %get3A_614, %get3A_622 : vector<16xf32>
          %get3A_624 = arith.constant 0 : i32
          %get3A_625 = arith.constant 0 : i32
          %get3A_626 = tpu.memref_slice %arg12[%scan3A_194, %get3A_624, %get3A_625] : memref<2x48x256xf32, #tpu.memory_space<vmem>> -> memref<1x48x256xf32, #tpu.memory_space<vmem>>
          %get3A_627 = tpu.memref_squeeze %get3A_626 : memref<1x48x256xf32, #tpu.memory_space<vmem>> -> memref<48x256xf32, #tpu.memory_space<vmem>>
          %get3A_628 = arith.index_cast %add3A_308 : i32 to index
          %get3A_629 = arith.constant 176 : index
          %get3A_630 = tpu.vector_load %get3A_627[%get3A_628, %get3A_629] {strides = array<i32>} : memref<48x256xf32, #tpu.memory_space<vmem>>, vector<1x16xf32>,
          %get3A_631 = vector.shape_cast %get3A_630 : vector<1x16xf32> to vector<16xf32>
          %mul3A_632 = arith.mulf %mul3A_623, %get3A_631 : vector<16xf32>
          %add3A_633 = arith.addf %add3A_606, %mul3A_632 : vector<16xf32>
          %get3A_634 = arith.constant 0 : i32
          %get3A_635 = arith.constant 0 : i32
          %get3A_636 = tpu.memref_slice %arg11[%scan3A, %get3A_634, %get3A_635] : memref<2x48x256xf32, #tpu.memory_space<vmem>> -> memref<1x48x256xf32, #tpu.memory_space<vmem>>
          %get3A_637 = tpu.memref_squeeze %get3A_636 : memref<1x48x256xf32, #tpu.memory_space<vmem>> -> memref<48x256xf32, #tpu.memory_space<vmem>>
          %get3A_638 = arith.index_cast %add3A_308 : i32 to index
          %get3A_639 = arith.constant 192 : index
          %get3A_640 = tpu.vector_load %get3A_637[%get3A_638, %get3A_639] {strides = array<i32>} : memref<48x256xf32, #tpu.memory_space<vmem>>, vector<1x16xf32>,
          %get3A_641 = vector.shape_cast %get3A_640 : vector<1x16xf32> to vector<16xf32>
          %get3A_642 = arith.constant 0 : i32
          %get3A_643 = arith.constant 0 : i32
          %get3A_644 = tpu.memref_slice %arg13[%scan3A_193, %get3A_642, %get3A_643] : memref<2x48x256xf32, #tpu.memory_space<vmem>> -> memref<1x48x256xf32, #tpu.memory_space<vmem>>
          %get3A_645 = tpu.memref_squeeze %get3A_644 : memref<1x48x256xf32, #tpu.memory_space<vmem>> -> memref<48x256xf32, #tpu.memory_space<vmem>>
          %get3A_646 = arith.index_cast %add3A_308 : i32 to index
          %get3A_647 = arith.constant 192 : index
          %get3A_648 = tpu.vector_load %get3A_645[%get3A_646, %get3A_647] {strides = array<i32>} : memref<48x256xf32, #tpu.memory_space<vmem>>, vector<1x16xf32>,
          %get3A_649 = vector.shape_cast %get3A_648 : vector<1x16xf32> to vector<16xf32>
          %mul3A_650 = arith.mulf %get3A_641, %get3A_649 : vector<16xf32>
          %get3A_651 = arith.constant 0 : i32
          %get3A_652 = arith.constant 0 : i32
          %get3A_653 = tpu.memref_slice %arg12[%scan3A_194, %get3A_651, %get3A_652] : memref<2x48x256xf32, #tpu.memory_space<vmem>> -> memref<1x48x256xf32, #tpu.memory_space<vmem>>
          %get3A_654 = tpu.memref_squeeze %get3A_653 : memref<1x48x256xf32, #tpu.memory_space<vmem>> -> memref<48x256xf32, #tpu.memory_space<vmem>>
          %get3A_655 = arith.index_cast %add3A_308 : i32 to index
          %get3A_656 = arith.constant 192 : index
          %get3A_657 = tpu.vector_load %get3A_654[%get3A_655, %get3A_656] {strides = array<i32>} : memref<48x256xf32, #tpu.memory_space<vmem>>, vector<1x16xf32>,
          %get3A_658 = vector.shape_cast %get3A_657 : vector<1x16xf32> to vector<16xf32>
          %mul3A_659 = arith.mulf %mul3A_650, %get3A_658 : vector<16xf32>
          %add3A_660 = arith.addf %add3A_633, %mul3A_659 : vector<16xf32>
          %get3A_661 = arith.constant 0 : i32
          %get3A_662 = arith.constant 0 : i32
          %get3A_663 = tpu.memref_slice %arg11[%scan3A, %get3A_661, %get3A_662] : memref<2x48x256xf32, #tpu.memory_space<vmem>> -> memref<1x48x256xf32, #tpu.memory_space<vmem>>
          %get3A_664 = tpu.memref_squeeze %get3A_663 : memref<1x48x256xf32, #tpu.memory_space<vmem>> -> memref<48x256xf32, #tpu.memory_space<vmem>>
          %get3A_665 = arith.index_cast %add3A_308 : i32 to index
          %get3A_666 = arith.constant 208 : index
          %get3A_667 = tpu.vector_load %get3A_664[%get3A_665, %get3A_666] {strides = array<i32>} : memref<48x256xf32, #tpu.memory_space<vmem>>, vector<1x16xf32>,
          %get3A_668 = vector.shape_cast %get3A_667 : vector<1x16xf32> to vector<16xf32>
          %get3A_669 = arith.constant 0 : i32
          %get3A_670 = arith.constant 0 : i32
          %get3A_671 = tpu.memref_slice %arg13[%scan3A_193, %get3A_669, %get3A_670] : memref<2x48x256xf32, #tpu.memory_space<vmem>> -> memref<1x48x256xf32, #tpu.memory_space<vmem>>
          %get3A_672 = tpu.memref_squeeze %get3A_671 : memref<1x48x256xf32, #tpu.memory_space<vmem>> -> memref<48x256xf32, #tpu.memory_space<vmem>>
          %get3A_673 = arith.index_cast %add3A_308 : i32 to index
          %get3A_674 = arith.constant 208 : index
          %get3A_675 = tpu.vector_load %get3A_672[%get3A_673, %get3A_674] {strides = array<i32>} : memref<48x256xf32, #tpu.memory_space<vmem>>, vector<1x16xf32>,
          %get3A_676 = vector.shape_cast %get3A_675 : vector<1x16xf32> to vector<16xf32>
          %mul3A_677 = arith.mulf %get3A_668, %get3A_676 : vector<16xf32>
          %get3A_678 = arith.constant 0 : i32
          %get3A_679 = arith.constant 0 : i32
          %get3A_680 = tpu.memref_slice %arg12[%scan3A_194, %get3A_678, %get3A_679] : memref<2x48x256xf32, #tpu.memory_space<vmem>> -> memref<1x48x256xf32, #tpu.memory_space<vmem>>
          %get3A_681 = tpu.memref_squeeze %get3A_680 : memref<1x48x256xf32, #tpu.memory_space<vmem>> -> memref<48x256xf32, #tpu.memory_space<vmem>>
          %get3A_682 = arith.index_cast %add3A_308 : i32 to index
          %get3A_683 = arith.constant 208 : index
          %get3A_684 = tpu.vector_load %get3A_681[%get3A_682, %get3A_683] {strides = array<i32>} : memref<48x256xf32, #tpu.memory_space<vmem>>, vector<1x16xf32>,
          %get3A_685 = vector.shape_cast %get3A_684 : vector<1x16xf32> to vector<16xf32>
          %mul3A_686 = arith.mulf %mul3A_677, %get3A_685 : vector<16xf32>
          %add3A_687 = arith.addf %add3A_660, %mul3A_686 : vector<16xf32>
          %get3A_688 = arith.constant 0 : i32
          %get3A_689 = arith.constant 0 : i32
          %get3A_690 = tpu.memref_slice %arg11[%scan3A, %get3A_688, %get3A_689] : memref<2x48x256xf32, #tpu.memory_space<vmem>> -> memref<1x48x256xf32, #tpu.memory_space<vmem>>
          %get3A_691 = tpu.memref_squeeze %get3A_690 : memref<1x48x256xf32, #tpu.memory_space<vmem>> -> memref<48x256xf32, #tpu.memory_space<vmem>>
          %get3A_692 = arith.index_cast %add3A_308 : i32 to index
          %get3A_693 = arith.constant 224 : index
          %get3A_694 = tpu.vector_load %get3A_691[%get3A_692, %get3A_693] {strides = array<i32>} : memref<48x256xf32, #tpu.memory_space<vmem>>, vector<1x16xf32>,
          %get3A_695 = vector.shape_cast %get3A_694 : vector<1x16xf32> to vector<16xf32>
          %get3A_696 = arith.constant 0 : i32
          %get3A_697 = arith.constant 0 : i32
          %get3A_698 = tpu.memref_slice %arg13[%scan3A_193, %get3A_696, %get3A_697] : memref<2x48x256xf32, #tpu.memory_space<vmem>> -> memref<1x48x256xf32, #tpu.memory_space<vmem>>
          %get3A_699 = tpu.memref_squeeze %get3A_698 : memref<1x48x256xf32, #tpu.memory_space<vmem>> -> memref<48x256xf32, #tpu.memory_space<vmem>>
          %get3A_700 = arith.index_cast %add3A_308 : i32 to index
          %get3A_701 = arith.constant 224 : index
          %get3A_702 = tpu.vector_load %get3A_699[%get3A_700, %get3A_701] {strides = array<i32>} : memref<48x256xf32, #tpu.memory_space<vmem>>, vector<1x16xf32>,
          %get3A_703 = vector.shape_cast %get3A_702 : vector<1x16xf32> to vector<16xf32>
          %mul3A_704 = arith.mulf %get3A_695, %get3A_703 : vector<16xf32>
          %get3A_705 = arith.constant 0 : i32
          %get3A_706 = arith.constant 0 : i32
          %get3A_707 = tpu.memref_slice %arg12[%scan3A_194, %get3A_705, %get3A_706] : memref<2x48x256xf32, #tpu.memory_space<vmem>> -> memref<1x48x256xf32, #tpu.memory_space<vmem>>
          %get3A_708 = tpu.memref_squeeze %get3A_707 : memref<1x48x256xf32, #tpu.memory_space<vmem>> -> memref<48x256xf32, #tpu.memory_space<vmem>>
          %get3A_709 = arith.index_cast %add3A_308 : i32 to index
          %get3A_710 = arith.constant 224 : index
          %get3A_711 = tpu.vector_load %get3A_708[%get3A_709, %get3A_710] {strides = array<i32>} : memref<48x256xf32, #tpu.memory_space<vmem>>, vector<1x16xf32>,
          %get3A_712 = vector.shape_cast %get3A_711 : vector<1x16xf32> to vector<16xf32>
          %mul3A_713 = arith.mulf %mul3A_704, %get3A_712 : vector<16xf32>
          %add3A_714 = arith.addf %add3A_687, %mul3A_713 : vector<16xf32>
          %get3A_715 = arith.constant 0 : i32
          %get3A_716 = arith.constant 0 : i32
          %get3A_717 = tpu.memref_slice %arg11[%scan3A, %get3A_715, %get3A_716] : memref<2x48x256xf32, #tpu.memory_space<vmem>> -> memref<1x48x256xf32, #tpu.memory_space<vmem>>
          %get3A_718 = tpu.memref_squeeze %get3A_717 : memref<1x48x256xf32, #tpu.memory_space<vmem>> -> memref<48x256xf32, #tpu.memory_space<vmem>>
          %get3A_719 = arith.index_cast %add3A_308 : i32 to index
          %get3A_720 = arith.constant 240 : index
          %get3A_721 = tpu.vector_load %get3A_718[%get3A_719, %get3A_720] {strides = array<i32>} : memref<48x256xf32, #tpu.memory_space<vmem>>, vector<1x16xf32>,
          %get3A_722 = vector.shape_cast %get3A_721 : vector<1x16xf32> to vector<16xf32>
          %get3A_723 = arith.constant 0 : i32
          %get3A_724 = arith.constant 0 : i32
          %get3A_725 = tpu.memref_slice %arg13[%scan3A_193, %get3A_723, %get3A_724] : memref<2x48x256xf32, #tpu.memory_space<vmem>> -> memref<1x48x256xf32, #tpu.memory_space<vmem>>
          %get3A_726 = tpu.memref_squeeze %get3A_725 : memref<1x48x256xf32, #tpu.memory_space<vmem>> -> memref<48x256xf32, #tpu.memory_space<vmem>>
          %get3A_727 = arith.index_cast %add3A_308 : i32 to index
          %get3A_728 = arith.constant 240 : index
          %get3A_729 = tpu.vector_load %get3A_726[%get3A_727, %get3A_728] {strides = array<i32>} : memref<48x256xf32, #tpu.memory_space<vmem>>, vector<1x16xf32>,
          %get3A_730 = vector.shape_cast %get3A_729 : vector<1x16xf32> to vector<16xf32>
          %mul3A_731 = arith.mulf %get3A_722, %get3A_730 : vector<16xf32>
          %get3A_732 = arith.constant 0 : i32
          %get3A_733 = arith.constant 0 : i32
          %get3A_734 = tpu.memref_slice %arg12[%scan3A_194, %get3A_732, %get3A_733] : memref<2x48x256xf32, #tpu.memory_space<vmem>> -> memref<1x48x256xf32, #tpu.memory_space<vmem>>
          %get3A_735 = tpu.memref_squeeze %get3A_734 : memref<1x48x256xf32, #tpu.memory_space<vmem>> -> memref<48x256xf32, #tpu.memory_space<vmem>>
          %get3A_736 = arith.index_cast %add3A_308 : i32 to index
          %get3A_737 = arith.constant 240 : index
          %get3A_738 = tpu.vector_load %get3A_735[%get3A_736, %get3A_737] {strides = array<i32>} : memref<48x256xf32, #tpu.memory_space<vmem>>, vector<1x16xf32>,
          %get3A_739 = vector.shape_cast %get3A_738 : vector<1x16xf32> to vector<16xf32>
          %mul3A_740 = arith.mulf %mul3A_731, %get3A_739 : vector<16xf32>
          %add3A_741 = arith.addf %add3A_714, %mul3A_740 : vector<16xf32>
          %eq3A_742 = vector.broadcast %scan3A_304 : i32 to vector<16xi32>
          %eq3A_743 = arith.cmpi eq, %iota3A, %eq3A_742 : vector<16xi32>
          %xor3A = arith.constant 8 : i32
          %xor3A_744 = vector.broadcast %xor3A : i32 to vector<16xi32>
          %xor3A_745 = arith.xori %iota3A, %xor3A_744 : vector<16xi32>
          %broadcast_in_dim3A_746 = vector.shape_cast %xor3A_745 : vector<16xi32> to vector<16x1xi32>
          %gather3A = vector.shape_cast %broadcast_in_dim3A_746 : vector<16x1xi32> to vector<16xi32>
          %gather3A_747 = tpu.dynamic_gather %add3A_741[%gather3A] in [0] : vector<16xf32>, vector<16xi32> -> vector<16xf32>
          %add3A_748 = arith.addf %add3A_741, %gather3A_747 : vector<16xf32>
          %xor3A_749 = arith.constant 4 : i32
          %xor3A_750 = vector.broadcast %xor3A_749 : i32 to vector<16xi32>
          %xor3A_751 = arith.xori %iota3A, %xor3A_750 : vector<16xi32>
          %broadcast_in_dim3A_752 = vector.shape_cast %xor3A_751 : vector<16xi32> to vector<16x1xi32>
          %gather3A_753 = vector.shape_cast %broadcast_in_dim3A_752 : vector<16x1xi32> to vector<16xi32>
          %gather3A_754 = tpu.dynamic_gather %add3A_748[%gather3A_753] in [0] : vector<16xf32>, vector<16xi32> -> vector<16xf32>
          %add3A_755 = arith.addf %add3A_748, %gather3A_754 : vector<16xf32>
          %xor3A_756 = arith.constant 2 : i32
          %xor3A_757 = vector.broadcast %xor3A_756 : i32 to vector<16xi32>
          %xor3A_758 = arith.xori %iota3A, %xor3A_757 : vector<16xi32>
          %broadcast_in_dim3A_759 = vector.shape_cast %xor3A_758 : vector<16xi32> to vector<16x1xi32>
          %gather3A_760 = vector.shape_cast %broadcast_in_dim3A_759 : vector<16x1xi32> to vector<16xi32>
          %gather3A_761 = tpu.dynamic_gather %add3A_755[%gather3A_760] in [0] : vector<16xf32>, vector<16xi32> -> vector<16xf32>
          %add3A_762 = arith.addf %add3A_755, %gather3A_761 : vector<16xf32>
          %xor3A_763 = arith.constant 1 : i32
          %xor3A_764 = vector.broadcast %xor3A_763 : i32 to vector<16xi32>
          %xor3A_765 = arith.xori %iota3A, %xor3A_764 : vector<16xi32>
          %broadcast_in_dim3A_766 = vector.shape_cast %xor3A_765 : vector<16xi32> to vector<16x1xi32>
          %gather3A_767 = vector.shape_cast %broadcast_in_dim3A_766 : vector<16x1xi32> to vector<16xi32>
          %gather3A_768 = tpu.dynamic_gather %add3A_762[%gather3A_767] in [0] : vector<16xf32>, vector<16xi32> -> vector<16xf32>
          %add3A_769 = arith.addf %add3A_762, %gather3A_768 : vector<16xf32>
          %select_n3A_770 = arith.select %eq3A_743, %add3A_769, %scan3A_305 : vector<16xi1>, vector<16xf32>
          scf.yield %select_n3A_770 : vector<16xf32>
        }
        %scan3A_297 = arith.constant 16 : i32
        %mul3A_298 = arith.constant 16 : i32
        %mul3A_299 = arith.muli %scan3A_290, %mul3A_298 : i32
        %add3A_300 = arith.addi %mul3A_115, %mul3A_299 : i32
        %swap3A = arith.index_cast %add3A_300 : i32 to index
        %swap3A_301 = tpu.vector_load %arg14[%swap3A] {strides = array<i32>} : memref<5280xf32, #tpu.memory_space<vmem>>, vector<16xf32>,
        %swap3A_302 = vector.shape_cast %swap3A_301 : vector<16xf32> to vector<16xf32>
        %swap3A_303 = vector.shape_cast %scan3A_296 : vector<16xf32> to vector<16xf32>
        tpu.vector_store %arg14[%swap3A], %swap3A_303 {strides = array<i32>} : memref<5280xf32, #tpu.memory_space<vmem>>, vector<16xf32>,
      }
      %scan3A_199 = arith.constant 3 : i32
      %add3A_200 = arith.constant 1 : i32
      %add3A_201 = arith.addi %mul3A_111, %add3A_200 : i32
      %mul3A_202 = arith.constant 48 : i32
      %mul3A_203 = arith.muli %add3A_201, %mul3A_202 : i32
      %add3A_204 = arith.constant 48 : i32
      %add3A_205 = arith.addi %mul3A_203, %add3A_204 : i32
      %min3A_206 = arith.minsi %add3A_205, %mul3A_16 : i32
      %dma_start3A_207 = arith.constant 0 : i32
      %dma_start3A_208 = arith.constant 0 : i32
      %dma_start3A_209 = arith.constant 0 : i32
      %dma_start3A_210 = arith.constant 0 : i32
      %dma_start3A_211 = tpu.memref_slice %arg11[%dma_start3A_207, %dma_start3A_209, %dma_start3A_210] : memref<2x48x256xf32, #tpu.memory_space<vmem>> -> memref<1x48x256xf32, #tpu.memory_space<vmem>>
      %dma_start3A_212 = tpu.memref_squeeze %dma_start3A_211 : memref<1x48x256xf32, #tpu.memory_space<vmem>> -> memref<48x256xf32, #tpu.memory_space<vmem>>
      %dma_start3A_213 = tpu.memref_slice %arg8[%min3A_206] : memref<5280xi32, #tpu.memory_space<vmem>> -> memref<48xi32, #tpu.memory_space<vmem>>
      %dma_start3A_214 = arith.constant 0 : i32
      %dma_start3A_215 = arith.constant 0 : i32
      %dma_start3A_216 = tpu.memref_slice %arg2[%dma_start3A_214, %dma_start3A_215] : memref<10000x256xf32, #tpu.memory_space<hbm>> -> memref<10000x256xf32, #tpu.memory_space<hbm>>
      %dma_start3A_217 = tpu.memref_slice %arg15[%dma_start3A_208] : memref<2x!tpu.dma_semaphore, #tpu.memory_space<semaphore_mem>> -> memref<1x!tpu.dma_semaphore, #tpu.memory_space<semaphore_mem>>
      %dma_start3A_218 = tpu.memref_squeeze %dma_start3A_217 : memref<1x!tpu.dma_semaphore, #tpu.memory_space<semaphore_mem>> -> memref<!tpu.dma_semaphore, #tpu.memory_space<semaphore_mem>>
      tpu.enqueue_indirect_dma source(%dma_start3A_216 : memref<10000x256xf32, #tpu.memory_space<hbm>>) target(%dma_start3A_212 : memref<48x256xf32, #tpu.memory_space<vmem>>) offsets(%dma_start3A_213 : memref<48xi32, #tpu.memory_space<vmem>>) semaphore(%dma_start3A_218 : memref<!tpu.dma_semaphore, #tpu.memory_space<semaphore_mem>>)
      %dma_start3A_219 = arith.constant 0 : i32
      %dma_start3A_220 = arith.constant 0 : i32
      %dma_start3A_221 = arith.constant 0 : i32
      %dma_start3A_222 = arith.constant 0 : i32
      %dma_start3A_223 = tpu.memref_slice %arg12[%dma_start3A_219, %dma_start3A_221, %dma_start3A_222] : memref<2x48x256xf32, #tpu.memory_space<vmem>> -> memref<1x48x256xf32, #tpu.memory_space<vmem>>
      %dma_start3A_224 = tpu.memref_squeeze %dma_start3A_223 : memref<1x48x256xf32, #tpu.memory_space<vmem>> -> memref<48x256xf32, #tpu.memory_space<vmem>>
      %dma_start3A_225 = tpu.memref_slice %arg9[%min3A_206] : memref<5280xi32, #tpu.memory_space<vmem>> -> memref<48xi32, #tpu.memory_space<vmem>>
      %dma_start3A_226 = arith.constant 0 : i32
      %dma_start3A_227 = arith.constant 0 : i32
      %dma_start3A_228 = tpu.memref_slice %arg2[%dma_start3A_226, %dma_start3A_227] : memref<10000x256xf32, #tpu.memory_space<hbm>> -> memref<10000x256xf32, #tpu.memory_space<hbm>>
      %dma_start3A_229 = tpu.memref_slice %arg15[%dma_start3A_220] : memref<2x!tpu.dma_semaphore, #tpu.memory_space<semaphore_mem>> -> memref<1x!tpu.dma_semaphore, #tpu.memory_space<semaphore_mem>>
      %dma_start3A_230 = tpu.memref_squeeze %dma_start3A_229 : memref<1x!tpu.dma_semaphore, #tpu.memory_space<semaphore_mem>> -> memref<!tpu.dma_semaphore, #tpu.memory_space<semaphore_mem>>
      tpu.enqueue_indirect_dma source(%dma_start3A_228 : memref<10000x256xf32, #tpu.memory_space<hbm>>) target(%dma_start3A_224 : memref<48x256xf32, #tpu.memory_space<vmem>>) offsets(%dma_start3A_225 : memref<48xi32, #tpu.memory_space<vmem>>) semaphore(%dma_start3A_230 : memref<!tpu.dma_semaphore, #tpu.memory_space<semaphore_mem>>)
      %dma_start3A_231 = arith.constant 0 : i32
      %dma_start3A_232 = arith.constant 0 : i32
      %dma_start3A_233 = arith.constant 0 : i32
      %dma_start3A_234 = arith.constant 0 : i32
      %dma_start3A_235 = tpu.memref_slice %arg13[%dma_start3A_231, %dma_start3A_233, %dma_start3A_234] : memref<2x48x256xf32, #tpu.memory_space<vmem>> -> memref<1x48x256xf32, #tpu.memory_space<vmem>>
      %dma_start3A_236 = tpu.memref_squeeze %dma_start3A_235 : memref<1x48x256xf32, #tpu.memory_space<vmem>> -> memref<48x256xf32, #tpu.memory_space<vmem>>
      %dma_start3A_237 = tpu.memref_slice %arg10[%min3A_206] : memref<5280xi32, #tpu.memory_space<vmem>> -> memref<48xi32, #tpu.memory_space<vmem>>
      %dma_start3A_238 = arith.constant 0 : i32
      %dma_start3A_239 = arith.constant 0 : i32
      %dma_start3A_240 = tpu.memref_slice %arg6[%dma_start3A_238, %dma_start3A_239] : memref<500x256xf32, #tpu.memory_space<hbm>> -> memref<500x256xf32, #tpu.memory_space<hbm>>
      %dma_start3A_241 = tpu.memref_slice %arg15[%dma_start3A_232] : memref<2x!tpu.dma_semaphore, #tpu.memory_space<semaphore_mem>> -> memref<1x!tpu.dma_semaphore, #tpu.memory_space<semaphore_mem>>
      %dma_start3A_242 = tpu.memref_squeeze %dma_start3A_241 : memref<1x!tpu.dma_semaphore, #tpu.memory_space<semaphore_mem>> -> memref<!tpu.dma_semaphore, #tpu.memory_space<semaphore_mem>>
      tpu.enqueue_indirect_dma source(%dma_start3A_240 : memref<500x256xf32, #tpu.memory_space<hbm>>) target(%dma_start3A_236 : memref<48x256xf32, #tpu.memory_space<vmem>>) offsets(%dma_start3A_237 : memref<48xi32, #tpu.memory_space<vmem>>) semaphore(%dma_start3A_242 : memref<!tpu.dma_semaphore, #tpu.memory_space<semaphore_mem>>)
      %dma_wait3A_243 = arith.constant 1 : i32
      %dma_wait3A_244 = arith.constant 1 : i32
      %dma_wait3A_245 = arith.constant 0 : i32
      %dma_wait3A_246 = arith.constant 0 : i32
      %dma_wait3A_247 = tpu.memref_slice %arg11[%dma_wait3A_243, %dma_wait3A_245, %dma_wait3A_246] : memref<2x48x256xf32, #tpu.memory_space<vmem>> -> memref<1x48x256xf32, #tpu.memory_space<vmem>>
      %dma_wait3A_248 = tpu.memref_squeeze %dma_wait3A_247 : memref<1x48x256xf32, #tpu.memory_space<vmem>> -> memref<48x256xf32, #tpu.memory_space<vmem>>
      %dma_wait3A_249 = arith.constant 0 : i32
      %dma_wait3A_250 = tpu.memref_slice %arg8[%dma_wait3A_249] : memref<5280xi32, #tpu.memory_space<vmem>> -> memref<48xi32, #tpu.memory_space<vmem>>
      %dma_wait3A_251 = arith.constant 0 : i32
      %dma_wait3A_252 = arith.constant 0 : i32
      %dma_wait3A_253 = tpu.memref_slice %arg2[%dma_wait3A_251, %dma_wait3A_252] : memref<10000x256xf32, #tpu.memory_space<hbm>> -> memref<10000x256xf32, #tpu.memory_space<hbm>>
      %dma_wait3A_254 = tpu.memref_slice %arg15[%dma_wait3A_244] : memref<2x!tpu.dma_semaphore, #tpu.memory_space<semaphore_mem>> -> memref<1x!tpu.dma_semaphore, #tpu.memory_space<semaphore_mem>>
      %dma_wait3A_255 = tpu.memref_squeeze %dma_wait3A_254 : memref<1x!tpu.dma_semaphore, #tpu.memory_space<semaphore_mem>> -> memref<!tpu.dma_semaphore, #tpu.memory_space<semaphore_mem>>
      tpu.wait_indirect_dma semaphore(%dma_wait3A_255 : memref<!tpu.dma_semaphore, #tpu.memory_space<semaphore_mem>>) src(%dma_wait3A_253 : memref<10000x256xf32, #tpu.memory_space<hbm>>) dst(%dma_wait3A_248 : memref<48x256xf32, #tpu.memory_space<vmem>>)
      %dma_wait3A_256 = arith.constant 1 : i32
      %dma_wait3A_257 = arith.constant 1 : i32
      %dma_wait3A_258 = arith.constant 0 : i32
      %dma_wait3A_259 = arith.constant 0 : i32
      %dma_wait3A_260 = tpu.memref_slice %arg12[%dma_wait3A_256, %dma_wait3A_258, %dma_wait3A_259] : memref<2x48x256xf32, #tpu.memory_space<vmem>> -> memref<1x48x256xf32, #tpu.memory_space<vmem>>
      %dma_wait3A_261 = tpu.memref_squeeze %dma_wait3A_260 : memref<1x48x256xf32, #tpu.memory_space<vmem>> -> memref<48x256xf32, #tpu.memory_space<vmem>>
      %dma_wait3A_262 = arith.constant 0 : i32
      %dma_wait3A_263 = tpu.memref_slice %arg9[%dma_wait3A_262] : memref<5280xi32, #tpu.memory_space<vmem>> -> memref<48xi32, #tpu.memory_space<vmem>>
      %dma_wait3A_264 = arith.constant 0 : i32
      %dma_wait3A_265 = arith.constant 0 : i32
      %dma_wait3A_266 = tpu.memref_slice %arg2[%dma_wait3A_264, %dma_wait3A_265] : memref<10000x256xf32, #tpu.memory_space<hbm>> -> memref<10000x256xf32, #tpu.memory_space<hbm>>
      %dma_wait3A_267 = tpu.memref_slice %arg15[%dma_wait3A_257] : memref<2x!tpu.dma_semaphore, #tpu.memory_space<semaphore_mem>> -> memref<1x!tpu.dma_semaphore, #tpu.memory_space<semaphore_mem>>
      %dma_wait3A_268 = tpu.memref_squeeze %dma_wait3A_267 : memref<1x!tpu.dma_semaphore, #tpu.memory_space<semaphore_mem>> -> memref<!tpu.dma_semaphore, #tpu.memory_space<semaphore_mem>>
      tpu.wait_indirect_dma semaphore(%dma_wait3A_268 : memref<!tpu.dma_semaphore, #tpu.memory_space<semaphore_mem>>) src(%dma_wait3A_266 : memref<10000x256xf32, #tpu.memory_space<hbm>>) dst(%dma_wait3A_261 : memref<48x256xf32, #tpu.memory_space<vmem>>)
      %dma_wait3A_269 = arith.constant 1 : i32
      %dma_wait3A_270 = arith.constant 1 : i32
      %dma_wait3A_271 = arith.constant 0 : i32
      %dma_wait3A_272 = arith.constant 0 : i32
      %dma_wait3A_273 = tpu.memref_slice %arg13[%dma_wait3A_269, %dma_wait3A_271, %dma_wait3A_272] : memref<2x48x256xf32, #tpu.memory_space<vmem>> -> memref<1x48x256xf32, #tpu.memory_space<vmem>>
      %dma_wait3A_274 = tpu.memref_squeeze %dma_wait3A_273 : memref<1x48x256xf32, #tpu.memory_space<vmem>> -> memref<48x256xf32, #tpu.memory_space<vmem>>
      %dma_wait3A_275 = arith.constant 0 : i32
      %dma_wait3A_276 = tpu.memref_slice %arg10[%dma_wait3A_275] : memref<5280xi32, #tpu.memory_space<vmem>> -> memref<48xi32, #tpu.memory_space<vmem>>
      %dma_wait3A_277 = arith.constant 0 : i32
      %dma_wait3A_278 = arith.constant 0 : i32
      %dma_wait3A_279 = tpu.memref_slice %arg6[%dma_wait3A_277, %dma_wait3A_278] : memref<500x256xf32, #tpu.memory_space<hbm>> -> memref<500x256xf32, #tpu.memory_space<hbm>>
      %dma_wait3A_280 = tpu.memref_slice %arg15[%dma_wait3A_270] : memref<2x!tpu.dma_semaphore, #tpu.memory_space<semaphore_mem>> -> memref<1x!tpu.dma_semaphore, #tpu.memory_space<semaphore_mem>>
      %dma_wait3A_281 = tpu.memref_squeeze %dma_wait3A_280 : memref<1x!tpu.dma_semaphore, #tpu.memory_space<semaphore_mem>> -> memref<!tpu.dma_semaphore, #tpu.memory_space<semaphore_mem>>
      tpu.wait_indirect_dma semaphore(%dma_wait3A_281 : memref<!tpu.dma_semaphore, #tpu.memory_space<semaphore_mem>>) src(%dma_wait3A_279 : memref<500x256xf32, #tpu.memory_space<hbm>>) dst(%dma_wait3A_274 : memref<48x256xf32, #tpu.memory_space<vmem>>)
      %scan3A_282 = arith.constant 1 : i32
      %scan3A_283 = arith.constant 1 : i32
      %scan3A_284 = arith.constant 1 : i32
      %scan3A_285 = arith.constant 0 : i32
      %scan3A_286 = arith.constant 3 : i32
      %scan3A_287 = arith.addi %scan3A_285, %scan3A_286 : i32
      %scan3A_288 = arith.constant 1 : i32
      scf.for %scan3A_290 = %scan3A_285 to %scan3A_287 step %scan3A_288  : i32 {
        %broadcast_in_dim3A = arith.constant 0.000000e+00 : f32
        %broadcast_in_dim3A_291 = vector.broadcast %broadcast_in_dim3A : f32 to vector<16xf32>
        %scan3A_292 = arith.constant 0 : i32
        %scan3A_293 = arith.constant 16 : i32
        %scan3A_294 = arith.addi %scan3A_292, %scan3A_293 : i32
        %scan3A_295 = arith.constant 1 : i32
        %scan3A_296 = scf.for %scan3A_304 = %scan3A_292 to %scan3A_294 step %scan3A_295 iter_args(%scan3A_305 = %broadcast_in_dim3A_291) -> (vector<16xf32>)  : i32 {
          %mul3A_306 = arith.constant 16 : i32
          %mul3A_307 = arith.muli %scan3A_290, %mul3A_306 : i32
          %add3A_308 = arith.addi %mul3A_307, %scan3A_304 : i32
          %broadcast_in_dim3A_309 = arith.constant 0.000000e+00 : f32
          %broadcast_in_dim3A_310 = vector.broadcast %broadcast_in_dim3A_309 : f32 to vector<16xf32>
          %get3A = arith.constant 0 : i32
          %get3A_311 = arith.constant 0 : i32
          %get3A_312 = tpu.memref_slice %arg11[%scan3A_282, %get3A, %get3A_311] : memref<2x48x256xf32, #tpu.memory_space<vmem>> -> memref<1x48x256xf32, #tpu.memory_space<vmem>>
          %get3A_313 = tpu.memref_squeeze %get3A_312 : memref<1x48x256xf32, #tpu.memory_space<vmem>> -> memref<48x256xf32, #tpu.memory_space<vmem>>
          %get3A_314 = arith.index_cast %add3A_308 : i32 to index
          %get3A_315 = arith.constant 0 : index
          %get3A_316 = tpu.vector_load %get3A_313[%get3A_314, %get3A_315] {strides = array<i32>} : memref<48x256xf32, #tpu.memory_space<vmem>>, vector<1x16xf32>,
          %get3A_317 = vector.shape_cast %get3A_316 : vector<1x16xf32> to vector<16xf32>
          %get3A_318 = arith.constant 0 : i32
          %get3A_319 = arith.constant 0 : i32
          %get3A_320 = tpu.memref_slice %arg13[%scan3A_283, %get3A_318, %get3A_319] : memref<2x48x256xf32, #tpu.memory_space<vmem>> -> memref<1x48x256xf32, #tpu.memory_space<vmem>>
          %get3A_321 = tpu.memref_squeeze %get3A_320 : memref<1x48x256xf32, #tpu.memory_space<vmem>> -> memref<48x256xf32, #tpu.memory_space<vmem>>
          %get3A_322 = arith.index_cast %add3A_308 : i32 to index
          %get3A_323 = arith.constant 0 : index
          %get3A_324 = tpu.vector_load %get3A_321[%get3A_322, %get3A_323] {strides = array<i32>} : memref<48x256xf32, #tpu.memory_space<vmem>>, vector<1x16xf32>,
          %get3A_325 = vector.shape_cast %get3A_324 : vector<1x16xf32> to vector<16xf32>
          %mul3A_326 = arith.mulf %get3A_317, %get3A_325 : vector<16xf32>
          %get3A_327 = arith.constant 0 : i32
          %get3A_328 = arith.constant 0 : i32
          %get3A_329 = tpu.memref_slice %arg12[%scan3A_284, %get3A_327, %get3A_328] : memref<2x48x256xf32, #tpu.memory_space<vmem>> -> memref<1x48x256xf32, #tpu.memory_space<vmem>>
          %get3A_330 = tpu.memref_squeeze %get3A_329 : memref<1x48x256xf32, #tpu.memory_space<vmem>> -> memref<48x256xf32, #tpu.memory_space<vmem>>
          %get3A_331 = arith.index_cast %add3A_308 : i32 to index
          %get3A_332 = arith.constant 0 : index
          %get3A_333 = tpu.vector_load %get3A_330[%get3A_331, %get3A_332] {strides = array<i32>} : memref<48x256xf32, #tpu.memory_space<vmem>>, vector<1x16xf32>,
          %get3A_334 = vector.shape_cast %get3A_333 : vector<1x16xf32> to vector<16xf32>
          %mul3A_335 = arith.mulf %mul3A_326, %get3A_334 : vector<16xf32>
          %add3A_336 = arith.addf %broadcast_in_dim3A_310, %mul3A_335 : vector<16xf32>
          %get3A_337 = arith.constant 0 : i32
          %get3A_338 = arith.constant 0 : i32
          %get3A_339 = tpu.memref_slice %arg11[%scan3A_282, %get3A_337, %get3A_338] : memref<2x48x256xf32, #tpu.memory_space<vmem>> -> memref<1x48x256xf32, #tpu.memory_space<vmem>>
          %get3A_340 = tpu.memref_squeeze %get3A_339 : memref<1x48x256xf32, #tpu.memory_space<vmem>> -> memref<48x256xf32, #tpu.memory_space<vmem>>
          %get3A_341 = arith.index_cast %add3A_308 : i32 to index
          %get3A_342 = arith.constant 16 : index
          %get3A_343 = tpu.vector_load %get3A_340[%get3A_341, %get3A_342] {strides = array<i32>} : memref<48x256xf32, #tpu.memory_space<vmem>>, vector<1x16xf32>,
          %get3A_344 = vector.shape_cast %get3A_343 : vector<1x16xf32> to vector<16xf32>
          %get3A_345 = arith.constant 0 : i32
          %get3A_346 = arith.constant 0 : i32
          %get3A_347 = tpu.memref_slice %arg13[%scan3A_283, %get3A_345, %get3A_346] : memref<2x48x256xf32, #tpu.memory_space<vmem>> -> memref<1x48x256xf32, #tpu.memory_space<vmem>>
          %get3A_348 = tpu.memref_squeeze %get3A_347 : memref<1x48x256xf32, #tpu.memory_space<vmem>> -> memref<48x256xf32, #tpu.memory_space<vmem>>
          %get3A_349 = arith.index_cast %add3A_308 : i32 to index
          %get3A_350 = arith.constant 16 : index
          %get3A_351 = tpu.vector_load %get3A_348[%get3A_349, %get3A_350] {strides = array<i32>} : memref<48x256xf32, #tpu.memory_space<vmem>>, vector<1x16xf32>,
          %get3A_352 = vector.shape_cast %get3A_351 : vector<1x16xf32> to vector<16xf32>
          %mul3A_353 = arith.mulf %get3A_344, %get3A_352 : vector<16xf32>
          %get3A_354 = arith.constant 0 : i32
          %get3A_355 = arith.constant 0 : i32
          %get3A_356 = tpu.memref_slice %arg12[%scan3A_284, %get3A_354, %get3A_355] : memref<2x48x256xf32, #tpu.memory_space<vmem>> -> memref<1x48x256xf32, #tpu.memory_space<vmem>>
          %get3A_357 = tpu.memref_squeeze %get3A_356 : memref<1x48x256xf32, #tpu.memory_space<vmem>> -> memref<48x256xf32, #tpu.memory_space<vmem>>
          %get3A_358 = arith.index_cast %add3A_308 : i32 to index
          %get3A_359 = arith.constant 16 : index
          %get3A_360 = tpu.vector_load %get3A_357[%get3A_358, %get3A_359] {strides = array<i32>} : memref<48x256xf32, #tpu.memory_space<vmem>>, vector<1x16xf32>,
          %get3A_361 = vector.shape_cast %get3A_360 : vector<1x16xf32> to vector<16xf32>
          %mul3A_362 = arith.mulf %mul3A_353, %get3A_361 : vector<16xf32>
          %add3A_363 = arith.addf %add3A_336, %mul3A_362 : vector<16xf32>
          %get3A_364 = arith.constant 0 : i32
          %get3A_365 = arith.constant 0 : i32
          %get3A_366 = tpu.memref_slice %arg11[%scan3A_282, %get3A_364, %get3A_365] : memref<2x48x256xf32, #tpu.memory_space<vmem>> -> memref<1x48x256xf32, #tpu.memory_space<vmem>>
          %get3A_367 = tpu.memref_squeeze %get3A_366 : memref<1x48x256xf32, #tpu.memory_space<vmem>> -> memref<48x256xf32, #tpu.memory_space<vmem>>
          %get3A_368 = arith.index_cast %add3A_308 : i32 to index
          %get3A_369 = arith.constant 32 : index
          %get3A_370 = tpu.vector_load %get3A_367[%get3A_368, %get3A_369] {strides = array<i32>} : memref<48x256xf32, #tpu.memory_space<vmem>>, vector<1x16xf32>,
          %get3A_371 = vector.shape_cast %get3A_370 : vector<1x16xf32> to vector<16xf32>
          %get3A_372 = arith.constant 0 : i32
          %get3A_373 = arith.constant 0 : i32
          %get3A_374 = tpu.memref_slice %arg13[%scan3A_283, %get3A_372, %get3A_373] : memref<2x48x256xf32, #tpu.memory_space<vmem>> -> memref<1x48x256xf32, #tpu.memory_space<vmem>>
          %get3A_375 = tpu.memref_squeeze %get3A_374 : memref<1x48x256xf32, #tpu.memory_space<vmem>> -> memref<48x256xf32, #tpu.memory_space<vmem>>
          %get3A_376 = arith.index_cast %add3A_308 : i32 to index
          %get3A_377 = arith.constant 32 : index
          %get3A_378 = tpu.vector_load %get3A_375[%get3A_376, %get3A_377] {strides = array<i32>} : memref<48x256xf32, #tpu.memory_space<vmem>>, vector<1x16xf32>,
          %get3A_379 = vector.shape_cast %get3A_378 : vector<1x16xf32> to vector<16xf32>
          %mul3A_380 = arith.mulf %get3A_371, %get3A_379 : vector<16xf32>
          %get3A_381 = arith.constant 0 : i32
          %get3A_382 = arith.constant 0 : i32
          %get3A_383 = tpu.memref_slice %arg12[%scan3A_284, %get3A_381, %get3A_382] : memref<2x48x256xf32, #tpu.memory_space<vmem>> -> memref<1x48x256xf32, #tpu.memory_space<vmem>>
          %get3A_384 = tpu.memref_squeeze %get3A_383 : memref<1x48x256xf32, #tpu.memory_space<vmem>> -> memref<48x256xf32, #tpu.memory_space<vmem>>
          %get3A_385 = arith.index_cast %add3A_308 : i32 to index
          %get3A_386 = arith.constant 32 : index
          %get3A_387 = tpu.vector_load %get3A_384[%get3A_385, %get3A_386] {strides = array<i32>} : memref<48x256xf32, #tpu.memory_space<vmem>>, vector<1x16xf32>,
          %get3A_388 = vector.shape_cast %get3A_387 : vector<1x16xf32> to vector<16xf32>
          %mul3A_389 = arith.mulf %mul3A_380, %get3A_388 : vector<16xf32>
          %add3A_390 = arith.addf %add3A_363, %mul3A_389 : vector<16xf32>
          %get3A_391 = arith.constant 0 : i32
          %get3A_392 = arith.constant 0 : i32
          %get3A_393 = tpu.memref_slice %arg11[%scan3A_282, %get3A_391, %get3A_392] : memref<2x48x256xf32, #tpu.memory_space<vmem>> -> memref<1x48x256xf32, #tpu.memory_space<vmem>>
          %get3A_394 = tpu.memref_squeeze %get3A_393 : memref<1x48x256xf32, #tpu.memory_space<vmem>> -> memref<48x256xf32, #tpu.memory_space<vmem>>
          %get3A_395 = arith.index_cast %add3A_308 : i32 to index
          %get3A_396 = arith.constant 48 : index
          %get3A_397 = tpu.vector_load %get3A_394[%get3A_395, %get3A_396] {strides = array<i32>} : memref<48x256xf32, #tpu.memory_space<vmem>>, vector<1x16xf32>,
          %get3A_398 = vector.shape_cast %get3A_397 : vector<1x16xf32> to vector<16xf32>
          %get3A_399 = arith.constant 0 : i32
          %get3A_400 = arith.constant 0 : i32
          %get3A_401 = tpu.memref_slice %arg13[%scan3A_283, %get3A_399, %get3A_400] : memref<2x48x256xf32, #tpu.memory_space<vmem>> -> memref<1x48x256xf32, #tpu.memory_space<vmem>>
          %get3A_402 = tpu.memref_squeeze %get3A_401 : memref<1x48x256xf32, #tpu.memory_space<vmem>> -> memref<48x256xf32, #tpu.memory_space<vmem>>
          %get3A_403 = arith.index_cast %add3A_308 : i32 to index
          %get3A_404 = arith.constant 48 : index
          %get3A_405 = tpu.vector_load %get3A_402[%get3A_403, %get3A_404] {strides = array<i32>} : memref<48x256xf32, #tpu.memory_space<vmem>>, vector<1x16xf32>,
          %get3A_406 = vector.shape_cast %get3A_405 : vector<1x16xf32> to vector<16xf32>
          %mul3A_407 = arith.mulf %get3A_398, %get3A_406 : vector<16xf32>
          %get3A_408 = arith.constant 0 : i32
          %get3A_409 = arith.constant 0 : i32
          %get3A_410 = tpu.memref_slice %arg12[%scan3A_284, %get3A_408, %get3A_409] : memref<2x48x256xf32, #tpu.memory_space<vmem>> -> memref<1x48x256xf32, #tpu.memory_space<vmem>>
          %get3A_411 = tpu.memref_squeeze %get3A_410 : memref<1x48x256xf32, #tpu.memory_space<vmem>> -> memref<48x256xf32, #tpu.memory_space<vmem>>
          %get3A_412 = arith.index_cast %add3A_308 : i32 to index
          %get3A_413 = arith.constant 48 : index
          %get3A_414 = tpu.vector_load %get3A_411[%get3A_412, %get3A_413] {strides = array<i32>} : memref<48x256xf32, #tpu.memory_space<vmem>>, vector<1x16xf32>,
          %get3A_415 = vector.shape_cast %get3A_414 : vector<1x16xf32> to vector<16xf32>
          %mul3A_416 = arith.mulf %mul3A_407, %get3A_415 : vector<16xf32>
          %add3A_417 = arith.addf %add3A_390, %mul3A_416 : vector<16xf32>
          %get3A_418 = arith.constant 0 : i32
          %get3A_419 = arith.constant 0 : i32
          %get3A_420 = tpu.memref_slice %arg11[%scan3A_282, %get3A_418, %get3A_419] : memref<2x48x256xf32, #tpu.memory_space<vmem>> -> memref<1x48x256xf32, #tpu.memory_space<vmem>>
          %get3A_421 = tpu.memref_squeeze %get3A_420 : memref<1x48x256xf32, #tpu.memory_space<vmem>> -> memref<48x256xf32, #tpu.memory_space<vmem>>
          %get3A_422 = arith.index_cast %add3A_308 : i32 to index
          %get3A_423 = arith.constant 64 : index
          %get3A_424 = tpu.vector_load %get3A_421[%get3A_422, %get3A_423] {strides = array<i32>} : memref<48x256xf32, #tpu.memory_space<vmem>>, vector<1x16xf32>,
          %get3A_425 = vector.shape_cast %get3A_424 : vector<1x16xf32> to vector<16xf32>
          %get3A_426 = arith.constant 0 : i32
          %get3A_427 = arith.constant 0 : i32
          %get3A_428 = tpu.memref_slice %arg13[%scan3A_283, %get3A_426, %get3A_427] : memref<2x48x256xf32, #tpu.memory_space<vmem>> -> memref<1x48x256xf32, #tpu.memory_space<vmem>>
          %get3A_429 = tpu.memref_squeeze %get3A_428 : memref<1x48x256xf32, #tpu.memory_space<vmem>> -> memref<48x256xf32, #tpu.memory_space<vmem>>
          %get3A_430 = arith.index_cast %add3A_308 : i32 to index
          %get3A_431 = arith.constant 64 : index
          %get3A_432 = tpu.vector_load %get3A_429[%get3A_430, %get3A_431] {strides = array<i32>} : memref<48x256xf32, #tpu.memory_space<vmem>>, vector<1x16xf32>,
          %get3A_433 = vector.shape_cast %get3A_432 : vector<1x16xf32> to vector<16xf32>
          %mul3A_434 = arith.mulf %get3A_425, %get3A_433 : vector<16xf32>
          %get3A_435 = arith.constant 0 : i32
          %get3A_436 = arith.constant 0 : i32
          %get3A_437 = tpu.memref_slice %arg12[%scan3A_284, %get3A_435, %get3A_436] : memref<2x48x256xf32, #tpu.memory_space<vmem>> -> memref<1x48x256xf32, #tpu.memory_space<vmem>>
          %get3A_438 = tpu.memref_squeeze %get3A_437 : memref<1x48x256xf32, #tpu.memory_space<vmem>> -> memref<48x256xf32, #tpu.memory_space<vmem>>
          %get3A_439 = arith.index_cast %add3A_308 : i32 to index
          %get3A_440 = arith.constant 64 : index
          %get3A_441 = tpu.vector_load %get3A_438[%get3A_439, %get3A_440] {strides = array<i32>} : memref<48x256xf32, #tpu.memory_space<vmem>>, vector<1x16xf32>,
          %get3A_442 = vector.shape_cast %get3A_441 : vector<1x16xf32> to vector<16xf32>
          %mul3A_443 = arith.mulf %mul3A_434, %get3A_442 : vector<16xf32>
          %add3A_444 = arith.addf %add3A_417, %mul3A_443 : vector<16xf32>
          %get3A_445 = arith.constant 0 : i32
          %get3A_446 = arith.constant 0 : i32
          %get3A_447 = tpu.memref_slice %arg11[%scan3A_282, %get3A_445, %get3A_446] : memref<2x48x256xf32, #tpu.memory_space<vmem>> -> memref<1x48x256xf32, #tpu.memory_space<vmem>>
          %get3A_448 = tpu.memref_squeeze %get3A_447 : memref<1x48x256xf32, #tpu.memory_space<vmem>> -> memref<48x256xf32, #tpu.memory_space<vmem>>
          %get3A_449 = arith.index_cast %add3A_308 : i32 to index
          %get3A_450 = arith.constant 80 : index
          %get3A_451 = tpu.vector_load %get3A_448[%get3A_449, %get3A_450] {strides = array<i32>} : memref<48x256xf32, #tpu.memory_space<vmem>>, vector<1x16xf32>,
          %get3A_452 = vector.shape_cast %get3A_451 : vector<1x16xf32> to vector<16xf32>
          %get3A_453 = arith.constant 0 : i32
          %get3A_454 = arith.constant 0 : i32
          %get3A_455 = tpu.memref_slice %arg13[%scan3A_283, %get3A_453, %get3A_454] : memref<2x48x256xf32, #tpu.memory_space<vmem>> -> memref<1x48x256xf32, #tpu.memory_space<vmem>>
          %get3A_456 = tpu.memref_squeeze %get3A_455 : memref<1x48x256xf32, #tpu.memory_space<vmem>> -> memref<48x256xf32, #tpu.memory_space<vmem>>
          %get3A_457 = arith.index_cast %add3A_308 : i32 to index
          %get3A_458 = arith.constant 80 : index
          %get3A_459 = tpu.vector_load %get3A_456[%get3A_457, %get3A_458] {strides = array<i32>} : memref<48x256xf32, #tpu.memory_space<vmem>>, vector<1x16xf32>,
          %get3A_460 = vector.shape_cast %get3A_459 : vector<1x16xf32> to vector<16xf32>
          %mul3A_461 = arith.mulf %get3A_452, %get3A_460 : vector<16xf32>
          %get3A_462 = arith.constant 0 : i32
          %get3A_463 = arith.constant 0 : i32
          %get3A_464 = tpu.memref_slice %arg12[%scan3A_284, %get3A_462, %get3A_463] : memref<2x48x256xf32, #tpu.memory_space<vmem>> -> memref<1x48x256xf32, #tpu.memory_space<vmem>>
          %get3A_465 = tpu.memref_squeeze %get3A_464 : memref<1x48x256xf32, #tpu.memory_space<vmem>> -> memref<48x256xf32, #tpu.memory_space<vmem>>
          %get3A_466 = arith.index_cast %add3A_308 : i32 to index
          %get3A_467 = arith.constant 80 : index
          %get3A_468 = tpu.vector_load %get3A_465[%get3A_466, %get3A_467] {strides = array<i32>} : memref<48x256xf32, #tpu.memory_space<vmem>>, vector<1x16xf32>,
          %get3A_469 = vector.shape_cast %get3A_468 : vector<1x16xf32> to vector<16xf32>
          %mul3A_470 = arith.mulf %mul3A_461, %get3A_469 : vector<16xf32>
          %add3A_471 = arith.addf %add3A_444, %mul3A_470 : vector<16xf32>
          %get3A_472 = arith.constant 0 : i32
          %get3A_473 = arith.constant 0 : i32
          %get3A_474 = tpu.memref_slice %arg11[%scan3A_282, %get3A_472, %get3A_473] : memref<2x48x256xf32, #tpu.memory_space<vmem>> -> memref<1x48x256xf32, #tpu.memory_space<vmem>>
          %get3A_475 = tpu.memref_squeeze %get3A_474 : memref<1x48x256xf32, #tpu.memory_space<vmem>> -> memref<48x256xf32, #tpu.memory_space<vmem>>
          %get3A_476 = arith.index_cast %add3A_308 : i32 to index
          %get3A_477 = arith.constant 96 : index
          %get3A_478 = tpu.vector_load %get3A_475[%get3A_476, %get3A_477] {strides = array<i32>} : memref<48x256xf32, #tpu.memory_space<vmem>>, vector<1x16xf32>,
          %get3A_479 = vector.shape_cast %get3A_478 : vector<1x16xf32> to vector<16xf32>
          %get3A_480 = arith.constant 0 : i32
          %get3A_481 = arith.constant 0 : i32
          %get3A_482 = tpu.memref_slice %arg13[%scan3A_283, %get3A_480, %get3A_481] : memref<2x48x256xf32, #tpu.memory_space<vmem>> -> memref<1x48x256xf32, #tpu.memory_space<vmem>>
          %get3A_483 = tpu.memref_squeeze %get3A_482 : memref<1x48x256xf32, #tpu.memory_space<vmem>> -> memref<48x256xf32, #tpu.memory_space<vmem>>
          %get3A_484 = arith.index_cast %add3A_308 : i32 to index
          %get3A_485 = arith.constant 96 : index
          %get3A_486 = tpu.vector_load %get3A_483[%get3A_484, %get3A_485] {strides = array<i32>} : memref<48x256xf32, #tpu.memory_space<vmem>>, vector<1x16xf32>,
          %get3A_487 = vector.shape_cast %get3A_486 : vector<1x16xf32> to vector<16xf32>
          %mul3A_488 = arith.mulf %get3A_479, %get3A_487 : vector<16xf32>
          %get3A_489 = arith.constant 0 : i32
          %get3A_490 = arith.constant 0 : i32
          %get3A_491 = tpu.memref_slice %arg12[%scan3A_284, %get3A_489, %get3A_490] : memref<2x48x256xf32, #tpu.memory_space<vmem>> -> memref<1x48x256xf32, #tpu.memory_space<vmem>>
          %get3A_492 = tpu.memref_squeeze %get3A_491 : memref<1x48x256xf32, #tpu.memory_space<vmem>> -> memref<48x256xf32, #tpu.memory_space<vmem>>
          %get3A_493 = arith.index_cast %add3A_308 : i32 to index
          %get3A_494 = arith.constant 96 : index
          %get3A_495 = tpu.vector_load %get3A_492[%get3A_493, %get3A_494] {strides = array<i32>} : memref<48x256xf32, #tpu.memory_space<vmem>>, vector<1x16xf32>,
          %get3A_496 = vector.shape_cast %get3A_495 : vector<1x16xf32> to vector<16xf32>
          %mul3A_497 = arith.mulf %mul3A_488, %get3A_496 : vector<16xf32>
          %add3A_498 = arith.addf %add3A_471, %mul3A_497 : vector<16xf32>
          %get3A_499 = arith.constant 0 : i32
          %get3A_500 = arith.constant 0 : i32
          %get3A_501 = tpu.memref_slice %arg11[%scan3A_282, %get3A_499, %get3A_500] : memref<2x48x256xf32, #tpu.memory_space<vmem>> -> memref<1x48x256xf32, #tpu.memory_space<vmem>>
          %get3A_502 = tpu.memref_squeeze %get3A_501 : memref<1x48x256xf32, #tpu.memory_space<vmem>> -> memref<48x256xf32, #tpu.memory_space<vmem>>
          %get3A_503 = arith.index_cast %add3A_308 : i32 to index
          %get3A_504 = arith.constant 112 : index
          %get3A_505 = tpu.vector_load %get3A_502[%get3A_503, %get3A_504] {strides = array<i32>} : memref<48x256xf32, #tpu.memory_space<vmem>>, vector<1x16xf32>,
          %get3A_506 = vector.shape_cast %get3A_505 : vector<1x16xf32> to vector<16xf32>
          %get3A_507 = arith.constant 0 : i32
          %get3A_508 = arith.constant 0 : i32
          %get3A_509 = tpu.memref_slice %arg13[%scan3A_283, %get3A_507, %get3A_508] : memref<2x48x256xf32, #tpu.memory_space<vmem>> -> memref<1x48x256xf32, #tpu.memory_space<vmem>>
          %get3A_510 = tpu.memref_squeeze %get3A_509 : memref<1x48x256xf32, #tpu.memory_space<vmem>> -> memref<48x256xf32, #tpu.memory_space<vmem>>
          %get3A_511 = arith.index_cast %add3A_308 : i32 to index
          %get3A_512 = arith.constant 112 : index
          %get3A_513 = tpu.vector_load %get3A_510[%get3A_511, %get3A_512] {strides = array<i32>} : memref<48x256xf32, #tpu.memory_space<vmem>>, vector<1x16xf32>,
          %get3A_514 = vector.shape_cast %get3A_513 : vector<1x16xf32> to vector<16xf32>
          %mul3A_515 = arith.mulf %get3A_506, %get3A_514 : vector<16xf32>
          %get3A_516 = arith.constant 0 : i32
          %get3A_517 = arith.constant 0 : i32
          %get3A_518 = tpu.memref_slice %arg12[%scan3A_284, %get3A_516, %get3A_517] : memref<2x48x256xf32, #tpu.memory_space<vmem>> -> memref<1x48x256xf32, #tpu.memory_space<vmem>>
          %get3A_519 = tpu.memref_squeeze %get3A_518 : memref<1x48x256xf32, #tpu.memory_space<vmem>> -> memref<48x256xf32, #tpu.memory_space<vmem>>
          %get3A_520 = arith.index_cast %add3A_308 : i32 to index
          %get3A_521 = arith.constant 112 : index
          %get3A_522 = tpu.vector_load %get3A_519[%get3A_520, %get3A_521] {strides = array<i32>} : memref<48x256xf32, #tpu.memory_space<vmem>>, vector<1x16xf32>,
          %get3A_523 = vector.shape_cast %get3A_522 : vector<1x16xf32> to vector<16xf32>
          %mul3A_524 = arith.mulf %mul3A_515, %get3A_523 : vector<16xf32>
          %add3A_525 = arith.addf %add3A_498, %mul3A_524 : vector<16xf32>
          %get3A_526 = arith.constant 0 : i32
          %get3A_527 = arith.constant 0 : i32
          %get3A_528 = tpu.memref_slice %arg11[%scan3A_282, %get3A_526, %get3A_527] : memref<2x48x256xf32, #tpu.memory_space<vmem>> -> memref<1x48x256xf32, #tpu.memory_space<vmem>>
          %get3A_529 = tpu.memref_squeeze %get3A_528 : memref<1x48x256xf32, #tpu.memory_space<vmem>> -> memref<48x256xf32, #tpu.memory_space<vmem>>
          %get3A_530 = arith.index_cast %add3A_308 : i32 to index
          %get3A_531 = arith.constant 128 : index
          %get3A_532 = tpu.vector_load %get3A_529[%get3A_530, %get3A_531] {strides = array<i32>} : memref<48x256xf32, #tpu.memory_space<vmem>>, vector<1x16xf32>,
          %get3A_533 = vector.shape_cast %get3A_532 : vector<1x16xf32> to vector<16xf32>
          %get3A_534 = arith.constant 0 : i32
          %get3A_535 = arith.constant 0 : i32
          %get3A_536 = tpu.memref_slice %arg13[%scan3A_283, %get3A_534, %get3A_535] : memref<2x48x256xf32, #tpu.memory_space<vmem>> -> memref<1x48x256xf32, #tpu.memory_space<vmem>>
          %get3A_537 = tpu.memref_squeeze %get3A_536 : memref<1x48x256xf32, #tpu.memory_space<vmem>> -> memref<48x256xf32, #tpu.memory_space<vmem>>
          %get3A_538 = arith.index_cast %add3A_308 : i32 to index
          %get3A_539 = arith.constant 128 : index
          %get3A_540 = tpu.vector_load %get3A_537[%get3A_538, %get3A_539] {strides = array<i32>} : memref<48x256xf32, #tpu.memory_space<vmem>>, vector<1x16xf32>,
          %get3A_541 = vector.shape_cast %get3A_540 : vector<1x16xf32> to vector<16xf32>
          %mul3A_542 = arith.mulf %get3A_533, %get3A_541 : vector<16xf32>
          %get3A_543 = arith.constant 0 : i32
          %get3A_544 = arith.constant 0 : i32
          %get3A_545 = tpu.memref_slice %arg12[%scan3A_284, %get3A_543, %get3A_544] : memref<2x48x256xf32, #tpu.memory_space<vmem>> -> memref<1x48x256xf32, #tpu.memory_space<vmem>>
          %get3A_546 = tpu.memref_squeeze %get3A_545 : memref<1x48x256xf32, #tpu.memory_space<vmem>> -> memref<48x256xf32, #tpu.memory_space<vmem>>
          %get3A_547 = arith.index_cast %add3A_308 : i32 to index
          %get3A_548 = arith.constant 128 : index
          %get3A_549 = tpu.vector_load %get3A_546[%get3A_547, %get3A_548] {strides = array<i32>} : memref<48x256xf32, #tpu.memory_space<vmem>>, vector<1x16xf32>,
          %get3A_550 = vector.shape_cast %get3A_549 : vector<1x16xf32> to vector<16xf32>
          %mul3A_551 = arith.mulf %mul3A_542, %get3A_550 : vector<16xf32>
          %add3A_552 = arith.addf %add3A_525, %mul3A_551 : vector<16xf32>
          %get3A_553 = arith.constant 0 : i32
          %get3A_554 = arith.constant 0 : i32
          %get3A_555 = tpu.memref_slice %arg11[%scan3A_282, %get3A_553, %get3A_554] : memref<2x48x256xf32, #tpu.memory_space<vmem>> -> memref<1x48x256xf32, #tpu.memory_space<vmem>>
          %get3A_556 = tpu.memref_squeeze %get3A_555 : memref<1x48x256xf32, #tpu.memory_space<vmem>> -> memref<48x256xf32, #tpu.memory_space<vmem>>
          %get3A_557 = arith.index_cast %add3A_308 : i32 to index
          %get3A_558 = arith.constant 144 : index
          %get3A_559 = tpu.vector_load %get3A_556[%get3A_557, %get3A_558] {strides = array<i32>} : memref<48x256xf32, #tpu.memory_space<vmem>>, vector<1x16xf32>,
          %get3A_560 = vector.shape_cast %get3A_559 : vector<1x16xf32> to vector<16xf32>
          %get3A_561 = arith.constant 0 : i32
          %get3A_562 = arith.constant 0 : i32
          %get3A_563 = tpu.memref_slice %arg13[%scan3A_283, %get3A_561, %get3A_562] : memref<2x48x256xf32, #tpu.memory_space<vmem>> -> memref<1x48x256xf32, #tpu.memory_space<vmem>>
          %get3A_564 = tpu.memref_squeeze %get3A_563 : memref<1x48x256xf32, #tpu.memory_space<vmem>> -> memref<48x256xf32, #tpu.memory_space<vmem>>
          %get3A_565 = arith.index_cast %add3A_308 : i32 to index
          %get3A_566 = arith.constant 144 : index
          %get3A_567 = tpu.vector_load %get3A_564[%get3A_565, %get3A_566] {strides = array<i32>} : memref<48x256xf32, #tpu.memory_space<vmem>>, vector<1x16xf32>,
          %get3A_568 = vector.shape_cast %get3A_567 : vector<1x16xf32> to vector<16xf32>
          %mul3A_569 = arith.mulf %get3A_560, %get3A_568 : vector<16xf32>
          %get3A_570 = arith.constant 0 : i32
          %get3A_571 = arith.constant 0 : i32
          %get3A_572 = tpu.memref_slice %arg12[%scan3A_284, %get3A_570, %get3A_571] : memref<2x48x256xf32, #tpu.memory_space<vmem>> -> memref<1x48x256xf32, #tpu.memory_space<vmem>>
          %get3A_573 = tpu.memref_squeeze %get3A_572 : memref<1x48x256xf32, #tpu.memory_space<vmem>> -> memref<48x256xf32, #tpu.memory_space<vmem>>
          %get3A_574 = arith.index_cast %add3A_308 : i32 to index
          %get3A_575 = arith.constant 144 : index
          %get3A_576 = tpu.vector_load %get3A_573[%get3A_574, %get3A_575] {strides = array<i32>} : memref<48x256xf32, #tpu.memory_space<vmem>>, vector<1x16xf32>,
          %get3A_577 = vector.shape_cast %get3A_576 : vector<1x16xf32> to vector<16xf32>
          %mul3A_578 = arith.mulf %mul3A_569, %get3A_577 : vector<16xf32>
          %add3A_579 = arith.addf %add3A_552, %mul3A_578 : vector<16xf32>
          %get3A_580 = arith.constant 0 : i32
          %get3A_581 = arith.constant 0 : i32
          %get3A_582 = tpu.memref_slice %arg11[%scan3A_282, %get3A_580, %get3A_581] : memref<2x48x256xf32, #tpu.memory_space<vmem>> -> memref<1x48x256xf32, #tpu.memory_space<vmem>>
          %get3A_583 = tpu.memref_squeeze %get3A_582 : memref<1x48x256xf32, #tpu.memory_space<vmem>> -> memref<48x256xf32, #tpu.memory_space<vmem>>
          %get3A_584 = arith.index_cast %add3A_308 : i32 to index
          %get3A_585 = arith.constant 160 : index
          %get3A_586 = tpu.vector_load %get3A_583[%get3A_584, %get3A_585] {strides = array<i32>} : memref<48x256xf32, #tpu.memory_space<vmem>>, vector<1x16xf32>,
          %get3A_587 = vector.shape_cast %get3A_586 : vector<1x16xf32> to vector<16xf32>
          %get3A_588 = arith.constant 0 : i32
          %get3A_589 = arith.constant 0 : i32
          %get3A_590 = tpu.memref_slice %arg13[%scan3A_283, %get3A_588, %get3A_589] : memref<2x48x256xf32, #tpu.memory_space<vmem>> -> memref<1x48x256xf32, #tpu.memory_space<vmem>>
          %get3A_591 = tpu.memref_squeeze %get3A_590 : memref<1x48x256xf32, #tpu.memory_space<vmem>> -> memref<48x256xf32, #tpu.memory_space<vmem>>
          %get3A_592 = arith.index_cast %add3A_308 : i32 to index
          %get3A_593 = arith.constant 160 : index
          %get3A_594 = tpu.vector_load %get3A_591[%get3A_592, %get3A_593] {strides = array<i32>} : memref<48x256xf32, #tpu.memory_space<vmem>>, vector<1x16xf32>,
          %get3A_595 = vector.shape_cast %get3A_594 : vector<1x16xf32> to vector<16xf32>
          %mul3A_596 = arith.mulf %get3A_587, %get3A_595 : vector<16xf32>
          %get3A_597 = arith.constant 0 : i32
          %get3A_598 = arith.constant 0 : i32
          %get3A_599 = tpu.memref_slice %arg12[%scan3A_284, %get3A_597, %get3A_598] : memref<2x48x256xf32, #tpu.memory_space<vmem>> -> memref<1x48x256xf32, #tpu.memory_space<vmem>>
          %get3A_600 = tpu.memref_squeeze %get3A_599 : memref<1x48x256xf32, #tpu.memory_space<vmem>> -> memref<48x256xf32, #tpu.memory_space<vmem>>
          %get3A_601 = arith.index_cast %add3A_308 : i32 to index
          %get3A_602 = arith.constant 160 : index
          %get3A_603 = tpu.vector_load %get3A_600[%get3A_601, %get3A_602] {strides = array<i32>} : memref<48x256xf32, #tpu.memory_space<vmem>>, vector<1x16xf32>,
          %get3A_604 = vector.shape_cast %get3A_603 : vector<1x16xf32> to vector<16xf32>
          %mul3A_605 = arith.mulf %mul3A_596, %get3A_604 : vector<16xf32>
          %add3A_606 = arith.addf %add3A_579, %mul3A_605 : vector<16xf32>
          %get3A_607 = arith.constant 0 : i32
          %get3A_608 = arith.constant 0 : i32
          %get3A_609 = tpu.memref_slice %arg11[%scan3A_282, %get3A_607, %get3A_608] : memref<2x48x256xf32, #tpu.memory_space<vmem>> -> memref<1x48x256xf32, #tpu.memory_space<vmem>>
          %get3A_610 = tpu.memref_squeeze %get3A_609 : memref<1x48x256xf32, #tpu.memory_space<vmem>> -> memref<48x256xf32, #tpu.memory_space<vmem>>
          %get3A_611 = arith.index_cast %add3A_308 : i32 to index
          %get3A_612 = arith.constant 176 : index
          %get3A_613 = tpu.vector_load %get3A_610[%get3A_611, %get3A_612] {strides = array<i32>} : memref<48x256xf32, #tpu.memory_space<vmem>>, vector<1x16xf32>,
          %get3A_614 = vector.shape_cast %get3A_613 : vector<1x16xf32> to vector<16xf32>
          %get3A_615 = arith.constant 0 : i32
          %get3A_616 = arith.constant 0 : i32
          %get3A_617 = tpu.memref_slice %arg13[%scan3A_283, %get3A_615, %get3A_616] : memref<2x48x256xf32, #tpu.memory_space<vmem>> -> memref<1x48x256xf32, #tpu.memory_space<vmem>>
          %get3A_618 = tpu.memref_squeeze %get3A_617 : memref<1x48x256xf32, #tpu.memory_space<vmem>> -> memref<48x256xf32, #tpu.memory_space<vmem>>
          %get3A_619 = arith.index_cast %add3A_308 : i32 to index
          %get3A_620 = arith.constant 176 : index
          %get3A_621 = tpu.vector_load %get3A_618[%get3A_619, %get3A_620] {strides = array<i32>} : memref<48x256xf32, #tpu.memory_space<vmem>>, vector<1x16xf32>,
          %get3A_622 = vector.shape_cast %get3A_621 : vector<1x16xf32> to vector<16xf32>
          %mul3A_623 = arith.mulf %get3A_614, %get3A_622 : vector<16xf32>
          %get3A_624 = arith.constant 0 : i32
          %get3A_625 = arith.constant 0 : i32
          %get3A_626 = tpu.memref_slice %arg12[%scan3A_284, %get3A_624, %get3A_625] : memref<2x48x256xf32, #tpu.memory_space<vmem>> -> memref<1x48x256xf32, #tpu.memory_space<vmem>>
          %get3A_627 = tpu.memref_squeeze %get3A_626 : memref<1x48x256xf32, #tpu.memory_space<vmem>> -> memref<48x256xf32, #tpu.memory_space<vmem>>
          %get3A_628 = arith.index_cast %add3A_308 : i32 to index
          %get3A_629 = arith.constant 176 : index
          %get3A_630 = tpu.vector_load %get3A_627[%get3A_628, %get3A_629] {strides = array<i32>} : memref<48x256xf32, #tpu.memory_space<vmem>>, vector<1x16xf32>,
          %get3A_631 = vector.shape_cast %get3A_630 : vector<1x16xf32> to vector<16xf32>
          %mul3A_632 = arith.mulf %mul3A_623, %get3A_631 : vector<16xf32>
          %add3A_633 = arith.addf %add3A_606, %mul3A_632 : vector<16xf32>
          %get3A_634 = arith.constant 0 : i32
          %get3A_635 = arith.constant 0 : i32
          %get3A_636 = tpu.memref_slice %arg11[%scan3A_282, %get3A_634, %get3A_635] : memref<2x48x256xf32, #tpu.memory_space<vmem>> -> memref<1x48x256xf32, #tpu.memory_space<vmem>>
          %get3A_637 = tpu.memref_squeeze %get3A_636 : memref<1x48x256xf32, #tpu.memory_space<vmem>> -> memref<48x256xf32, #tpu.memory_space<vmem>>
          %get3A_638 = arith.index_cast %add3A_308 : i32 to index
          %get3A_639 = arith.constant 192 : index
          %get3A_640 = tpu.vector_load %get3A_637[%get3A_638, %get3A_639] {strides = array<i32>} : memref<48x256xf32, #tpu.memory_space<vmem>>, vector<1x16xf32>,
          %get3A_641 = vector.shape_cast %get3A_640 : vector<1x16xf32> to vector<16xf32>
          %get3A_642 = arith.constant 0 : i32
          %get3A_643 = arith.constant 0 : i32
          %get3A_644 = tpu.memref_slice %arg13[%scan3A_283, %get3A_642, %get3A_643] : memref<2x48x256xf32, #tpu.memory_space<vmem>> -> memref<1x48x256xf32, #tpu.memory_space<vmem>>
          %get3A_645 = tpu.memref_squeeze %get3A_644 : memref<1x48x256xf32, #tpu.memory_space<vmem>> -> memref<48x256xf32, #tpu.memory_space<vmem>>
          %get3A_646 = arith.index_cast %add3A_308 : i32 to index
          %get3A_647 = arith.constant 192 : index
          %get3A_648 = tpu.vector_load %get3A_645[%get3A_646, %get3A_647] {strides = array<i32>} : memref<48x256xf32, #tpu.memory_space<vmem>>, vector<1x16xf32>,
          %get3A_649 = vector.shape_cast %get3A_648 : vector<1x16xf32> to vector<16xf32>
          %mul3A_650 = arith.mulf %get3A_641, %get3A_649 : vector<16xf32>
          %get3A_651 = arith.constant 0 : i32
          %get3A_652 = arith.constant 0 : i32
          %get3A_653 = tpu.memref_slice %arg12[%scan3A_284, %get3A_651, %get3A_652] : memref<2x48x256xf32, #tpu.memory_space<vmem>> -> memref<1x48x256xf32, #tpu.memory_space<vmem>>
          %get3A_654 = tpu.memref_squeeze %get3A_653 : memref<1x48x256xf32, #tpu.memory_space<vmem>> -> memref<48x256xf32, #tpu.memory_space<vmem>>
          %get3A_655 = arith.index_cast %add3A_308 : i32 to index
          %get3A_656 = arith.constant 192 : index
          %get3A_657 = tpu.vector_load %get3A_654[%get3A_655, %get3A_656] {strides = array<i32>} : memref<48x256xf32, #tpu.memory_space<vmem>>, vector<1x16xf32>,
          %get3A_658 = vector.shape_cast %get3A_657 : vector<1x16xf32> to vector<16xf32>
          %mul3A_659 = arith.mulf %mul3A_650, %get3A_658 : vector<16xf32>
          %add3A_660 = arith.addf %add3A_633, %mul3A_659 : vector<16xf32>
          %get3A_661 = arith.constant 0 : i32
          %get3A_662 = arith.constant 0 : i32
          %get3A_663 = tpu.memref_slice %arg11[%scan3A_282, %get3A_661, %get3A_662] : memref<2x48x256xf32, #tpu.memory_space<vmem>> -> memref<1x48x256xf32, #tpu.memory_space<vmem>>
          %get3A_664 = tpu.memref_squeeze %get3A_663 : memref<1x48x256xf32, #tpu.memory_space<vmem>> -> memref<48x256xf32, #tpu.memory_space<vmem>>
          %get3A_665 = arith.index_cast %add3A_308 : i32 to index
          %get3A_666 = arith.constant 208 : index
          %get3A_667 = tpu.vector_load %get3A_664[%get3A_665, %get3A_666] {strides = array<i32>} : memref<48x256xf32, #tpu.memory_space<vmem>>, vector<1x16xf32>,
          %get3A_668 = vector.shape_cast %get3A_667 : vector<1x16xf32> to vector<16xf32>
          %get3A_669 = arith.constant 0 : i32
          %get3A_670 = arith.constant 0 : i32
          %get3A_671 = tpu.memref_slice %arg13[%scan3A_283, %get3A_669, %get3A_670] : memref<2x48x256xf32, #tpu.memory_space<vmem>> -> memref<1x48x256xf32, #tpu.memory_space<vmem>>
          %get3A_672 = tpu.memref_squeeze %get3A_671 : memref<1x48x256xf32, #tpu.memory_space<vmem>> -> memref<48x256xf32, #tpu.memory_space<vmem>>
          %get3A_673 = arith.index_cast %add3A_308 : i32 to index
          %get3A_674 = arith.constant 208 : index
          %get3A_675 = tpu.vector_load %get3A_672[%get3A_673, %get3A_674] {strides = array<i32>} : memref<48x256xf32, #tpu.memory_space<vmem>>, vector<1x16xf32>,
          %get3A_676 = vector.shape_cast %get3A_675 : vector<1x16xf32> to vector<16xf32>
          %mul3A_677 = arith.mulf %get3A_668, %get3A_676 : vector<16xf32>
          %get3A_678 = arith.constant 0 : i32
          %get3A_679 = arith.constant 0 : i32
          %get3A_680 = tpu.memref_slice %arg12[%scan3A_284, %get3A_678, %get3A_679] : memref<2x48x256xf32, #tpu.memory_space<vmem>> -> memref<1x48x256xf32, #tpu.memory_space<vmem>>
          %get3A_681 = tpu.memref_squeeze %get3A_680 : memref<1x48x256xf32, #tpu.memory_space<vmem>> -> memref<48x256xf32, #tpu.memory_space<vmem>>
          %get3A_682 = arith.index_cast %add3A_308 : i32 to index
          %get3A_683 = arith.constant 208 : index
          %get3A_684 = tpu.vector_load %get3A_681[%get3A_682, %get3A_683] {strides = array<i32>} : memref<48x256xf32, #tpu.memory_space<vmem>>, vector<1x16xf32>,
          %get3A_685 = vector.shape_cast %get3A_684 : vector<1x16xf32> to vector<16xf32>
          %mul3A_686 = arith.mulf %mul3A_677, %get3A_685 : vector<16xf32>
          %add3A_687 = arith.addf %add3A_660, %mul3A_686 : vector<16xf32>
          %get3A_688 = arith.constant 0 : i32
          %get3A_689 = arith.constant 0 : i32
          %get3A_690 = tpu.memref_slice %arg11[%scan3A_282, %get3A_688, %get3A_689] : memref<2x48x256xf32, #tpu.memory_space<vmem>> -> memref<1x48x256xf32, #tpu.memory_space<vmem>>
          %get3A_691 = tpu.memref_squeeze %get3A_690 : memref<1x48x256xf32, #tpu.memory_space<vmem>> -> memref<48x256xf32, #tpu.memory_space<vmem>>
          %get3A_692 = arith.index_cast %add3A_308 : i32 to index
          %get3A_693 = arith.constant 224 : index
          %get3A_694 = tpu.vector_load %get3A_691[%get3A_692, %get3A_693] {strides = array<i32>} : memref<48x256xf32, #tpu.memory_space<vmem>>, vector<1x16xf32>,
          %get3A_695 = vector.shape_cast %get3A_694 : vector<1x16xf32> to vector<16xf32>
          %get3A_696 = arith.constant 0 : i32
          %get3A_697 = arith.constant 0 : i32
          %get3A_698 = tpu.memref_slice %arg13[%scan3A_283, %get3A_696, %get3A_697] : memref<2x48x256xf32, #tpu.memory_space<vmem>> -> memref<1x48x256xf32, #tpu.memory_space<vmem>>
          %get3A_699 = tpu.memref_squeeze %get3A_698 : memref<1x48x256xf32, #tpu.memory_space<vmem>> -> memref<48x256xf32, #tpu.memory_space<vmem>>
          %get3A_700 = arith.index_cast %add3A_308 : i32 to index
          %get3A_701 = arith.constant 224 : index
          %get3A_702 = tpu.vector_load %get3A_699[%get3A_700, %get3A_701] {strides = array<i32>} : memref<48x256xf32, #tpu.memory_space<vmem>>, vector<1x16xf32>,
          %get3A_703 = vector.shape_cast %get3A_702 : vector<1x16xf32> to vector<16xf32>
          %mul3A_704 = arith.mulf %get3A_695, %get3A_703 : vector<16xf32>
          %get3A_705 = arith.constant 0 : i32
          %get3A_706 = arith.constant 0 : i32
          %get3A_707 = tpu.memref_slice %arg12[%scan3A_284, %get3A_705, %get3A_706] : memref<2x48x256xf32, #tpu.memory_space<vmem>> -> memref<1x48x256xf32, #tpu.memory_space<vmem>>
          %get3A_708 = tpu.memref_squeeze %get3A_707 : memref<1x48x256xf32, #tpu.memory_space<vmem>> -> memref<48x256xf32, #tpu.memory_space<vmem>>
          %get3A_709 = arith.index_cast %add3A_308 : i32 to index
          %get3A_710 = arith.constant 224 : index
          %get3A_711 = tpu.vector_load %get3A_708[%get3A_709, %get3A_710] {strides = array<i32>} : memref<48x256xf32, #tpu.memory_space<vmem>>, vector<1x16xf32>,
          %get3A_712 = vector.shape_cast %get3A_711 : vector<1x16xf32> to vector<16xf32>
          %mul3A_713 = arith.mulf %mul3A_704, %get3A_712 : vector<16xf32>
          %add3A_714 = arith.addf %add3A_687, %mul3A_713 : vector<16xf32>
          %get3A_715 = arith.constant 0 : i32
          %get3A_716 = arith.constant 0 : i32
          %get3A_717 = tpu.memref_slice %arg11[%scan3A_282, %get3A_715, %get3A_716] : memref<2x48x256xf32, #tpu.memory_space<vmem>> -> memref<1x48x256xf32, #tpu.memory_space<vmem>>
          %get3A_718 = tpu.memref_squeeze %get3A_717 : memref<1x48x256xf32, #tpu.memory_space<vmem>> -> memref<48x256xf32, #tpu.memory_space<vmem>>
          %get3A_719 = arith.index_cast %add3A_308 : i32 to index
          %get3A_720 = arith.constant 240 : index
          %get3A_721 = tpu.vector_load %get3A_718[%get3A_719, %get3A_720] {strides = array<i32>} : memref<48x256xf32, #tpu.memory_space<vmem>>, vector<1x16xf32>,
          %get3A_722 = vector.shape_cast %get3A_721 : vector<1x16xf32> to vector<16xf32>
          %get3A_723 = arith.constant 0 : i32
          %get3A_724 = arith.constant 0 : i32
          %get3A_725 = tpu.memref_slice %arg13[%scan3A_283, %get3A_723, %get3A_724] : memref<2x48x256xf32, #tpu.memory_space<vmem>> -> memref<1x48x256xf32, #tpu.memory_space<vmem>>
          %get3A_726 = tpu.memref_squeeze %get3A_725 : memref<1x48x256xf32, #tpu.memory_space<vmem>> -> memref<48x256xf32, #tpu.memory_space<vmem>>
          %get3A_727 = arith.index_cast %add3A_308 : i32 to index
          %get3A_728 = arith.constant 240 : index
          %get3A_729 = tpu.vector_load %get3A_726[%get3A_727, %get3A_728] {strides = array<i32>} : memref<48x256xf32, #tpu.memory_space<vmem>>, vector<1x16xf32>,
          %get3A_730 = vector.shape_cast %get3A_729 : vector<1x16xf32> to vector<16xf32>
          %mul3A_731 = arith.mulf %get3A_722, %get3A_730 : vector<16xf32>
          %get3A_732 = arith.constant 0 : i32
          %get3A_733 = arith.constant 0 : i32
          %get3A_734 = tpu.memref_slice %arg12[%scan3A_284, %get3A_732, %get3A_733] : memref<2x48x256xf32, #tpu.memory_space<vmem>> -> memref<1x48x256xf32, #tpu.memory_space<vmem>>
          %get3A_735 = tpu.memref_squeeze %get3A_734 : memref<1x48x256xf32, #tpu.memory_space<vmem>> -> memref<48x256xf32, #tpu.memory_space<vmem>>
          %get3A_736 = arith.index_cast %add3A_308 : i32 to index
          %get3A_737 = arith.constant 240 : index
          %get3A_738 = tpu.vector_load %get3A_735[%get3A_736, %get3A_737] {strides = array<i32>} : memref<48x256xf32, #tpu.memory_space<vmem>>, vector<1x16xf32>,
          %get3A_739 = vector.shape_cast %get3A_738 : vector<1x16xf32> to vector<16xf32>
          %mul3A_740 = arith.mulf %mul3A_731, %get3A_739 : vector<16xf32>
          %add3A_741 = arith.addf %add3A_714, %mul3A_740 : vector<16xf32>
          %eq3A_742 = vector.broadcast %scan3A_304 : i32 to vector<16xi32>
          %eq3A_743 = arith.cmpi eq, %iota3A, %eq3A_742 : vector<16xi32>
          %xor3A = arith.constant 8 : i32
          %xor3A_744 = vector.broadcast %xor3A : i32 to vector<16xi32>
          %xor3A_745 = arith.xori %iota3A, %xor3A_744 : vector<16xi32>
          %broadcast_in_dim3A_746 = vector.shape_cast %xor3A_745 : vector<16xi32> to vector<16x1xi32>
          %gather3A = vector.shape_cast %broadcast_in_dim3A_746 : vector<16x1xi32> to vector<16xi32>
          %gather3A_747 = tpu.dynamic_gather %add3A_741[%gather3A] in [0] : vector<16xf32>, vector<16xi32> -> vector<16xf32>
          %add3A_748 = arith.addf %add3A_741, %gather3A_747 : vector<16xf32>
          %xor3A_749 = arith.constant 4 : i32
          %xor3A_750 = vector.broadcast %xor3A_749 : i32 to vector<16xi32>
          %xor3A_751 = arith.xori %iota3A, %xor3A_750 : vector<16xi32>
          %broadcast_in_dim3A_752 = vector.shape_cast %xor3A_751 : vector<16xi32> to vector<16x1xi32>
          %gather3A_753 = vector.shape_cast %broadcast_in_dim3A_752 : vector<16x1xi32> to vector<16xi32>
          %gather3A_754 = tpu.dynamic_gather %add3A_748[%gather3A_753] in [0] : vector<16xf32>, vector<16xi32> -> vector<16xf32>
          %add3A_755 = arith.addf %add3A_748, %gather3A_754 : vector<16xf32>
          %xor3A_756 = arith.constant 2 : i32
          %xor3A_757 = vector.broadcast %xor3A_756 : i32 to vector<16xi32>
          %xor3A_758 = arith.xori %iota3A, %xor3A_757 : vector<16xi32>
          %broadcast_in_dim3A_759 = vector.shape_cast %xor3A_758 : vector<16xi32> to vector<16x1xi32>
          %gather3A_760 = vector.shape_cast %broadcast_in_dim3A_759 : vector<16x1xi32> to vector<16xi32>
          %gather3A_761 = tpu.dynamic_gather %add3A_755[%gather3A_760] in [0] : vector<16xf32>, vector<16xi32> -> vector<16xf32>
          %add3A_762 = arith.addf %add3A_755, %gather3A_761 : vector<16xf32>
          %xor3A_763 = arith.constant 1 : i32
          %xor3A_764 = vector.broadcast %xor3A_763 : i32 to vector<16xi32>
          %xor3A_765 = arith.xori %iota3A, %xor3A_764 : vector<16xi32>
          %broadcast_in_dim3A_766 = vector.shape_cast %xor3A_765 : vector<16xi32> to vector<16x1xi32>
          %gather3A_767 = vector.shape_cast %broadcast_in_dim3A_766 : vector<16x1xi32> to vector<16xi32>
          %gather3A_768 = tpu.dynamic_gather %add3A_762[%gather3A_767] in [0] : vector<16xf32>, vector<16xi32> -> vector<16xf32>
          %add3A_769 = arith.addf %add3A_762, %gather3A_768 : vector<16xf32>
          %select_n3A_770 = arith.select %eq3A_743, %add3A_769, %scan3A_305 : vector<16xi1>, vector<16xf32>
          scf.yield %select_n3A_770 : vector<16xf32>
        }
        %scan3A_297 = arith.constant 16 : i32
        %mul3A_298 = arith.constant 16 : i32
        %mul3A_299 = arith.muli %scan3A_290, %mul3A_298 : i32
        %add3A_300 = arith.addi %mul3A_203, %mul3A_299 : i32
        %swap3A = arith.index_cast %add3A_300 : i32 to index
        %swap3A_301 = tpu.vector_load %arg14[%swap3A] {strides = array<i32>} : memref<5280xf32, #tpu.memory_space<vmem>>, vector<16xf32>,
        %swap3A_302 = vector.shape_cast %swap3A_301 : vector<16xf32> to vector<16xf32>
        %swap3A_303 = vector.shape_cast %scan3A_296 : vector<16xf32> to vector<16xf32>
        tpu.vector_store %arg14[%swap3A], %swap3A_303 {strides = array<i32>} : memref<5280xf32, #tpu.memory_space<vmem>>, vector<16xf32>,
      }
      %scan3A_289 = arith.constant 3 : i32
    }
    %dma_wait3A = arith.constant 0 : i32
    %dma_wait3A_63 = arith.constant 0 : i32
    %dma_wait3A_64 = arith.constant 0 : i32
    %dma_wait3A_65 = arith.constant 0 : i32
    %dma_wait3A_66 = tpu.memref_slice %arg11[%dma_wait3A, %dma_wait3A_64, %dma_wait3A_65] : memref<2x48x256xf32, #tpu.memory_space<vmem>> -> memref<1x48x256xf32, #tpu.memory_space<vmem>>
    %dma_wait3A_67 = tpu.memref_squeeze %dma_wait3A_66 : memref<1x48x256xf32, #tpu.memory_space<vmem>> -> memref<48x256xf32, #tpu.memory_space<vmem>>
    %dma_wait3A_68 = arith.constant 0 : i32
    %dma_wait3A_69 = tpu.memref_slice %arg8[%dma_wait3A_68] : memref<5280xi32, #tpu.memory_space<vmem>> -> memref<48xi32, #tpu.memory_space<vmem>>
    %dma_wait3A_70 = arith.constant 0 : i32
    %dma_wait3A_71 = arith.constant 0 : i32
    %dma_wait3A_72 = tpu.memref_slice %arg2[%dma_wait3A_70, %dma_wait3A_71] : memref<10000x256xf32, #tpu.memory_space<hbm>> -> memref<10000x256xf32, #tpu.memory_space<hbm>>
    %dma_wait3A_73 = tpu.memref_slice %arg15[%dma_wait3A_63] : memref<2x!tpu.dma_semaphore, #tpu.memory_space<semaphore_mem>> -> memref<1x!tpu.dma_semaphore, #tpu.memory_space<semaphore_mem>>
    %dma_wait3A_74 = tpu.memref_squeeze %dma_wait3A_73 : memref<1x!tpu.dma_semaphore, #tpu.memory_space<semaphore_mem>> -> memref<!tpu.dma_semaphore, #tpu.memory_space<semaphore_mem>>
    tpu.wait_indirect_dma semaphore(%dma_wait3A_74 : memref<!tpu.dma_semaphore, #tpu.memory_space<semaphore_mem>>) src(%dma_wait3A_72 : memref<10000x256xf32, #tpu.memory_space<hbm>>) dst(%dma_wait3A_67 : memref<48x256xf32, #tpu.memory_space<vmem>>)
    %dma_wait3A_75 = arith.constant 0 : i32
    %dma_wait3A_76 = arith.constant 0 : i32
    %dma_wait3A_77 = arith.constant 0 : i32
    %dma_wait3A_78 = arith.constant 0 : i32
    %dma_wait3A_79 = tpu.memref_slice %arg12[%dma_wait3A_75, %dma_wait3A_77, %dma_wait3A_78] : memref<2x48x256xf32, #tpu.memory_space<vmem>> -> memref<1x48x256xf32, #tpu.memory_space<vmem>>
    %dma_wait3A_80 = tpu.memref_squeeze %dma_wait3A_79 : memref<1x48x256xf32, #tpu.memory_space<vmem>> -> memref<48x256xf32, #tpu.memory_space<vmem>>
    %dma_wait3A_81 = arith.constant 0 : i32
    %dma_wait3A_82 = tpu.memref_slice %arg9[%dma_wait3A_81] : memref<5280xi32, #tpu.memory_space<vmem>> -> memref<48xi32, #tpu.memory_space<vmem>>
    %dma_wait3A_83 = arith.constant 0 : i32
    %dma_wait3A_84 = arith.constant 0 : i32
    %dma_wait3A_85 = tpu.memref_slice %arg2[%dma_wait3A_83, %dma_wait3A_84] : memref<10000x256xf32, #tpu.memory_space<hbm>> -> memref<10000x256xf32, #tpu.memory_space<hbm>>
    %dma_wait3A_86 = tpu.memref_slice %arg15[%dma_wait3A_76] : memref<2x!tpu.dma_semaphore, #tpu.memory_space<semaphore_mem>> -> memref<1x!tpu.dma_semaphore, #tpu.memory_space<semaphore_mem>>
    %dma_wait3A_87 = tpu.memref_squeeze %dma_wait3A_86 : memref<1x!tpu.dma_semaphore, #tpu.memory_space<semaphore_mem>> -> memref<!tpu.dma_semaphore, #tpu.memory_space<semaphore_mem>>
    tpu.wait_indirect_dma semaphore(%dma_wait3A_87 : memref<!tpu.dma_semaphore, #tpu.memory_space<semaphore_mem>>) src(%dma_wait3A_85 : memref<10000x256xf32, #tpu.memory_space<hbm>>) dst(%dma_wait3A_80 : memref<48x256xf32, #tpu.memory_space<vmem>>)
    %dma_wait3A_88 = arith.constant 0 : i32
    %dma_wait3A_89 = arith.constant 0 : i32
    %dma_wait3A_90 = arith.constant 0 : i32
    %dma_wait3A_91 = arith.constant 0 : i32
    %dma_wait3A_92 = tpu.memref_slice %arg13[%dma_wait3A_88, %dma_wait3A_90, %dma_wait3A_91] : memref<2x48x256xf32, #tpu.memory_space<vmem>> -> memref<1x48x256xf32, #tpu.memory_space<vmem>>
    %dma_wait3A_93 = tpu.memref_squeeze %dma_wait3A_92 : memref<1x48x256xf32, #tpu.memory_space<vmem>> -> memref<48x256xf32, #tpu.memory_space<vmem>>
    %dma_wait3A_94 = arith.constant 0 : i32
    %dma_wait3A_95 = tpu.memref_slice %arg10[%dma_wait3A_94] : memref<5280xi32, #tpu.memory_space<vmem>> -> memref<48xi32, #tpu.memory_space<vmem>>
    %dma_wait3A_96 = arith.constant 0 : i32
    %dma_wait3A_97 = arith.constant 0 : i32
    %dma_wait3A_98 = tpu.memref_slice %arg6[%dma_wait3A_96, %dma_wait3A_97] : memref<500x256xf32, #tpu.memory_space<hbm>> -> memref<500x256xf32, #tpu.memory_space<hbm>>
    %dma_wait3A_99 = tpu.memref_slice %arg15[%dma_wait3A_89] : memref<2x!tpu.dma_semaphore, #tpu.memory_space<semaphore_mem>> -> memref<1x!tpu.dma_semaphore, #tpu.memory_space<semaphore_mem>>
    %dma_wait3A_100 = tpu.memref_squeeze %dma_wait3A_99 : memref<1x!tpu.dma_semaphore, #tpu.memory_space<semaphore_mem>> -> memref<!tpu.dma_semaphore, #tpu.memory_space<semaphore_mem>>
    tpu.wait_indirect_dma semaphore(%dma_wait3A_100 : memref<!tpu.dma_semaphore, #tpu.memory_space<semaphore_mem>>) src(%dma_wait3A_98 : memref<500x256xf32, #tpu.memory_space<hbm>>) dst(%dma_wait3A_93 : memref<48x256xf32, #tpu.memory_space<vmem>>)
    %eq3A_101 = arith.constant 0 : i32
    %eq3A_102 = arith.cmpi eq, %arg0, %eq3A_101 : i32
    %convert_element_type3A = arith.extui %eq3A_102 : i1 to i32
    %cond3A = arith.constant 0 : i32
    %cond3A_103 = arith.cmpi ne, %convert_element_type3A, %cond3A : i32
    scf.if %cond3A_103 {
      "tpu.region"() ({
        %run_scoped3A = tpu.sem_alloc : memref<!tpu.dma_semaphore, #tpu.memory_space<semaphore_mem>>
        %dma_start3A_109 = arith.constant 0 : i32
        %dma_start3A_110 = tpu.memref_slice %arg14[%dma_start3A_109] : memref<5280xf32, #tpu.memory_space<vmem>> -> memref<4800xf32, #tpu.memory_space<vmem>>
        %dma_start3A_111 = tpu.memref_slice %arg7[%select_n3A] : memref<161280xf32, #tpu.memory_space<hbm>> -> memref<4800xf32, #tpu.memory_space<hbm>>
        %dma_start3A_112 = tpu.memref_slice %arg7[%select_n3A] : memref<161280xf32, #tpu.memory_space<hbm>> -> memref<4800xf32, #tpu.memory_space<hbm>>
        %dma_start3A_113 = arith.constant 0 : i32
        %dma_start3A_114 = tpu.memref_slice %arg14[%dma_start3A_113] : memref<5280xf32, #tpu.memory_space<vmem>> -> memref<4800xf32, #tpu.memory_space<vmem>>
        tpu.enqueue_dma source(%dma_start3A_114 : memref<4800xf32, #tpu.memory_space<vmem>>) target(%dma_start3A_112 : memref<4800xf32, #tpu.memory_space<hbm>>) target_semaphore(%run_scoped3A : memref<!tpu.dma_semaphore, #tpu.memory_space<semaphore_mem>>)
        %dma_wait3A_115 = arith.constant 0 : i32
        %dma_wait3A_116 = tpu.memref_slice %arg14[%dma_wait3A_115] : memref<5280xf32, #tpu.memory_space<vmem>> -> memref<4800xf32, #tpu.memory_space<vmem>>
        %dma_wait3A_117 = tpu.memref_slice %arg7[%select_n3A] : memref<161280xf32, #tpu.memory_space<hbm>> -> memref<4800xf32, #tpu.memory_space<hbm>>
        %dma_wait3A_118 = tpu.memref_slice %arg7[%select_n3A] : memref<161280xf32, #tpu.memory_space<hbm>> -> memref<4800xf32, #tpu.memory_space<hbm>>
        %dma_wait3A_119 = arith.constant 0 : i32
        %dma_wait3A_120 = tpu.memref_slice %arg14[%dma_wait3A_119] : memref<5280xf32, #tpu.memory_space<vmem>> -> memref<4800xf32, #tpu.memory_space<vmem>>
        tpu.wait_dma2 semaphore(%run_scoped3A : memref<!tpu.dma_semaphore, #tpu.memory_space<semaphore_mem>>) src(%dma_wait3A_120 : memref<4800xf32, #tpu.memory_space<vmem>>) dst(%dma_wait3A_118 : memref<4800xf32, #tpu.memory_space<hbm>>)
        tpu.yield
      }) : () -> ()
    } else {
    }
    %eq3A_104 = arith.constant 1 : i32
    %eq3A_105 = arith.cmpi eq, %arg0, %eq3A_104 : i32
    %convert_element_type3A_106 = arith.extui %eq3A_105 : i1 to i32
    %cond3A_107 = arith.constant 0 : i32
    %cond3A_108 = arith.cmpi ne, %convert_element_type3A_106, %cond3A_107 : i32
    scf.if %cond3A_108 {
      "tpu.region"() ({
        %run_scoped3A = tpu.sem_alloc : memref<!tpu.dma_semaphore, #tpu.memory_space<semaphore_mem>>
        %dma_start3A_109 = tpu.memref_slice %arg7[%select_n3A] : memref<161280xf32, #tpu.memory_space<hbm>> -> memref<5280xf32, #tpu.memory_space<hbm>>
        %dma_start3A_110 = tpu.memref_slice %arg7[%select_n3A] : memref<161280xf32, #tpu.memory_space<hbm>> -> memref<5280xf32, #tpu.memory_space<hbm>>
        tpu.enqueue_dma source(%arg14 : memref<5280xf32, #tpu.memory_space<vmem>>) target(%dma_start3A_110 : memref<5280xf32, #tpu.memory_space<hbm>>) target_semaphore(%run_scoped3A : memref<!tpu.dma_semaphore, #tpu.memory_space<semaphore_mem>>)
        %dma_wait3A_111 = tpu.memref_slice %arg7[%select_n3A] : memref<161280xf32, #tpu.memory_space<hbm>> -> memref<5280xf32, #tpu.memory_space<hbm>>
        %dma_wait3A_112 = tpu.memref_slice %arg7[%select_n3A] : memref<161280xf32, #tpu.memory_space<hbm>> -> memref<5280xf32, #tpu.memory_space<hbm>>
        tpu.wait_dma2 semaphore(%run_scoped3A : memref<!tpu.dma_semaphore, #tpu.memory_space<semaphore_mem>>) src(%arg14 : memref<5280xf32, #tpu.memory_space<vmem>>) dst(%dma_wait3A_112 : memref<5280xf32, #tpu.memory_space<hbm>>)
        tpu.yield
      }) : () -> ()
    } else {
    }
    return
  }
}

</mosaic_0001>

<sc_bundles>
// kernel: _distmult.3.cloned.1.call-start
scs
__scs_entry_jumppad:
0x0: {  	(pc) =	sbr.rel $0x88, $3  }
0x1: {  	(tag) =	ssettag $0x0;
	lr =	simm.s32 $0x1  }
0x2: {  	[smem:$0x3F9C] =	sst lr;
	_ =	strace $0xD0000000  }
0x3: {  	_ = 	snop  }
0x4: {  	_ = 	snop  }
0x5: {  	_ = 	snop  }
0x6: {  	_ = 	snop  }
0x7: {  	_ = 	snop  }
__scs_overlays_trampoline_lowered:
0x8: {  	[smem:$0x3FAB] =	sst s0  }
0x9: {  	[smem:$0x3FAC] =	sst s1  }
0xa: {  	[smem:$0x3FAD] =	sst s2  }
0xb: {  	[smem:$0x3FAE] =	sst s3  }
0xc: {  	[smem:$0x3FAF] =	sst s4  }
0xd: {  	[smem:$0x3FB0] =	sst s5  }
0xe: {  	[smem:$0x3FB1] =	sst s6  }
0xf: {  	[smem:$0x3FB2] =	sst s7  }
0x10: {  	[smem:$0x3FB3] =	sst s8  }
0x11: {  	[smem:$0x3FB4] =	sst s9;
	s0 =	simm.s32 @!p0 $0x0  }
0x12: {  	s1 =	sld [smem:$0x3F9A];
	s0 =	simm.s32 @p0 $0x1  }
0x13: {  	[smem:$0x3FB5] =	sst s0;
	s0 =	simm.s32 @!p1 $0x0  }
0x14: {  	s2 =	sld [smem:$0x3F99];
	s0 =	simm.s32 @p1 $0x1  }
0x15: {  	[smem:$0x3FB6] =	sst s0;
	s0 =	simm.s32 @!p2 $0x0  }
0x16: {  	s3 =	sld [smem:$0x3FDB];
	s0 =	simm.s32 @p2 $0x1  }
0x17: {  	s4 =	simm.s32 $0x1BF5;
	[smem:$0x3FB8] =	sst s0  }
0x18: {  	s0 =	sld [smem:$0x3F9B];
	_ =	swait.ge [sflag:s4], $0x0  }
0x19: {  	s7 =	sld [smem:$0x3F9C]  }
0x1a: {  	s8 =	sadd.s32 $0xFFFFE003, lr  }
0x1b: {  	s9 =	sadd.s32 $0xFFFFFEF7, lr;
	s5 =	simm.s32 $0xFFFFFFFF;
	p2 =	slt.u32 s8, $0xFFFFF086  }
0x1c: {  	p1 =	slt.u32 s9, $0xF7A;
	s5 =	simm.s32 @!p2 $0x0  }
0x1d: {  	s5 =	simm.s32 @p1 $0x1;
	p0 =	seq.s32 s7, s2  }
0x1e: {  	s7 =	smul.u32 @!p0 $0xF7A, s2;
	p2 =	seq.s32 @!p0 s5, $0x0  }
0x1f: {  	s9 =	smul.u32 $0xF7A, s1;
	s8 =	simm.s32 @!p0 $0x1BF5;
	p2 =	por !p2, p0  }
0x20: {  	[sflag:s8] =	ssyncset.s32 @!p0 $0xFFFFF086;
	s6 =	sadd.s32 @!p0 s3, s7;
	s7 =	simm.s32 @!p0 $0x108  }
0x21: {  	s3 =	sadd.s32 s3, s9;
	s6 =	sadd.s32 @!p0 $0x88, s6;
	s7 =	simm.s32 @p2 $0x1082  }
0x22: {  	[simem:s7], [sflag:s8] =	dma.local @!p0 [hbm:s6], $0xF7A  }
0x23: {  	s9 =	sor.u32 $0xD0000000, s2;
	s6 =	simm.s32 $0x108;
	_ =	swait.ge @!p0 [sflag:s8], $0x0  }
0x24: {  	s3 =	sadd.s32 $0x88, s3;
	s6 =	simm.s32 @!p1 $0x1082;
	[sflag:s4] =	ssyncset.s32 $0xFFFFF086  }
0x25: {  	[simem:s6], [sflag:s4] =	dma.local [hbm:s3], $0xF7A  }
0x26: {  	[smem:$0x3F9C] =	sst s1;
	(tag) =	ssettag s2;
	_ =	strace s9  }
0x27: {  	s1 =	sld [smem:$0x3FAC]  }
0x28: {  	s2 =	sld [smem:$0x3FAD]  }
0x29: {  	s4 =	sld [smem:$0x3FAF]  }
0x2a: {  	p0 =	seq.s32 s5, $0x0;
	s5 =	sld [smem:$0x3FB0]  }
0x2b: {  	s6 =	sld [smem:$0x3FB1]  }
0x2c: {  	s7 =	sld [smem:$0x3FB2]  }
0x2d: {  	s3 =	simm.s32 $0x108;
	s8 =	sld [smem:$0x3FB3]  }
0x2e: {  	s3 =	simm.s32 @!p0 $0x1082;
	s9 =	sld [smem:$0x3FB4]  }
0x2f: {  	lr =	sadd.s32 s0, s3;
	s0 =	sld [smem:$0x3FAB]  }
0x30: {  	s3 =	sld [smem:$0x3FAE]  }
0x31: {  	[smem:$0x3FB7] =	sst s10  }
0x32: {  	s10 =	sld [smem:$0x3FB5];
	_ =	sdelay $0x3  }
0x33: {  	p0 =	seq.s32 s10, $0x1;
	s10 =	sld [smem:$0x3FB7];
	_ =	sdelay $0x3  }
0x34: {  	[smem:$0x3FB7] =	sst s10  }
0x35: {  	s10 =	sld [smem:$0x3FB6];
	_ =	sdelay $0x3  }
0x36: {  	p1 =	seq.s32 s10, $0x1;
	s10 =	sld [smem:$0x3FB7];
	_ =	sdelay $0x3  }
0x37: {  	[smem:$0x3FB7] =	sst s10  }
0x38: {  	s10 =	sld [smem:$0x3FB8]  }
0x39: {  	_ = 	snop;
	(pc) =	sbr.ind lr, $3  }
0x3a: {  	_ = 	snop  }
0x3b: {  	_ = 	snop  }
0x3c: {  	p2 =	seq.s32 s10, $0x1;
	s10 =	sld [smem:$0x3FB7]  }
0x3d: {  	_ =	shalt  }
0x3e: {  	_ =	shalt  }
0x3f: {  	_ =	shalt  }
0x40: {  	_ =	shalt  }
0x41: {  	_ =	shalt  }
0x42: {  	_ =	shalt  }
0x43: {  	_ =	shalt  }
0x44: {  	_ =	shalt  }
0x45: {  	_ =	shalt  }
0x46: {  	_ =	shalt  }
0x47: {  	_ =	shalt  }
0x48: {  	_ =	shalt  }
0x49: {  	_ =	shalt  }
0x4a: {  	_ =	shalt  }
0x4b: {  	_ =	shalt  }
0x4c: {  	_ =	shalt  }
0x4d: {  	_ =	shalt  }
0x4e: {  	_ =	shalt  }
0x4f: {  	_ =	shalt  }
0x50: {  	_ =	shalt  }
0x51: {  	_ =	shalt  }
0x52: {  	_ =	shalt  }
0x53: {  	_ =	shalt  }
0x54: {  	_ =	shalt  }
0x55: {  	_ =	shalt  }
0x56: {  	_ =	shalt  }
0x57: {  	_ =	shalt  }
0x58: {  	_ =	shalt  }
0x59: {  	_ =	shalt  }
0x5a: {  	_ =	shalt  }
0x5b: {  	_ =	shalt  }
0x5c: {  	_ =	shalt  }
0x5d: {  	_ =	shalt  }
0x5e: {  	_ =	shalt  }
0x5f: {  	_ =	shalt  }
0x60: {  	_ =	shalt  }
0x61: {  	_ =	shalt  }
0x62: {  	_ =	shalt  }
0x63: {  	_ =	shalt  }
0x64: {  	_ =	shalt  }
0x65: {  	_ =	shalt  }
0x66: {  	_ =	shalt  }
0x67: {  	_ =	shalt  }
0x68: {  	_ =	shalt  }
0x69: {  	_ =	shalt  }
0x6a: {  	_ =	shalt  }
0x6b: {  	_ =	shalt  }
0x6c: {  	_ =	shalt  }
0x6d: {  	_ =	shalt  }
0x6e: {  	_ =	shalt  }
0x6f: {  	_ =	shalt  }
0x70: {  	_ =	shalt  }
0x71: {  	_ =	shalt  }
0x72: {  	_ =	shalt  }
0x73: {  	_ =	shalt  }
0x74: {  	_ =	shalt  }
0x75: {  	_ =	shalt  }
0x76: {  	_ =	shalt  }
0x77: {  	_ =	shalt  }
0x78: {  	_ =	shalt  }
0x79: {  	_ =	shalt  }
0x7a: {  	_ =	shalt  }
0x7b: {  	_ =	shalt  }
0x7c: {  	_ =	shalt  }
0x7d: {  	_ =	shalt  }
0x7e: {  	_ =	shalt  }
0x7f: {  	_ =	shalt  }
0x80: {  	_ =	shalt  }
0x81: {  	_ =	shalt  }
0x82: {  	_ =	shalt  }
0x83: {  	_ =	shalt  }
0x84: {  	_ =	shalt  }
0x85: {  	_ =	shalt  }
0x86: {  	_ =	shalt  }
0x87: {  	_ =	shalt  }
.Lfunc_end0:
.L_simem_size_0:
called_computation_lowered:
.L_overlay_start_0:
0x88: {  	s2 =	sld [smem:$0x3FD9]  }
0x89: {  	s3 =	sld [smem:$0x3FFE];
	_ =	sdelay $0x1  }
0x8a: {  	s1 =	srdreg.scid  }
0x8b: {  	s0 =	sand.u32 $0x1, s1  }
0x8c: {  	s17 =	sshll.u32 s0, $0xA;
	s2 =	sadd.s32 s3, s2  }
0x8d: {  	s2 =	sadd.s32 s2, s17  }
0x8e: {  	[smem:$0x3FC3] =	sst s2  }
0x8f: {  	_ = 	snop  }
0x90: {  	s2 =	sld [smem:$0x3FC8]  }
0x91: {  	s18 =	sld [smem:$0x3FC7]  }
0x92: {  	s4 =	sld [smem:$0x3FC6]  }
0x93: {  	s5 =	sld [smem:$0x3FD0];
	(tm) =	ssettm $0x1  }
0x94: {  	s6 =	sld [smem:$0x3FFB];
	_ =	sdelay $0x3  }
0x95: {  	_ =	strace s6  }
0x96: {  	s6 =	sld [smem:$0x3FFC];
	_ =	sdelay $0x3  }
0x97: {  	_ =	strace s6  }
0x98: {  	s6 =	sld [smem:$0x3FFD];
	_ =	sdelay $0x3  }
0x99: {  	_ =	strace s6  }
0x9a: {  	_ =	strace $0x8FFFFFFF  }
0x9b: {  	s19 =	sld [smem:$0x3FDB];
	_ =	sdelay $0x1  }
0x9c: {  	s7 =	simm.s32 $_scs_section_size  }
0x9d: {  	s8 =	simm.s32 $_size__tile_overlayer_lowered;
	s9 =	simm.s32 $_tile_overlayer_lowered  }
0x9e: {  	s22 =	simm.s32 $0x1BFF;
	s21 =	sshll.u32 s9, $0x1;
	s6 =	sadd.s32 s7, s19  }
0x9f: {  	s10 =	simm.s32 $0x0;
	s20 =	sshll.u32 s8, $0x1;
	s8 =	sadd.s32 s21, s6  }
0xa0: {  	[timem:s10], [sflag:s22] =	dma.local [hbm:s8], s20  }
0xa1: {  	_ =	swait.ge [sflag:s22], s20  }
0xa2: {  	s7 =	ssub.s32 $0x0, s20;
	[sflag:s22] =	ssyncset.done $0x0  }
0xa3: {  	[sflag:s22] =	ssyncadd.s32 s7;
	_ =	sdelay $0x1  }
0xa4: {  	s23 =	simm.s32 $0x1B8B  }
0xa5: {  	_ =	swait.ge [sflag:s23], $0x1  }
0xa6: {  	[sflag:s23] =	ssyncset.done $0x0  }
0xa7: {  	s25 =	simm.s32 $0x1B8E;
	s24 =	sld [smem:$0x3FFE];
	[sflag:s23] =	ssyncadd.s32 $0xFFFFFFFF  }
0xa8: {  	s26 =	simm.s32 $execute0_lowered;
	[smem:$0x3FD2] =	sst s25  }
0xa9: {  	s8 =	sshll.u32 s26, $0x1;
	_ =	strace $0x80000046;
	[dreg:$0x1] =	wrdreg $0xFFFFFFFF  }
0xaa: {  	s28 =	simm.s32 $_size_execute0_lowered;
	s6 =	sadd.s32 s6, s8;
	[dreg:$0x0] =	wrdreg $0x0  }
0xab: {  	s8 =	sshll.u32 s28, $0x1;
	[dreg:$0x2] =	wrdreg s6  }
0xac: {  	[dreg:$0x3] =	wrdreg s8  }
0xad: {  	[dreg:$0x4] =	wrdreg $0xC0  }
0xae: {  	_ =	task [dreg:s10], $0x5FFFF  }
0xaf: {  	[dreg:$0x1] =	wrdreg $0xFFFFFFFF  }
0xb0: {  	[dreg:$0x0] =	wrdreg $0x60  }
0xb1: {  	[dreg:$0x2] =	wrdreg s24  }
0xb2: {  	[dreg:$0x3] =	wrdreg s2  }
0xb3: {  	[dreg:$0x4] =	wrdreg s18  }
0xb4: {  	[dreg:$0x5] =	wrdreg s4  }
0xb5: {  	[dreg:$0x6] =	wrdreg s5  }
0xb6: {  	[dreg:$0x7] =	wrdreg $0x9  }
0xb7: {  	_ =	task.clear_ibuf [dreg:s10], $0x8FFFF;
	_ =	strace $0x90000046  }
0xb8: {  	s29 =	simm.s32 $0x9;
	_ =	strace $0x80000048  }
0xb9: {  	_ =	swait.ge [sflag:s29], $0x1  }
0xba: {  	[sflag:s29] =	ssyncadd.s32 $0xFFFFFFFF  }
0xbb: {  	_ =	strace $0x90000048  }
0xbc: {  	_ =	sfence  }
0xbd: {  	s30 =	sld [smem:$0x0];
	_ =	sdelay $0x2  }
0xbe: {  	s31 =	sshll.u32 s1, $0xD;
	s1 =	sshrl.u32 s1, $0x2  }
0xbf: {  	s3 =	sand.u32 $0x4000, s31;
	s1 =	sadd.s32 s1, s30  }
0xc0: {  	s0 =	sor.u32 s3, s0;
	s1 =	sshll.u32 s1, $0x11  }
0xc1: {  	s0 =	sor.u32 s1, s0  }
0xc2: {  	s0 =	sadd.s32 $0x8F2B, s0  }
0xc3: {  	[sflag:s0] =	ssyncadd.remote.s32 $0x1  }
0xc4: {  	_ =	sfence.sel $0xFFFF  }
0xc5: {  	[dreg:$0x0] =	wrdreg $0xFFFFFFFF;
	(pc) =	sbr.abs _section_cstart, $3  }
0xc6: {  	[dreg:$0x1] =	wrdreg $0xFFFFFFFF  }
0xc7: {  	_ =	task.clear_ibuf [dreg:s10], $0x2FFFF;
	_ =	strace $0x9FFFFFFF  }
0xc8: {  	(tm) =	ssettm $0x7FFFFFFF  }
0xc9: {  	_ =	shalt  }
tec
execute0_lowered:
.L_overlay_start_1:
0x0: {  	(tag) =	ssettag $0x1  }
0x1: {  	s0 =	rddreg [dreg:$0x0]  }
0x2: {  	s2 =	rddreg [dreg:$0x1]  }
0x3: {  	s7 =	rddreg [dreg:$0x2]  }
0x4: {  	s8 =	rddreg [dreg:$0x3]  }
0x5: {  	s10 =	rddreg [dreg:$0x4];
	s1 =	simm.s32 $0x0  }
0x6: {  	v0 =	vimm.s32 $0xFEDCBA98;
	s4 =	srdreg.scid;
	s6 =	stileid.u32;
	v1 =	vimm.s32 $0x76543210;
	s15 =	simm.s32 $0x30  }
0x7: {  	v2 =	vimm.s32 $0xBA98FEDC;
	s16 =	simm.s32 $0x3DE0;
	s17 =	simm.s32 $0x9DE0;
	s18 =	simm.s32 $0xFDE0  }
0x8: {  	v3 =	vimm.s32 $0x32107654;
	s19 =	simm.s32 $0x6DE0;
	s20 =	simm.s32 $0xCDE0;
	s21 =	simm.s32 $0x12DE0  }
0x9: {  	v4 =	vimm.s32 $0xDCFE98BA;
	v5 =	vimm.s32 $0x54761032;
	v6 =	vimm.s32 $0xEFCDAB89;
	s22 =	simm.s32 $0x1;
	s23 =	simm.s32 $0x2;
	s24 =	simm.s32 $0x0  }
0xa: {  	v7 =	vimm.s32 $0x67452301;
	[smem:$0x7FF] =	sst s1;
	s3 =	sadd.s32 $0x4400, s0;
	s5 =	smul.u32 $0x14A0, s6  }
0xb: {  	v0 =	vunpack.c.l.s4.s8 v0;
	s13 =	sand.u32 $0x1, s4;
	s4 =	sadd.s32 $0x400, s0;
	s9 =	smul.u32 $0x12C0, s6;
	v1 =	vunpack.c.l.s4.s8 v1;
	v2 =	vunpack.c.l.s4.s8 v2  }
0xc: {  	s6 =	simm.s32 $0x1290;
	v3 =	vunpack.c.l.s4.s8 v3;
	v4 =	vunpack.c.l.s4.s8 v4;
	v5 =	vunpack.c.l.s4.s8 v5;
	_ =	strace $0x80000047;
	s29 =	ssub.s32 $0x2, s13  }
0xd: {  	v6 =	vunpack.c.l.s4.s8 v6;
	v7 =	vunpack.c.l.s4.s8 v7;
	p0 =	seq.s32 s13, $0x0;
	v0 =	vunpack.c.0.s8.s32 v0;
	s11 =	sshrl.u32 s29, $0x1;
	s12 =	sadd.s32 $0x12C00, s5  }
0xe: {  	s5 =	simm.s32 $0x32;
	v1 =	vunpack.c.0.s8.s32 v1;
	s6 =	simm.s32 @!p0 $0x1470;
	v2 =	vunpack.c.0.s8.s32 v2;
	v3 =	vunpack.c.0.s8.s32 v3;
	s12 =	smov.u32 @p0 s9  }
0xf: {  	v4 =	vunpack.c.0.s8.s32 v4;
	v5 =	vunpack.c.0.s8.s32 v5;
	s0 =	ssub.s32 s29, s11;
	s5 =	simm.s32 @!p0 $0x37;
	v0 =	vand.u32 $0xF, v0;
	s30 =	sshrl.u32 s12, $0x3  }
0x10: {  	v6 =	vunpack.c.0.s8.s32 v6;
	v7 =	vunpack.c.0.s8.s32 v7;
	p0 =	sne.s32 s13, $0x0;
	s11 =	smax.u32 s0, $0x1;
	s2 =	sadd.s32 s2, s30;
	v0 =	vcombine.low v0, v1  }
0x11: {  	s12 =	simm.s32 $0x3;
	s31 =	sadd.s32 s7, s30;
	v1 =	vcombine.low v3, v2;
	v2 =	vcombine.low v5, v4;
	[dreg:$0x6] =	wrdreg s2  }
0x12: {  	s9 =	sadd.s32 s8, s30;
	s10 =	sadd.s32 s10, s30;
	v3 =	vlaneseq.u32;
	v4 =	vcombine.low v7, v6;
	[dreg:$0x7] =	wrdreg s31  }
.LBB2_1:
0x13: {  	s0 =	rddreg [dreg:$0x6]  }
0x14: {  	[tilespmem:s1], [sflag:$0x3] =	stream.linear.gather [hbm4b:s0+s1], $0x14A0, $0x38;
	[tilespmem:$0x17280] =	vst v63  }
0x15: {  	_ =	swait.ge [sflag:s12], $0x14A0  }
0x16: {  	[sflag:s12] =	ssyncset.done $0x0  }
0x17: {  	s2 =	simm.s32 $0x14A0;
	s30 =	rddreg [dreg:$0x7];
	[sflag:s12] =	ssyncadd.s32 $0xFFFFEB60  }
0x18: {  	[tilespmem:s2], [sflag:$0x3] =	stream.linear.gather [hbm4b:s30+s1], $0x14A0, $0x38;
	[tilespmem:$0x17280] =	vst v63  }
0x19: {  	_ =	swait.ge [sflag:s12], $0x14A0  }
0x1a: {  	[sflag:s12] =	ssyncset.done $0x0  }
0x1b: {  	s31 =	simm.s32 $0x2940;
	[sflag:s12] =	ssyncadd.s32 $0xFFFFEB60  }
0x1c: {  	[tilespmem:s31], [sflag:$0x3] =	stream.linear.gather [hbm4b:s9+s1], $0x14A0, $0x38;
	[tilespmem:$0x17280] =	vst v63  }
0x1d: {  	_ =	swait.ge [sflag:s12], $0x14A0  }
0x1e: {  	[sflag:s12] =	ssyncset.done $0x0  }
0x1f: {  	[sflag:s12] =	ssyncadd.s32 $0xFFFFEB60  }
0x20: {  	[tilespmem:s16], [sflag:$0x1] =	stream.indirect.gather [hbm4b:s3+s15], $0x100, s1, s15, $0xb8;
	[tilespmem:$0x17280] =	vst v63  }
0x21: {  	_ = 	snop  }
0x22: {  	[tilespmem:s17], [sflag:$0x1] =	stream.indirect.gather [hbm4b:s3+s15], $0x100, s2, s15, $0xb8;
	[tilespmem:$0x17280] =	vst v63  }
0x23: {  	s25 =	simm.s32 $0x0  }
0x24: {  	[tilespmem:s18], [sflag:$0x1] =	stream.indirect.gather [hbm4b:s4+s15], $0x100, s31, s15, $0xb8;
	[tilespmem:$0x17280] =	vst v63  }
.LBB2_2:
0x25: {  	s26 =	smul.u32 $0x60, s25;
	_ =	sdelay $0x1  }
0x26: {  	s0 =	sadd.s32 $0x30, s26  }
0x27: {  	s2 =	smov.u32 s6;
	p1 =	slt.s32 s0, s6  }
0x28: {  	s2 =	smov.u32 @p1 s0  }
0x29: {  	[tilespmem:s19], [sflag:$0x2] =	stream.indirect.gather [hbm4b:s3+s15], $0x100, s2, s15, $0xb8;
	[tilespmem:$0x17280] =	vst v63  }
0x2a: {  	s0 =	sadd.s32 $0x14A0, s2  }
0x2b: {  	[tilespmem:s20], [sflag:$0x2] =	stream.indirect.gather [hbm4b:s3+s15], $0x100, s0, s15, $0xb8;
	[tilespmem:$0x17280] =	vst v63  }
0x2c: {  	s13 =	sadd.s32 $0x2940, s2  }
0x2d: {  	[tilespmem:s21], [sflag:$0x2] =	stream.indirect.gather [hbm4b:s4+s15], $0x100, s13, s15, $0xb8;
	[tilespmem:$0x17280] =	vst v63  }
0x2e: {  	_ =	swait.ge [sflag:s22], $0x3000  }
0x2f: {  	[sflag:s22] =	ssyncset.done $0x0  }
0x30: {  	[sflag:s22] =	ssyncadd.s32 $0xFFFFD000  }
0x31: {  	_ =	swait.ge [sflag:s22], $0x3000  }
0x32: {  	[sflag:s22] =	ssyncset.done $0x0  }
0x33: {  	[sflag:s22] =	ssyncadd.s32 $0xFFFFD000  }
0x34: {  	s28 =	simm.s32 $0x0;
	_ =	swait.ge [sflag:s22], $0x3000  }
0x35: {  	s29 =	simm.s32 $0x3E60;
	s14 =	sadd.s32 $0x15DE0, s26;
	[sflag:s22] =	ssyncset.done $0x0  }
0x36: {  	s30 =	simm.s32 $0xFE60;
	s31 =	simm.s32 $0x9E60;
	v5 =	vmov s14;
	[sflag:s22] =	ssyncadd.s32 $0xFFFFD000  }
.LBB2_3:
0x37: {  	v8 =	vld [tilespmem:s31+$0x60]  }
0x38: {  	v9 =	vld [tilespmem:s31+$0x50]  }
0x39: {  	v6 =	vld [tilespmem:s31+$0x40]  }
0x3a: {  	v7 =	vld [tilespmem:s31+$0x30]  }
0x3b: {  	v10 =	vld [tilespmem:s31+$0x20]  }
0x3c: {  	v11 =	vld [tilespmem:s31+$0x10]  }
0x3d: {  	v12 =	vld [tilespmem:s31+$0x0]  }
0x3e: {  	v13 =	vld [tilespmem:s31+$0xFFFFFFF0]  }
0x3f: {  	v14 =	vld [tilespmem:s31+$0xFFFFFFE0]  }
0x40: {  	v15 =	vld [tilespmem:s31+$0xFFFFFFD0]  }
0x41: {  	v16 =	vld [tilespmem:s31+$0xFFFFFFC0]  }
0x42: {  	v17 =	vld [tilespmem:s31+$0xFFFFFFB0]  }
0x43: {  	v18 =	vld [tilespmem:s31+$0xFFFFFFA0]  }
0x44: {  	v19 =	vld [tilespmem:s29+$0xFFFFFFA0]  }
0x45: {  	v20 =	vld [tilespmem:s31+$0xFFFFFF80]  }
0x46: {  	v21 =	vld [tilespmem:s29+$0xFFFFFF80]  }
0x47: {  	v22 =	vld [tilespmem:s30+$0xFFFFFF80]  }
0x48: {  	v23 =	vld [tilespmem:s29+$0xFFFFFF90]  }
0x49: {  	v24 =	vld [tilespmem:s30+$0xFFFFFF90]  }
0x4a: {  	v25 =	vld [tilespmem:s30+$0xFFFFFFA0]  }
0x4b: {  	v26 =	vld [tilespmem:s31+$0xFFFFFF90]  }
0x4c: {  	v27 =	vld [tilespmem:s29+$0xFFFFFFB0];
	v21 =	vmul.f32 v22, v21  }
0x4d: {  	v22 =	vld [tilespmem:s30+$0xFFFFFFB0]  }
0x4e: {  	v28 =	vld [tilespmem:s29+$0xFFFFFFC0];
	v20 =	vmul.f32 v20, v21;
	v21 =	vmul.f32 v24, v23  }
0x4f: {  	v23 =	vld [tilespmem:s30+$0xFFFFFFC0]  }
0x50: {  	v19 =	vmul.f32 v25, v19;
	v25 =	vld [tilespmem:s30+$0xFFFFFFD0];
	v20 =	vadd.f32 $0.0e+00, v20;
	v21 =	vmul.f32 v26, v21  }
0x51: {  	v24 =	vld [tilespmem:s29+$0xFFFFFFD0]  }
0x52: {  	v18 =	vmul.f32 v18, v19;
	v26 =	vld [tilespmem:s29+$0xFFFFFFE0];
	v19 =	vmul.f32 v22, v27;
	v20 =	vadd.f32 v21, v20  }
0x53: {  	v21 =	vld [tilespmem:s30+$0xFFFFFFE0]  }
0x54: {  	v22 =	vld [tilespmem:s29+$0xFFFFFFF0];
	v17 =	vmul.f32 v17, v19;
	v19 =	vmul.f32 v23, v28;
	v18 =	vadd.f32 v18, v20  }
0x55: {  	v20 =	vld [tilespmem:s30+$0xFFFFFFF0]  }
0x56: {  	v23 =	vld [tilespmem:s29+$0x0];
	v16 =	vmul.f32 v16, v19;
	v17 =	vadd.f32 v17, v18;
	v18 =	vmul.f32 v25, v24  }
0x57: {  	v19 =	vld [tilespmem:s30+$0x0]  }
0x58: {  	v24 =	vld [tilespmem:s29+$0x10];
	v16 =	vadd.f32 v16, v17;
	v15 =	vmul.f32 v15, v18;
	v17 =	vmul.f32 v21, v26  }
0x59: {  	v18 =	vld [tilespmem:s30+$0x10]  }
0x5a: {  	v21 =	vld [tilespmem:s29+$0x20];
	v15 =	vadd.f32 v15, v16;
	v14 =	vmul.f32 v14, v17;
	v16 =	vmul.f32 v20, v22  }
0x5b: {  	v17 =	vld [tilespmem:s30+$0x20]  }
0x5c: {  	v20 =	vld [tilespmem:s29+$0x30];
	v14 =	vadd.f32 v14, v15;
	v13 =	vmul.f32 v13, v16;
	v15 =	vmul.f32 v19, v23  }
0x5d: {  	v16 =	vld [tilespmem:s30+$0x30]  }
0x5e: {  	v19 =	vld [tilespmem:s29+$0x40];
	v13 =	vadd.f32 v13, v14;
	v12 =	vmul.f32 v12, v15;
	v14 =	vmul.f32 v18, v24  }
0x5f: {  	v15 =	vld [tilespmem:s30+$0x40]  }
0x60: {  	v18 =	vld [tilespmem:s29+$0x50];
	v12 =	vadd.f32 v12, v13;
	v11 =	vmul.f32 v11, v14;
	v13 =	vmul.f32 v17, v21  }
0x61: {  	v14 =	vld [tilespmem:s30+$0x50]  }
0x62: {  	v17 =	vld [tilespmem:s29+$0x60];
	v11 =	vadd.f32 v11, v12;
	v10 =	vmul.f32 v10, v13;
	v12 =	vmul.f32 v16, v20  }
0x63: {  	v13 =	vld [tilespmem:s30+$0x60]  }
0x64: {  	v16 =	vld [tilespmem:s29+$0x70];
	v10 =	vadd.f32 v10, v11;
	v7 =	vmul.f32 v7, v12;
	v11 =	vmul.f32 v15, v19  }
0x65: {  	s0 =	sadd.s32 $0x100, s31;
	v12 =	vld [tilespmem:s30+$0x70]  }
0x66: {  	v22 =	vld [tilespmem:s0+$0xFFFFFF80];
	v14 =	vmul.f32 v14, v18;
	v10 =	vadd.f32 v7, v10;
	v11 =	vmul.f32 v6, v11  }
0x67: {  	s7 =	sadd.s32 $0x100, s29;
	v15 =	vld [tilespmem:s31+$0x70]  }
0x68: {  	v23 =	vld [tilespmem:s7+$0xFFFFFF80];
	v14 =	vmul.f32 v9, v14;
	v13 =	vmul.f32 v13, v17;
	v11 =	vadd.f32 v11, v10  }
0x69: {  	v21 =	vld [tilespmem:s7+$0xFFFFFFA0]  }
0x6a: {  	v20 =	vld [tilespmem:s0+$0xFFFFFFA0];
	v8 =	vmul.f32 v8, v13;
	v13 =	vmul.f32 v12, v16;
	v14 =	vadd.f32 v14, v11  }
0x6b: {  	v19 =	vld [tilespmem:s0+$0xFFFFFFB0]  }
0x6c: {  	v7 =	vld [tilespmem:s0+$0x60];
	v15 =	vmul.f32 v15, v13;
	v8 =	vadd.f32 v8, v14  }
0x6d: {  	v6 =	vld [tilespmem:s0+$0x50]  }
0x6e: {  	v9 =	vld [tilespmem:s0+$0x40];
	v8 =	vadd.f32 v15, v8  }
0x6f: {  	v17 =	vld [tilespmem:s0+$0xFFFFFFC0]  }
0x70: {  	v10 =	vld [tilespmem:s0+$0x30];
	v18 =	vperm.xlane v8, v0  }
0x71: {  	v12 =	vld [tilespmem:s0+$0x10]  }
0x72: {  	v16 =	vld [tilespmem:s0+$0xFFFFFFD0];
	v18 =	vadd.f32 v8, v18  }
0x73: {  	v11 =	vld [tilespmem:s0+$0x20]  }
0x74: {  	v13 =	vld [tilespmem:s0+$0x0];
	v24 =	vperm.xlane v18, v1  }
0x75: {  	v14 =	vld [tilespmem:s0+$0xFFFFFFF0]  }
0x76: {  	s14 =	sadd.s32 $0x100, s30;
	v15 =	vld [tilespmem:s0+$0xFFFFFFE0];
	v18 =	vadd.f32 v18, v24  }
0x77: {  	s2 =	simm.s32 $0x1;
	s8 =	simm.s32 $0x2;
	s13 =	simm.s32 $0x0;
	v8 =	vimm.f32 $0.0e+00;
	v24 =	vld [tilespmem:s14+$0xFFFFFF80]  }
.LBB2_4:
0x78: {  	p1 =	sne.s32 s8, $0xF;
	v25 =	vld [tilespmem:s7+$0xFFFFFF90];
	v26 =	vperm.xlane v18, v2  }
0x79: {  	v27 =	vld [tilespmem:s14+$0xFFFFFF90]  }
0x7a: {  	v28 =	vld [tilespmem:s14+$0xFFFFFFA0];
	v18 =	vadd.f32 v18, v26  }
0x7b: {  	v26 =	vld [tilespmem:s0+$0xFFFFFF90]  }
0x7c: {  	v23 =	vmul.f32 v24, v23;
	v24 =	vld [tilespmem:s7+$0xFFFFFFB0];
	v29 =	vperm.xlane v18, v4  }
0x7d: {  	v31 =	vmov s13;
	s13 =	smov.u32 s2;
	s2 =	smov.u32 s8;
	v30 =	vld [tilespmem:s14+$0xFFFFFFB0]  }
0x7e: {  	v22 =	vmul.f32 v22, v23;
	v23 =	vmul.f32 v27, v25;
	v25 =	vld [tilespmem:s7+$0xFFFFFFC0];
	v18 =	vadd.f32 v18, v29  }
0x7f: {  	vm0 =	veq.s32 v31, v3;
	v21 =	vmul.f32 v28, v21;
	v27 =	vld [tilespmem:s14+$0xFFFFFFC0]  }
0x80: {  	v22 =	vadd.f32 $0.0e+00, v22;
	v23 =	vmul.f32 v26, v23;
	v26 =	vld [tilespmem:s7+$0xFFFFFFD0];
	v8 =	vsel vm0, v18, v8  }
0x81: {  	v18 =	vld [tilespmem:s14+$0xFFFFFFD0]  }
0x82: {  	v20 =	vmul.f32 v20, v21;
	v22 =	vadd.f32 v23, v22;
	v21 =	vmul.f32 v30, v24;
	v23 =	vld [tilespmem:s7+$0xFFFFFFE0]  }
0x83: {  	v24 =	vld [tilespmem:s14+$0xFFFFFFE0]  }
0x84: {  	v20 =	vadd.f32 v20, v22;
	v19 =	vmul.f32 v19, v21;
	v21 =	vmul.f32 v27, v25;
	v22 =	vld [tilespmem:s7+$0xFFFFFFF0]  }
0x85: {  	v25 =	vld [tilespmem:s14+$0xFFFFFFF0]  }
0x86: {  	v19 =	vadd.f32 v19, v20;
	v17 =	vmul.f32 v17, v21;
	v18 =	vmul.f32 v18, v26;
	v20 =	vld [tilespmem:s7+$0x0]  }
0x87: {  	v21 =	vld [tilespmem:s14+$0x0]  }
0x88: {  	v17 =	vadd.f32 v17, v19;
	v16 =	vmul.f32 v16, v18;
	v18 =	vmul.f32 v24, v23;
	v19 =	vld [tilespmem:s7+$0x10]  }
0x89: {  	v23 =	vld [tilespmem:s14+$0x10]  }
0x8a: {  	v16 =	vadd.f32 v16, v17;
	v15 =	vmul.f32 v15, v18;
	v17 =	vmul.f32 v25, v22;
	v18 =	vld [tilespmem:s7+$0x20]  }
0x8b: {  	v22 =	vld [tilespmem:s14+$0x20]  }
0x8c: {  	v15 =	vadd.f32 v15, v16;
	v14 =	vmul.f32 v14, v17;
	v16 =	vmul.f32 v21, v20;
	v17 =	vld [tilespmem:s7+$0x30]  }
0x8d: {  	v20 =	vld [tilespmem:s14+$0x30]  }
0x8e: {  	v14 =	vadd.f32 v14, v15;
	v13 =	vmul.f32 v13, v16;
	v15 =	vmul.f32 v23, v19;
	v16 =	vld [tilespmem:s7+$0x40]  }
0x8f: {  	v19 =	vld [tilespmem:s14+$0x40]  }
0x90: {  	v13 =	vadd.f32 v13, v14;
	v12 =	vmul.f32 v12, v15;
	v14 =	vmul.f32 v22, v18;
	v15 =	vld [tilespmem:s7+$0x50]  }
0x91: {  	v18 =	vld [tilespmem:s14+$0x50]  }
0x92: {  	v12 =	vadd.f32 v12, v13;
	v11 =	vmul.f32 v11, v14;
	v13 =	vmul.f32 v20, v17;
	v14 =	vld [tilespmem:s7+$0x60]  }
0x93: {  	v17 =	vld [tilespmem:s14+$0x60]  }
0x94: {  	v11 =	vadd.f32 v11, v12;
	v10 =	vmul.f32 v10, v13;
	v12 =	vmul.f32 v19, v16;
	v13 =	vld [tilespmem:s7+$0x70]  }
0x95: {  	v16 =	vld [tilespmem:s14+$0x70]  }
0x96: {  	v10 =	vadd.f32 v10, v11;
	v9 =	vmul.f32 v9, v12;
	v11 =	vmul.f32 v18, v15;
	v15 =	vld [tilespmem:s0+$0x70];
	s0 =	sadd.s32 $0x100, s0  }
0x97: {  	v18 =	vld [tilespmem:s0+$0x60]  }
0x98: {  	v12 =	vadd.f32 v9, v10;
	v11 =	vmul.f32 v6, v11;
	v6 =	vld [tilespmem:s0+$0x50];
	v14 =	vmul.f32 v17, v14  }
0x99: {  	v9 =	vld [tilespmem:s0+$0x40]  }
0x9a: {  	v10 =	vld [tilespmem:s0+$0x30];
	v17 =	vadd.f32 v11, v12;
	v14 =	vmul.f32 v7, v14;
	v13 =	vmul.f32 v16, v13  }
0x9b: {  	v11 =	vld [tilespmem:s0+$0x20]  }
0x9c: {  	v12 =	vld [tilespmem:s0+$0x10];
	v16 =	vadd.f32 v14, v17;
	v15 =	vmul.f32 v15, v13;
	v7 =	vmov v18  }
0x9d: {  	v13 =	vld [tilespmem:s0+$0x0]  }
0x9e: {  	v14 =	vld [tilespmem:s0+$0xFFFFFFF0];
	v18 =	vadd.f32 v15, v16  }
0x9f: {  	v15 =	vld [tilespmem:s0+$0xFFFFFFE0]  }
0xa0: {  	v16 =	vld [tilespmem:s0+$0xFFFFFFD0];
	v20 =	vperm.xlane v18, v0  }
0xa1: {  	v17 =	vld [tilespmem:s0+$0xFFFFFFC0]  }
0xa2: {  	v19 =	vld [tilespmem:s0+$0xFFFFFFB0];
	v18 =	vadd.f32 v18, v20  }
.Ltmp0:
0xa3: {  	s7 =	sadd.s32 $0x100, s7;
	v20 =	vld [tilespmem:s0+$0xFFFFFFA0];
	(pc) =	sbr.rel @p1 .LBB2_4-.Ltmp0, $4  }
0xa4: {  	v21 =	vld [tilespmem:s7+$0xFFFFFFA0];
	v24 =	vperm.xlane v18, v1  }
0xa5: {  	v22 =	vld [tilespmem:s0+$0xFFFFFF80]  }
0xa6: {  	s14 =	sadd.s32 $0x100, s14;
	v23 =	vld [tilespmem:s7+$0xFFFFFF80];
	v18 =	vadd.f32 v18, v24  }
0xa7: {  	s8 =	sadd.s32 $0x1, s8;
	v24 =	vld [tilespmem:s14+$0xFFFFFF80]  }
0xa8: {  	v25 =	vld [tilespmem:s7+$0xFFFFFF90]  }
0xa9: {  	v26 =	vld [tilespmem:s14+$0xFFFFFF90]  }
0xaa: {  	v27 =	vld [tilespmem:s14+$0xFFFFFFA0]  }
0xab: {  	v28 =	vld [tilespmem:s0+$0xFFFFFF90]  }
0xac: {  	v54 =	vld [tilespmem:s7+$0xFFFFFFB0];
	v23 =	vmul.f32 v24, v23  }
0xad: {  	v29 =	vld [tilespmem:s14+$0xFFFFFFB0]  }
0xae: {  	v56 =	vld [tilespmem:s7+$0xFFFFFFC0];
	v55 =	vmul.f32 v26, v25;
	v22 =	vmul.f32 v22, v23  }
0xaf: {  	v57 =	vld [tilespmem:s14+$0xFFFFFFC0]  }
0xb0: {  	v58 =	vld [tilespmem:s7+$0xFFFFFFD0];
	v21 =	vmul.f32 v27, v21;
	v23 =	vmul.f32 v28, v55;
	v22 =	vadd.f32 $0.0e+00, v22  }
0xb1: {  	v59 =	vld [tilespmem:s14+$0xFFFFFFD0]  }
0xb2: {  	v61 =	vld [tilespmem:s7+$0xFFFFFFE0];
	v60 =	vmul.f32 v29, v54;
	v20 =	vmul.f32 v20, v21;
	v22 =	vadd.f32 v23, v22  }
0xb3: {  	v62 =	vld [tilespmem:s14+$0xFFFFFFE0]  }
0xb4: {  	v30 =	vld [tilespmem:s14+$0xFFFFFFF0];
	v63 =	vmul.f32 v57, v56;
	v19 =	vmul.f32 v19, v60;
	v20 =	vadd.f32 v20, v22  }
0xb5: {  	v29 =	vld [tilespmem:s7+$0xFFFFFFF0]  }
0xb6: {  	v32 =	vld [tilespmem:s7+$0x0];
	v31 =	vmul.f32 v59, v58;
	v17 =	vmul.f32 v17, v63;
	v19 =	vadd.f32 v19, v20  }
0xb7: {  	v33 =	vld [tilespmem:s14+$0x0]  }
0xb8: {  	v35 =	vld [tilespmem:s7+$0x10];
	v34 =	vmul.f32 v62, v61;
	v16 =	vmul.f32 v16, v31;
	v17 =	vadd.f32 v17, v19  }
0xb9: {  	v36 =	vld [tilespmem:s14+$0x10]  }
0xba: {  	v38 =	vld [tilespmem:s7+$0x20];
	v15 =	vmul.f32 v15, v34;
	v37 =	vmul.f32 v30, v29;
	v16 =	vadd.f32 v16, v17  }
0xbb: {  	v39 =	vld [tilespmem:s14+$0x20]  }
0xbc: {  	v41 =	vld [tilespmem:s7+$0x30];
	v40 =	vmul.f32 v33, v32;
	v14 =	vmul.f32 v14, v37;
	v15 =	vadd.f32 v15, v16  }
0xbd: {  	v42 =	vld [tilespmem:s14+$0x30]  }
0xbe: {  	v44 =	vld [tilespmem:s7+$0x40];
	v43 =	vmul.f32 v36, v35;
	v13 =	vmul.f32 v13, v40;
	v14 =	vadd.f32 v14, v15  }
0xbf: {  	v45 =	vld [tilespmem:s14+$0x40]  }
0xc0: {  	v47 =	vld [tilespmem:s7+$0x50];
	v46 =	vmul.f32 v39, v38;
	v12 =	vmul.f32 v12, v43;
	v13 =	vadd.f32 v13, v14  }
0xc1: {  	v48 =	vld [tilespmem:s14+$0x50]  }
0xc2: {  	v50 =	vld [tilespmem:s7+$0x60];
	v49 =	vmul.f32 v42, v41;
	v11 =	vmul.f32 v11, v46;
	v12 =	vadd.f32 v12, v13  }
0xc3: {  	v51 =	vld [tilespmem:s14+$0x60]  }
0xc4: {  	v53 =	vld [tilespmem:s7+$0x70];
	v52 =	vmul.f32 v45, v44;
	v10 =	vmul.f32 v10, v49;
	v11 =	vadd.f32 v11, v12  }
0xc5: {  	v54 =	vld [tilespmem:s14+$0x70]  }
0xc6: {  	v9 =	vmul.f32 v9, v52;
	v55 =	vmul.f32 v48, v47;
	v10 =	vadd.f32 v10, v11  }
0xc7: {  	v56 =	vld [tilespmem:s0+$0x70]  }
0xc8: {  	v57 =	vmul.f32 v51, v50;
	v6 =	vmul.f32 v6, v55;
	v9 =	vadd.f32 v9, v10;
	_ =	sdelay $0x1  }
0xc9: {  	v7 =	vmul.f32 v7, v57;
	v58 =	vmul.f32 v54, v53;
	v6 =	vadd.f32 v6, v9;
	_ =	sdelay $0x1  }
0xca: {  	v6 =	vadd.f32 v7, v6;
	v7 =	vmul.f32 v56, v58;
	_ =	sdelay $0x1  }
0xcb: {  	v6 =	vadd.f32 v7, v6;
	_ =	sdelay $0x1  }
0xcc: {  	v7 =	vperm.xlane v6, v0;
	_ =	sdelay $0x1  }
0xcd: {  	v6 =	vadd.f32 v6, v7;
	_ =	sdelay $0x1  }
0xce: {  	v7 =	vperm.xlane v6, v1;
	_ =	sdelay $0x1  }
0xcf: {  	v6 =	vadd.f32 v6, v7  }
0xd0: {  	v7 =	vperm.xlane v18, v2  }
0xd1: {  	v59 =	vperm.xlane v6, v2  }
0xd2: {  	v7 =	vadd.f32 v18, v7  }
0xd3: {  	v6 =	vadd.f32 v6, v59  }
0xd4: {  	s14 =	sshll.u32 s28, $0x4;
	s28 =	sadd.s32 $0x1, s28;
	v60 =	vperm.xlane v7, v4  }
0xd5: {  	p1 =	sne.s32 s28, $0x3;
	v61 =	vperm.xlane v6, v4  }
.Ltmp1:
0xd6: {  	v62 =	vmov s13;
	v7 =	vadd.f32 v7, v60;
	(pc) =	sbr.rel @p1 .LBB2_3-.Ltmp1, $4  }
0xd7: {  	vm0 =	veq.s32 v62, v3;
	v63 =	vmov s2;
	v6 =	vadd.f32 v6, v61  }
0xd8: {  	vm15 =	veq.s32 v63, v3;
	v7 =	vsel vm0, v7, v8  }
0xd9: {  	s0 =	sand.u32 $0x3FFFFFF0, s14;
	v6 =	vsel vm15, v6, v7  }
0xda: {  	s29 =	sadd.s32 $0x1000, s29;
	s30 =	sadd.s32 $0x1000, s30;
	s31 =	sadd.s32 $0x1000, s31;
	[tilespmem:v5+s0+$0x0 ss:$0x1] =	vst.idx.msk $0xffff, v6  }
0xdb: {  	s0 =	sadd.s32 $0x60, s26  }
0xdc: {  	s2 =	smov.u32 s6;
	p1 =	slt.s32 s0, s6  }
0xdd: {  	s2 =	smov.u32 @p1 s0  }
0xde: {  	[tilespmem:s16], [sflag:$0x1] =	stream.indirect.gather [hbm4b:s3+s15], $0x100, s2, s15, $0xb8;
	[tilespmem:$0x17280] =	vst v63  }
0xdf: {  	s0 =	sadd.s32 $0x14A0, s2  }
0xe0: {  	[tilespmem:s17], [sflag:$0x1] =	stream.indirect.gather [hbm4b:s3+s15], $0x100, s0, s15, $0xb8;
	[tilespmem:$0x17280] =	vst v63  }
0xe1: {  	s14 =	sadd.s32 $0x2940, s2  }
0xe2: {  	[tilespmem:s18], [sflag:$0x1] =	stream.indirect.gather [hbm4b:s4+s15], $0x100, s14, s15, $0xb8;
	[tilespmem:$0x17280] =	vst v63  }
0xe3: {  	_ =	swait.ge [sflag:s23], $0x3000  }
0xe4: {  	[sflag:s23] =	ssyncset.done $0x0  }
0xe5: {  	[sflag:s23] =	ssyncadd.s32 $0xFFFFD000  }
0xe6: {  	_ =	swait.ge [sflag:s23], $0x3000  }
0xe7: {  	[sflag:s23] =	ssyncset.done $0x0  }
0xe8: {  	[sflag:s23] =	ssyncadd.s32 $0xFFFFD000  }
0xe9: {  	s31 =	sadd.s32 $0x15E10, s26;
	_ =	swait.ge [sflag:s23], $0x3000  }
0xea: {  	s26 =	simm.s32 $0x0;
	s28 =	simm.s32 $0x6ED0;
	[sflag:s23] =	ssyncset.done $0x0  }
0xeb: {  	s29 =	simm.s32 $0x12ED0;
	s30 =	simm.s32 $0xCED0;
	v5 =	vmov s31;
	[sflag:s23] =	ssyncadd.s32 $0xFFFFD000  }
.LBB2_7:
0xec: {  	v8 =	vld [tilespmem:s30+$0xFFFFFFF0]  }
0xed: {  	v9 =	vld [tilespmem:s30+$0xFFFFFFE0]  }
0xee: {  	v6 =	vld [tilespmem:s30+$0xFFFFFFD0]  }
0xef: {  	v7 =	vld [tilespmem:s30+$0xFFFFFFC0]  }
0xf0: {  	v10 =	vld [tilespmem:s30+$0xFFFFFFB0]  }
0xf1: {  	v11 =	vld [tilespmem:s30+$0xFFFFFFA0]  }
0xf2: {  	v12 =	vld [tilespmem:s30+$0xFFFFFF90]  }
0xf3: {  	v13 =	vld [tilespmem:s30+$0xFFFFFF80]  }
0xf4: {  	v14 =	vld [tilespmem:s30+$0xFFFFFF70]  }
0xf5: {  	v15 =	vld [tilespmem:s30+$0xFFFFFF60]  }
0xf6: {  	v16 =	vld [tilespmem:s30+$0xFFFFFF50]  }
0xf7: {  	v17 =	vld [tilespmem:s30+$0xFFFFFF40]  }
0xf8: {  	v18 =	vld [tilespmem:s30+$0xFFFFFF30]  }
0xf9: {  	v19 =	vld [tilespmem:s28+$0xFFFFFF30]  }
0xfa: {  	v20 =	vld [tilespmem:s30+$0xFFFFFF10]  }
0xfb: {  	v21 =	vld [tilespmem:s28+$0xFFFFFF10]  }
0xfc: {  	v22 =	vld [tilespmem:s29+$0xFFFFFF10]  }
0xfd: {  	v23 =	vld [tilespmem:s28+$0xFFFFFF20]  }
0xfe: {  	v24 =	vld [tilespmem:s29+$0xFFFFFF20]  }
0xff: {  	v25 =	vld [tilespmem:s29+$0xFFFFFF30]  }
0x100: {  	v26 =	vld [tilespmem:s30+$0xFFFFFF20]  }
0x101: {  	v27 =	vld [tilespmem:s28+$0xFFFFFF40];
	v21 =	vmul.f32 v22, v21  }
0x102: {  	v22 =	vld [tilespmem:s29+$0xFFFFFF40]  }
0x103: {  	v28 =	vld [tilespmem:s28+$0xFFFFFF50];
	v20 =	vmul.f32 v20, v21;
	v21 =	vmul.f32 v24, v23  }
0x104: {  	v23 =	vld [tilespmem:s29+$0xFFFFFF50]  }
0x105: {  	v19 =	vmul.f32 v25, v19;
	v25 =	vld [tilespmem:s29+$0xFFFFFF60];
	v20 =	vadd.f32 $0.0e+00, v20;
	v21 =	vmul.f32 v26, v21  }
0x106: {  	v24 =	vld [tilespmem:s28+$0xFFFFFF60]  }
0x107: {  	v18 =	vmul.f32 v18, v19;
	v26 =	vld [tilespmem:s28+$0xFFFFFF70];
	v19 =	vmul.f32 v22, v27;
	v20 =	vadd.f32 v21, v20  }
0x108: {  	v21 =	vld [tilespmem:s29+$0xFFFFFF70]  }
0x109: {  	v22 =	vld [tilespmem:s28+$0xFFFFFF80];
	v17 =	vmul.f32 v17, v19;
	v19 =	vmul.f32 v23, v28;
	v18 =	vadd.f32 v18, v20  }
0x10a: {  	v20 =	vld [tilespmem:s29+$0xFFFFFF80]  }
0x10b: {  	v23 =	vld [tilespmem:s28+$0xFFFFFF90];
	v16 =	vmul.f32 v16, v19;
	v17 =	vadd.f32 v17, v18;
	v18 =	vmul.f32 v25, v24  }
0x10c: {  	v19 =	vld [tilespmem:s29+$0xFFFFFF90]  }
0x10d: {  	v24 =	vld [tilespmem:s28+$0xFFFFFFA0];
	v16 =	vadd.f32 v16, v17;
	v15 =	vmul.f32 v15, v18;
	v17 =	vmul.f32 v21, v26  }
0x10e: {  	v18 =	vld [tilespmem:s29+$0xFFFFFFA0]  }
0x10f: {  	v21 =	vld [tilespmem:s28+$0xFFFFFFB0];
	v15 =	vadd.f32 v15, v16;
	v14 =	vmul.f32 v14, v17;
	v16 =	vmul.f32 v20, v22  }
0x110: {  	v17 =	vld [tilespmem:s29+$0xFFFFFFB0]  }
0x111: {  	v20 =	vld [tilespmem:s28+$0xFFFFFFC0];
	v14 =	vadd.f32 v14, v15;
	v13 =	vmul.f32 v13, v16;
	v15 =	vmul.f32 v19, v23  }
0x112: {  	v16 =	vld [tilespmem:s29+$0xFFFFFFC0]  }
0x113: {  	v19 =	vld [tilespmem:s28+$0xFFFFFFD0];
	v13 =	vadd.f32 v13, v14;
	v12 =	vmul.f32 v12, v15;
	v14 =	vmul.f32 v18, v24  }
0x114: {  	v15 =	vld [tilespmem:s29+$0xFFFFFFD0]  }
0x115: {  	v18 =	vld [tilespmem:s28+$0xFFFFFFE0];
	v12 =	vadd.f32 v12, v13;
	v11 =	vmul.f32 v11, v14;
	v13 =	vmul.f32 v17, v21  }
0x116: {  	v14 =	vld [tilespmem:s29+$0xFFFFFFE0]  }
0x117: {  	v17 =	vld [tilespmem:s28+$0xFFFFFFF0];
	v11 =	vadd.f32 v11, v12;
	v10 =	vmul.f32 v10, v13;
	v12 =	vmul.f32 v16, v20  }
0x118: {  	v13 =	vld [tilespmem:s29+$0xFFFFFFF0]  }
0x119: {  	v16 =	vld [tilespmem:s28+$0x0];
	v10 =	vadd.f32 v10, v11;
	v7 =	vmul.f32 v7, v12;
	v11 =	vmul.f32 v15, v19  }
0x11a: {  	s0 =	sadd.s32 $0x100, s30;
	v12 =	vld [tilespmem:s29+$0x0]  }
0x11b: {  	v22 =	vld [tilespmem:s0+$0xFFFFFF10];
	v14 =	vmul.f32 v14, v18;
	v10 =	vadd.f32 v7, v10;
	v11 =	vmul.f32 v6, v11  }
0x11c: {  	s7 =	sadd.s32 $0x100, s28;
	v15 =	vld [tilespmem:s30+$0x0]  }
0x11d: {  	v23 =	vld [tilespmem:s7+$0xFFFFFF10];
	v14 =	vmul.f32 v9, v14;
	v13 =	vmul.f32 v13, v17;
	v11 =	vadd.f32 v11, v10  }
0x11e: {  	v21 =	vld [tilespmem:s7+$0xFFFFFF30]  }
0x11f: {  	v20 =	vld [tilespmem:s0+$0xFFFFFF30];
	v8 =	vmul.f32 v8, v13;
	v13 =	vmul.f32 v12, v16;
	v14 =	vadd.f32 v14, v11  }
0x120: {  	v19 =	vld [tilespmem:s0+$0xFFFFFF40]  }
0x121: {  	v7 =	vld [tilespmem:s0+$0xFFFFFFF0];
	v15 =	vmul.f32 v15, v13;
	v8 =	vadd.f32 v8, v14  }
0x122: {  	v6 =	vld [tilespmem:s0+$0xFFFFFFE0]  }
0x123: {  	v9 =	vld [tilespmem:s0+$0xFFFFFFD0];
	v8 =	vadd.f32 v15, v8  }
0x124: {  	v17 =	vld [tilespmem:s0+$0xFFFFFF50]  }
0x125: {  	v10 =	vld [tilespmem:s0+$0xFFFFFFC0];
	v18 =	vperm.xlane v8, v0  }
0x126: {  	v12 =	vld [tilespmem:s0+$0xFFFFFFA0]  }
0x127: {  	v16 =	vld [tilespmem:s0+$0xFFFFFF60];
	v18 =	vadd.f32 v8, v18  }
0x128: {  	v11 =	vld [tilespmem:s0+$0xFFFFFFB0]  }
0x129: {  	v13 =	vld [tilespmem:s0+$0xFFFFFF90];
	v24 =	vperm.xlane v18, v1  }
0x12a: {  	v14 =	vld [tilespmem:s0+$0xFFFFFF80]  }
0x12b: {  	s14 =	sadd.s32 $0x100, s29;
	v15 =	vld [tilespmem:s0+$0xFFFFFF70];
	v18 =	vadd.f32 v18, v24  }
0x12c: {  	s2 =	simm.s32 $0x1;
	s8 =	simm.s32 $0x2;
	s13 =	simm.s32 $0x0;
	v8 =	vimm.f32 $0.0e+00;
	v24 =	vld [tilespmem:s14+$0xFFFFFF10]  }
.LBB2_8:
0x12d: {  	p1 =	sne.s32 s8, $0xF;
	v25 =	vld [tilespmem:s7+$0xFFFFFF20];
	v26 =	vperm.xlane v18, v2  }
0x12e: {  	v27 =	vld [tilespmem:s14+$0xFFFFFF20]  }
0x12f: {  	v28 =	vld [tilespmem:s14+$0xFFFFFF30];
	v18 =	vadd.f32 v18, v26  }
0x130: {  	v26 =	vld [tilespmem:s0+$0xFFFFFF20]  }
0x131: {  	v23 =	vmul.f32 v24, v23;
	v24 =	vld [tilespmem:s7+$0xFFFFFF40];
	v29 =	vperm.xlane v18, v4  }
0x132: {  	v31 =	vmov s13;
	s13 =	smov.u32 s2;
	s2 =	smov.u32 s8;
	v30 =	vld [tilespmem:s14+$0xFFFFFF40]  }
0x133: {  	v22 =	vmul.f32 v22, v23;
	v23 =	vmul.f32 v27, v25;
	v25 =	vld [tilespmem:s7+$0xFFFFFF50];
	v18 =	vadd.f32 v18, v29  }
0x134: {  	vm0 =	veq.s32 v31, v3;
	v21 =	vmul.f32 v28, v21;
	v27 =	vld [tilespmem:s14+$0xFFFFFF50]  }
0x135: {  	v22 =	vadd.f32 $0.0e+00, v22;
	v23 =	vmul.f32 v26, v23;
	v26 =	vld [tilespmem:s7+$0xFFFFFF60];
	v8 =	vsel vm0, v18, v8  }
0x136: {  	v18 =	vld [tilespmem:s14+$0xFFFFFF60]  }
0x137: {  	v20 =	vmul.f32 v20, v21;
	v22 =	vadd.f32 v23, v22;
	v21 =	vmul.f32 v30, v24;
	v23 =	vld [tilespmem:s7+$0xFFFFFF70]  }
0x138: {  	v24 =	vld [tilespmem:s14+$0xFFFFFF70]  }
0x139: {  	v20 =	vadd.f32 v20, v22;
	v19 =	vmul.f32 v19, v21;
	v21 =	vmul.f32 v27, v25;
	v22 =	vld [tilespmem:s7+$0xFFFFFF80]  }
0x13a: {  	v25 =	vld [tilespmem:s14+$0xFFFFFF80]  }
0x13b: {  	v19 =	vadd.f32 v19, v20;
	v17 =	vmul.f32 v17, v21;
	v18 =	vmul.f32 v18, v26;
	v20 =	vld [tilespmem:s7+$0xFFFFFF90]  }
0x13c: {  	v21 =	vld [tilespmem:s14+$0xFFFFFF90]  }
0x13d: {  	v17 =	vadd.f32 v17, v19;
	v16 =	vmul.f32 v16, v18;
	v18 =	vmul.f32 v24, v23;
	v19 =	vld [tilespmem:s7+$0xFFFFFFA0]  }
0x13e: {  	v23 =	vld [tilespmem:s14+$0xFFFFFFA0]  }
0x13f: {  	v16 =	vadd.f32 v16, v17;
	v15 =	vmul.f32 v15, v18;
	v17 =	vmul.f32 v25, v22;
	v18 =	vld [tilespmem:s7+$0xFFFFFFB0]  }
0x140: {  	v22 =	vld [tilespmem:s14+$0xFFFFFFB0]  }
0x141: {  	v15 =	vadd.f32 v15, v16;
	v14 =	vmul.f32 v14, v17;
	v16 =	vmul.f32 v21, v20;
	v17 =	vld [tilespmem:s7+$0xFFFFFFC0]  }
0x142: {  	v20 =	vld [tilespmem:s14+$0xFFFFFFC0]  }
0x143: {  	v14 =	vadd.f32 v14, v15;
	v13 =	vmul.f32 v13, v16;
	v15 =	vmul.f32 v23, v19;
	v16 =	vld [tilespmem:s7+$0xFFFFFFD0]  }
0x144: {  	v19 =	vld [tilespmem:s14+$0xFFFFFFD0]  }
0x145: {  	v13 =	vadd.f32 v13, v14;
	v12 =	vmul.f32 v12, v15;
	v14 =	vmul.f32 v22, v18;
	v15 =	vld [tilespmem:s7+$0xFFFFFFE0]  }
0x146: {  	v18 =	vld [tilespmem:s14+$0xFFFFFFE0]  }
0x147: {  	v12 =	vadd.f32 v12, v13;
	v11 =	vmul.f32 v11, v14;
	v13 =	vmul.f32 v20, v17;
	v14 =	vld [tilespmem:s7+$0xFFFFFFF0]  }
0x148: {  	v17 =	vld [tilespmem:s14+$0xFFFFFFF0]  }
0x149: {  	v11 =	vadd.f32 v11, v12;
	v10 =	vmul.f32 v10, v13;
	v12 =	vmul.f32 v19, v16;
	v13 =	vld [tilespmem:s7+$0x0]  }
0x14a: {  	v16 =	vld [tilespmem:s14+$0x0]  }
0x14b: {  	v10 =	vadd.f32 v10, v11;
	v9 =	vmul.f32 v9, v12;
	v11 =	vmul.f32 v18, v15;
	v15 =	vld [tilespmem:s0+$0x0];
	s0 =	sadd.s32 $0x100, s0  }
0x14c: {  	v18 =	vld [tilespmem:s0+$0xFFFFFFF0]  }
0x14d: {  	v12 =	vadd.f32 v9, v10;
	v11 =	vmul.f32 v6, v11;
	v6 =	vld [tilespmem:s0+$0xFFFFFFE0];
	v14 =	vmul.f32 v17, v14  }
0x14e: {  	v9 =	vld [tilespmem:s0+$0xFFFFFFD0]  }
0x14f: {  	v10 =	vld [tilespmem:s0+$0xFFFFFFC0];
	v17 =	vadd.f32 v11, v12;
	v14 =	vmul.f32 v7, v14;
	v13 =	vmul.f32 v16, v13  }
0x150: {  	v11 =	vld [tilespmem:s0+$0xFFFFFFB0]  }
0x151: {  	v12 =	vld [tilespmem:s0+$0xFFFFFFA0];
	v16 =	vadd.f32 v14, v17;
	v15 =	vmul.f32 v15, v13;
	v7 =	vmov v18  }
0x152: {  	v13 =	vld [tilespmem:s0+$0xFFFFFF90]  }
0x153: {  	v14 =	vld [tilespmem:s0+$0xFFFFFF80];
	v18 =	vadd.f32 v15, v16  }
0x154: {  	v15 =	vld [tilespmem:s0+$0xFFFFFF70]  }
0x155: {  	v16 =	vld [tilespmem:s0+$0xFFFFFF60];
	v20 =	vperm.xlane v18, v0  }
0x156: {  	v17 =	vld [tilespmem:s0+$0xFFFFFF50]  }
0x157: {  	v19 =	vld [tilespmem:s0+$0xFFFFFF40];
	v18 =	vadd.f32 v18, v20  }
.Ltmp2:
0x158: {  	s7 =	sadd.s32 $0x100, s7;
	v20 =	vld [tilespmem:s0+$0xFFFFFF30];
	(pc) =	sbr.rel @p1 .LBB2_8-.Ltmp2, $4  }
0x159: {  	v21 =	vld [tilespmem:s7+$0xFFFFFF30];
	v24 =	vperm.xlane v18, v1  }
0x15a: {  	v22 =	vld [tilespmem:s0+$0xFFFFFF10]  }
0x15b: {  	s14 =	sadd.s32 $0x100, s14;
	v23 =	vld [tilespmem:s7+$0xFFFFFF10];
	v18 =	vadd.f32 v18, v24  }
0x15c: {  	s8 =	sadd.s32 $0x1, s8;
	v24 =	vld [tilespmem:s14+$0xFFFFFF10]  }
0x15d: {  	v25 =	vld [tilespmem:s7+$0xFFFFFF20]  }
0x15e: {  	v26 =	vld [tilespmem:s14+$0xFFFFFF20]  }
0x15f: {  	v27 =	vld [tilespmem:s14+$0xFFFFFF30]  }
0x160: {  	v28 =	vld [tilespmem:s0+$0xFFFFFF20]  }
0x161: {  	v54 =	vld [tilespmem:s7+$0xFFFFFF40];
	v23 =	vmul.f32 v24, v23  }
0x162: {  	v29 =	vld [tilespmem:s14+$0xFFFFFF40]  }
0x163: {  	v56 =	vld [tilespmem:s7+$0xFFFFFF50];
	v55 =	vmul.f32 v26, v25;
	v22 =	vmul.f32 v22, v23  }
0x164: {  	v57 =	vld [tilespmem:s14+$0xFFFFFF50]  }
0x165: {  	v58 =	vld [tilespmem:s7+$0xFFFFFF60];
	v21 =	vmul.f32 v27, v21;
	v23 =	vmul.f32 v28, v55;
	v22 =	vadd.f32 $0.0e+00, v22  }
0x166: {  	v59 =	vld [tilespmem:s14+$0xFFFFFF60]  }
0x167: {  	v61 =	vld [tilespmem:s7+$0xFFFFFF70];
	v60 =	vmul.f32 v29, v54;
	v20 =	vmul.f32 v20, v21;
	v22 =	vadd.f32 v23, v22  }
0x168: {  	v62 =	vld [tilespmem:s14+$0xFFFFFF70]  }
0x169: {  	v30 =	vld [tilespmem:s14+$0xFFFFFF80];
	v63 =	vmul.f32 v57, v56;
	v19 =	vmul.f32 v19, v60;
	v20 =	vadd.f32 v20, v22  }
0x16a: {  	v29 =	vld [tilespmem:s7+$0xFFFFFF80]  }
0x16b: {  	v32 =	vld [tilespmem:s7+$0xFFFFFF90];
	v31 =	vmul.f32 v59, v58;
	v17 =	vmul.f32 v17, v63;
	v19 =	vadd.f32 v19, v20  }
0x16c: {  	v33 =	vld [tilespmem:s14+$0xFFFFFF90]  }
0x16d: {  	v35 =	vld [tilespmem:s7+$0xFFFFFFA0];
	v34 =	vmul.f32 v62, v61;
	v16 =	vmul.f32 v16, v31;
	v17 =	vadd.f32 v17, v19  }
0x16e: {  	v36 =	vld [tilespmem:s14+$0xFFFFFFA0]  }
0x16f: {  	v38 =	vld [tilespmem:s7+$0xFFFFFFB0];
	v15 =	vmul.f32 v15, v34;
	v37 =	vmul.f32 v30, v29;
	v16 =	vadd.f32 v16, v17  }
0x170: {  	v39 =	vld [tilespmem:s14+$0xFFFFFFB0]  }
0x171: {  	v41 =	vld [tilespmem:s7+$0xFFFFFFC0];
	v40 =	vmul.f32 v33, v32;
	v14 =	vmul.f32 v14, v37;
	v15 =	vadd.f32 v15, v16  }
0x172: {  	v42 =	vld [tilespmem:s14+$0xFFFFFFC0]  }
0x173: {  	v44 =	vld [tilespmem:s7+$0xFFFFFFD0];
	v43 =	vmul.f32 v36, v35;
	v13 =	vmul.f32 v13, v40;
	v14 =	vadd.f32 v14, v15  }
0x174: {  	v45 =	vld [tilespmem:s14+$0xFFFFFFD0]  }
0x175: {  	v47 =	vld [tilespmem:s7+$0xFFFFFFE0];
	v46 =	vmul.f32 v39, v38;
	v12 =	vmul.f32 v12, v43;
	v13 =	vadd.f32 v13, v14  }
0x176: {  	v48 =	vld [tilespmem:s14+$0xFFFFFFE0]  }
0x177: {  	v50 =	vld [tilespmem:s7+$0xFFFFFFF0];
	v49 =	vmul.f32 v42, v41;
	v11 =	vmul.f32 v11, v46;
	v12 =	vadd.f32 v12, v13  }
0x178: {  	v51 =	vld [tilespmem:s14+$0xFFFFFFF0]  }
0x179: {  	v53 =	vld [tilespmem:s7+$0x0];
	v52 =	vmul.f32 v45, v44;
	v10 =	vmul.f32 v10, v49;
	v11 =	vadd.f32 v11, v12  }
0x17a: {  	v54 =	vld [tilespmem:s14+$0x0]  }
0x17b: {  	v9 =	vmul.f32 v9, v52;
	v55 =	vmul.f32 v48, v47;
	v10 =	vadd.f32 v10, v11  }
0x17c: {  	v56 =	vld [tilespmem:s0+$0x0]  }
0x17d: {  	v57 =	vmul.f32 v51, v50;
	v6 =	vmul.f32 v6, v55;
	v9 =	vadd.f32 v9, v10;
	_ =	sdelay $0x1  }
0x17e: {  	v7 =	vmul.f32 v7, v57;
	v58 =	vmul.f32 v54, v53;
	v6 =	vadd.f32 v6, v9;
	_ =	sdelay $0x1  }
0x17f: {  	v6 =	vadd.f32 v7, v6;
	v7 =	vmul.f32 v56, v58;
	_ =	sdelay $0x1  }
0x180: {  	v6 =	vadd.f32 v7, v6;
	_ =	sdelay $0x1  }
0x181: {  	v7 =	vperm.xlane v6, v0;
	_ =	sdelay $0x1  }
0x182: {  	v6 =	vadd.f32 v6, v7;
	_ =	sdelay $0x1  }
0x183: {  	v7 =	vperm.xlane v6, v1;
	_ =	sdelay $0x1  }
0x184: {  	v6 =	vadd.f32 v6, v7  }
0x185: {  	v7 =	vperm.xlane v18, v2  }
0x186: {  	v59 =	vperm.xlane v6, v2  }
0x187: {  	v7 =	vadd.f32 v18, v7  }
0x188: {  	v6 =	vadd.f32 v6, v59  }
0x189: {  	s31 =	sshll.u32 s26, $0x4;
	s26 =	sadd.s32 $0x1, s26;
	v60 =	vperm.xlane v7, v4  }
0x18a: {  	p1 =	sne.s32 s26, $0x3;
	v61 =	vperm.xlane v6, v4  }
.Ltmp3:
0x18b: {  	v62 =	vmov s13;
	v7 =	vadd.f32 v7, v60;
	(pc) =	sbr.rel @p1 .LBB2_7-.Ltmp3, $4  }
0x18c: {  	vm0 =	veq.s32 v62, v3;
	v63 =	vmov s2;
	v6 =	vadd.f32 v6, v61  }
0x18d: {  	vm15 =	veq.s32 v63, v3;
	v7 =	vsel vm0, v7, v8  }
0x18e: {  	s0 =	sand.u32 $0x3FFFFFF0, s31;
	v6 =	vsel vm15, v6, v7  }
0x18f: {  	s28 =	sadd.s32 $0x1000, s28;
	s29 =	sadd.s32 $0x1000, s29;
	s30 =	sadd.s32 $0x1000, s30;
	[tilespmem:v5+s0+$0x0 ss:$0x1] =	vst.idx.msk $0xffff, v6  }
0x190: {  	s25 =	sadd.s32 $0x1, s25  }
0x191: {  	p1 =	sne.s32 s25, s5  }
.Ltmp4:
0x192: {  	_ = 	snop;
	(pc) =	sbr.rel @p1 .LBB2_2-.Ltmp4, $1  }
0x193: {  	_ =	sdelay $0x3  }
0x194: {  	_ =	swait.ge [sflag:s22], $0x3000  }
0x195: {  	[sflag:s22] =	ssyncset.done $0x0  }
0x196: {  	[sflag:s22] =	ssyncadd.s32 $0xFFFFD000  }
0x197: {  	_ =	swait.ge [sflag:s22], $0x3000  }
0x198: {  	[sflag:s22] =	ssyncset.done $0x0  }
0x199: {  	[sflag:s22] =	ssyncadd.s32 $0xFFFFD000  }
0x19a: {  	_ =	swait.ge [sflag:s22], $0x3000  }
0x19b: {  	[sflag:s22] =	ssyncset.done $0x0  }
0x19c: {  	s0 =	simm.s32 @p0 $0x0;
	s2 =	simm.s32 @p0 $0x15DE0;
	[sflag:s22] =	ssyncadd.s32 $0xFFFFD000  }
0x19d: {  	[hbm4b:s10+s0] =	stream.linear.scatter @p0 [tilespmem:s2], [sflag:$0x3], $0x14A0, $0x38;
	[tilespmem:$0x17280] =	vst v63  }
0x19e: {  	s0 =	simm.s32 @p0 $0x3  }
0x19f: {  	s24 =	sadd.s32 $0x1, s24;
	_ =	swait.ge @p0 [sflag:s0], $0x14A0  }
0x1a0: {  	p1 =	sne.s32 s24, s11;
	[sflag:s0] =	ssyncset.done @p0 $0x0  }
0x1a1: {  	s2 =	simm.s32 @!p0 $0x15DE0;
	[sflag:s0] =	ssyncadd.s32 @p0 $0xFFFFEB60;
	s0 =	simm.s32 @!p0 $0x0  }
0x1a2: {  	[hbm4b:s10+s0] =	stream.linear.scatter @!p0 [tilespmem:s2], [sflag:$0x3], $0x12C0, $0x38;
	[tilespmem:$0x17280] =	vst v63  }
.Ltmp5:
0x1a3: {  	_ = 	snop;
	(pc) =	sbr.rel @p1 .LBB2_1-.Ltmp5, $4  }
0x1a4: {  	s0 =	simm.s32 @!p0 $0x3  }
0x1a5: {  	_ =	swait.ge @!p0 [sflag:s0], $0x12C0  }
0x1a6: {  	[sflag:s0] =	ssyncset.done @!p0 $0x0  }
0x1a7: {  	[sflag:s0] =	ssyncadd.s32 @!p0 $0xFFFFED40  }
0x1a8: {  	_ =	sfence.sel $0x180000  }
0x1a9: {  	[bflag:$0x0] =	sbarrier.arrive $0xFFFF  }
0x1aa: {  	_ =	strace $0x90000047  }
0x1ab: {  	s0 =	stileid.u32;
	[bflag:$0x2] =	sbarrier.arrive $0xFFFF  }
0x1ac: {  	p0 =	sne.s32 s0, $0x0;
	s0 =	rddreg [dreg:$0x5]  }
0x1ad: {  	s0 =	sadd.s32 @!p0 $0x100000, s0  }
0x1ae: {  	[sflag:s0] =	ssyncadd.tile.s32 @!p0 $0x1;
	_ =	shalt  }
.Lfunc_end2:
_tile_overlayer_lowered:
.L_overlay_start_2:
0x1af: {  	(tag) =	ssettag $0x2  }
0x1b0: {  	s0 =	rddreg [dreg:$0x0];
	s2 =	stileid.u32  }
0x1b1: {  	s1 =	rddreg [dreg:$0x1];
	p0 =	sne.s32 s2, $0x0  }
0x1b2: {  	s3 =	rddreg [dreg:$0x2];
	[bflag:$0x3] =	sbarrier.arrive $0xFFFF;
	s2 =	simm.s32 @!p0 $0x1C03  }
0x1b3: {  	[timem:s3], [sflag:s2] =	dma.local @!p0 [hbm:s0], s1  }
0x1b4: {  	s0 =	simm.s32 @!p0 $0x3  }
0x1b5: {  	_ =	swait.ge @!p0 [sflag:s0], s1  }
0x1b6: {  	s1 =	ssub.s32 @!p0 $0x0, s1;
	[sflag:s0] =	ssyncset.done @!p0 $0x0  }
0x1b7: {  	[sflag:s0] =	ssyncadd.s32 @!p0 s1  }
0x1b8: {  	[bflag:$0x3] =	sbarrier.arrive $0xFFFF  }
0x1b9: {  	_ =	shalt  }

</sc_bundles>
